<compile_context>
chip_gen: v7x
topology: tpu7x:2x2x1
jax: 0.10.2.dev20260603
libtpu: 0.0.44.dev20260713+nightly
codegen_flags: <defaults>
</compile_context>

<pallas_src>
import functools

import jax
import jax.numpy as jnp
from jax import lax
from jax.experimental import pallas as pl
from jax.experimental.pallas import tpu as pltpu
from jax.experimental.pallas import tpu_sc as plsc

N = 10000
E = 320000
D = 128
H = 128

NC = 2
NS = 16
N_PAD = 10240
CH = 80

EPT_A = E // (NC * NS)
CH_A = 128
NCH_A = EPT_A // CH_A
TAIL_A = EPT_A - NCH_A * CH_A
RPT_A = N_PAD // (NC * NS)
EPT_C = E // NS
CH_C = 128
NCH_C = EPT_C // CH_C
TAIL_C = EPT_C - NCH_C * CH_C
ROWS_OUT = N_PAD // NS

_mesh = plsc.VectorSubcoreMesh(core_axis_name="c", subcore_axis_name="s",
                               num_cores=NC, num_subcores=NS)


@functools.partial(
    pl.kernel,
    out_type=(
        jax.ShapeDtypeStruct((NC * N_PAD, D), jnp.float32),
        jax.ShapeDtypeStruct((N_PAD, D), jnp.float32),
    ),
    mesh=_mesh,
    scratch_types=[
        pltpu.VMEM((CH_A,), jnp.int32),
        pltpu.VMEM((CH_A,), jnp.int32),
        pltpu.VMEM((CH_A, D), jnp.float32),
        pltpu.VMEM((TAIL_A,), jnp.int32),
        pltpu.VMEM((CH,), jnp.int32),
        pltpu.VMEM((CH, D), jnp.float32),
        pltpu.VMEM_SHARED((N_PAD, D), jnp.float32),
        pltpu.SemaphoreType.DMA,
        pltpu.SemaphoreType.DMA,
        pltpu.SemaphoreType.DMA,
        pltpu.SemaphoreType.DMA,
    ],
)
def _sc_hist_perm(dst_hbm, perm_hbm, x_hbm, ones_hbm, zerosD_hbm,
                  hist_out, xp_out,
                  didx0, didx1, ones_v, tidx, pidx, rows_v, hacc,
                  sem_i0, sem_i1, sem_p, sem_g):
    c = lax.axis_index("c")
    s = lax.axis_index("s")
    w = c * NS + s

    pltpu.sync_copy(zerosD_hbm, hacc.at[pl.ds(s * ROWS_OUT, ROWS_OUT)])
    pltpu.sync_copy(ones_hbm, ones_v)
    plsc.subcore_barrier()

    base_e = w * EPT_A

    def issue_idx(k, buf, sem):
        pltpu.async_copy(dst_hbm.at[pl.ds(base_e + k * CH_A, CH_A)], buf, sem)

    def wait_idx(buf, sem):
        pltpu.make_async_copy(dst_hbm.at[pl.ds(0, CH_A)], buf, sem).wait()

    issue_idx(0, didx0, sem_i0)
    issue_idx(1, didx1, sem_i1)

    def body(j, carry):
        k0 = 2 * j
        wait_idx(didx0, sem_i0)
        pltpu.sync_copy(ones_v, hacc.at[didx0], add=True)

        @pl.when(k0 + 2 < NCH_A)
        def _():
            issue_idx(k0 + 2, didx0, sem_i0)

        wait_idx(didx1, sem_i1)
        pltpu.sync_copy(ones_v, hacc.at[didx1], add=True)

        @pl.when(k0 + 3 < NCH_A)
        def _():
            issue_idx(k0 + 3, didx1, sem_i1)

        return carry

    lax.fori_loop(0, NCH_A // 2, body, 0)
    pltpu.async_copy(dst_hbm.at[pl.ds(base_e + NCH_A * CH_A, TAIL_A)],
                     tidx, sem_i0).wait()
    pltpu.sync_copy(ones_v.at[pl.ds(0, TAIL_A)], hacc.at[tidx], add=True)

    def pbody(q, carry):
        rbase = w * RPT_A + q * CH
        pltpu.async_copy(perm_hbm.at[pl.ds(rbase, CH)], pidx, sem_p).wait()
        pltpu.async_copy(x_hbm.at[pidx], rows_v, sem_g).wait()
        pltpu.sync_copy(rows_v, xp_out.at[pl.ds(rbase, CH)])
        return carry

    lax.fori_loop(0, RPT_A // CH, pbody, 0)

    plsc.subcore_barrier()
    pltpu.sync_copy(hacc.at[pl.ds(s * ROWS_OUT, ROWS_OUT)],
                    hist_out.at[pl.ds(c * N_PAD + s * ROWS_OUT, ROWS_OUT)])


@functools.partial(
    pl.kernel,
    out_type=jax.ShapeDtypeStruct((NC * N_PAD, D), jnp.float32),
    mesh=_mesh,
    scratch_types=[
        pltpu.VMEM((4, CH_C), jnp.int32),
        pltpu.VMEM((4, CH_C), jnp.int32),
        pltpu.VMEM((CH_C, D), jnp.float32),
        pltpu.VMEM((CH_C, D), jnp.float32),
        pltpu.VMEM((TAIL_C,), jnp.int32),
        pltpu.VMEM((TAIL_C,), jnp.int32),
        pltpu.VMEM((TAIL_C, D), jnp.float32),
        pltpu.VMEM_SHARED((N_PAD, D), jnp.float32),
        pltpu.SemaphoreType.DMA,
        pltpu.SemaphoreType.DMA,
        pltpu.SemaphoreType.DMA,
        pltpu.SemaphoreType.DMA,
        pltpu.SemaphoreType.DMA,
        pltpu.SemaphoreType.DMA,
        pltpu.SemaphoreType.DMA,
        pltpu.SemaphoreType.DMA,
    ],
)
def _sc_aggregate(src2_hbm, dst_hbm, t_hbm, zeros_hbm, g_out,
                  sidx, didx, rows0, rows1,
                  sidxT, didxT, rowsT, acc,
                  sem_i0, sem_i1, sem_i2, sem_i3,
                  sem_g0, sem_g1, sem_c0, sem_c1):
    c = lax.axis_index("c")
    s = lax.axis_index("s")

    rows = (rows0, rows1)
    sem_i = (sem_i0, sem_i1, sem_i2, sem_i3)
    sem_g = (sem_g0, sem_g1)
    sem_c = (sem_c0, sem_c1)

    pltpu.sync_copy(zeros_hbm, acc.at[pl.ds(s * ROWS_OUT, ROWS_OUT)])
    plsc.subcore_barrier()

    base_e = s * EPT_C
    src_off = c * E

    def issue_idx(k, m4):
        pltpu.async_copy(src2_hbm.at[pl.ds(src_off + base_e + k * CH_C, CH_C)],
                         sidx.at[m4], sem_i[m4])
        pltpu.async_copy(dst_hbm.at[pl.ds(base_e + k * CH_C, CH_C)],
                         didx.at[m4], sem_i[m4])

    def wait_idx(m4):
        pltpu.make_async_copy(dst_hbm.at[pl.ds(0, CH_C)], sidx.at[m4],
                              sem_i[m4]).wait()
        pltpu.make_async_copy(dst_hbm.at[pl.ds(0, CH_C)], didx.at[m4],
                              sem_i[m4]).wait()

    def issue_gather(m4, m2):
        pltpu.async_copy(t_hbm.at[sidx.at[m4]], rows[m2], sem_g[m2])

    def wait_gather(m2):
        pltpu.make_async_copy(t_hbm.at[pl.ds(0, CH_C)], rows[m2],
                              sem_g[m2]).wait()

    def issue_scatter(m4, m2):
        pltpu.async_copy(rows[m2], acc.at[didx.at[m4]], sem_c[m2], add=True)

    def wait_scatter(m4, m2):
        pltpu.make_async_copy(rows[m2], acc.at[didx.at[m4]], sem_c[m2]).wait()

    issue_idx(0, 0)
    issue_idx(1, 1)
    issue_idx(2, 2)
    wait_idx(0)
    issue_gather(0, 0)

    def body(j, carry):
        k0 = 4 * j
        for m in range(4):
            k = k0 + m
            m2 = m % 2
            wait_gather(m2)
            issue_scatter(m, m2)

            @pl.when(k >= 1)
            def _():
                wait_scatter((m + 3) % 4, (m2 + 1) % 2)

            @pl.when(k + 1 < NCH_C)
            def _():
                wait_idx((m + 1) % 4)
                issue_gather((m + 1) % 4, (m2 + 1) % 2)

            @pl.when(k + 3 < NCH_C)
            def _():
                issue_idx(k + 3, (m + 3) % 4)

        return carry

    lax.fori_loop(0, NCH_C // 4, body, 0)
    wait_scatter((NCH_C - 1) % 4, (NCH_C - 1) % 2)

    tbase = base_e + NCH_C * CH_C
    pltpu.async_copy(src2_hbm.at[pl.ds(src_off + tbase, TAIL_C)], sidxT, sem_i0)
    pltpu.async_copy(dst_hbm.at[pl.ds(tbase, TAIL_C)], didxT, sem_i0)
    pltpu.make_async_copy(dst_hbm.at[pl.ds(0, TAIL_C)], sidxT, sem_i0).wait()
    pltpu.make_async_copy(dst_hbm.at[pl.ds(0, TAIL_C)], didxT, sem_i0).wait()
    pltpu.async_copy(t_hbm.at[sidxT], rowsT, sem_g0).wait()
    pltpu.sync_copy(rowsT, acc.at[didxT], add=True)

    plsc.subcore_barrier()
    pltpu.sync_copy(acc.at[pl.ds(s * ROWS_OUT, ROWS_OUT)],
                    g_out.at[pl.ds(c * N_PAD + s * ROWS_OUT, ROWS_OUT)])


def _tc_prep_body(hist_ref, x_ref, xp_ref, t_ref, nf_ref):
    deg = hist_ref[0:N, :] + hist_ref[N_PAD:N_PAD + N, :] + 1.0
    nf = lax.rsqrt(deg)
    nf_ref[...] = nf
    t_ref[0:N, :] = x_ref[...] * nf
    t_ref[N:2 * N, :] = xp_ref[0:N, :] * nf


_tc_prep = pl.pallas_call(
    _tc_prep_body,
    out_shape=(
        jax.ShapeDtypeStruct((2 * N, D), jnp.float32),
        jax.ShapeDtypeStruct((N, D), jnp.float32),
    ),
)


def _tc_layer1_body(g_ref, t_ref, nf_ref, W1_ref, b1_ref, t2_ref):
    nf = nf_ref[...]
    for i in (0, 1):
        u = nf * (g_ref[i * N_PAD:i * N_PAD + N, :] + t_ref[i * N:(i + 1) * N, :])
        h = jnp.dot(u, W1_ref[...], preferred_element_type=jnp.float32)
        h = jnp.maximum(h + b1_ref[...], 0.0)
        t2_ref[i * N:(i + 1) * N, :] = h * nf


_tc_layer1 = pl.pallas_call(
    _tc_layer1_body,
    out_shape=jax.ShapeDtypeStruct((2 * N, D), jnp.float32),
)


def _tc_final_body(g_ref, t2_ref, nf_ref, W2_ref, b2_ref, w_ref, out_ref):
    nf = nf_ref[...]
    u = nf * (g_ref[0:N, :] + t2_ref[0:N, :])
    z_pos = jnp.dot(u, W2_ref[...], preferred_element_type=jnp.float32) + b2_ref[...]
    u = nf * (g_ref[N_PAD:N_PAD + N, :] + t2_ref[N:2 * N, :])
    z_neg = jnp.dot(u, W2_ref[...], preferred_element_type=jnp.float32) + b2_ref[...]

    summary = jax.nn.sigmoid(jnp.mean(z_pos, axis=0, keepdims=True))

    zw = jnp.dot(z_pos, w_ref[...], preferred_element_type=jnp.float32)
    v_pos = jnp.sum(zw * summary, axis=1, keepdims=True)
    zw = jnp.dot(z_neg, w_ref[...], preferred_element_type=jnp.float32)
    v_neg = jnp.sum(zw * summary, axis=1, keepdims=True)

    pos_loss = -jnp.mean(jnp.log(jax.nn.sigmoid(v_pos) + 1e-15))
    neg_loss = -jnp.mean(jnp.log(1.0 - jax.nn.sigmoid(v_neg) + 1e-15))
    out_ref[...] = jnp.full((1, 1), pos_loss + neg_loss, jnp.float32)


_tc_final = pl.pallas_call(
    _tc_final_body,
    out_shape=jax.ShapeDtypeStruct((1, 1), jnp.float32),
)


def kernel(x, edge_index, batch, perm, W1, b1, W2, b2, w):
    del batch
    src = edge_index[0].astype(jnp.int32)
    dst = edge_index[1].astype(jnp.int32)
    src2 = jnp.concatenate([src, src + N])
    perm_pad = jnp.concatenate(
        [perm.astype(jnp.int32), jnp.zeros((N_PAD - N,), jnp.int32)])
    onesD = jnp.ones((CH_A, D), jnp.float32)
    zerosD = jnp.zeros((ROWS_OUT, D), jnp.float32)

    hist, xp = _sc_hist_perm(dst, perm_pad, x, onesD, zerosD)
    t1, nf = _tc_prep(hist, x, xp)
    g1 = _sc_aggregate(src2, dst, t1, zerosD)
    t2 = _tc_layer1(g1, t1, nf, W1, b1.reshape(1, H))
    g2 = _sc_aggregate(src2, dst, t2, zerosD)
    loss = _tc_final(g2, t2, nf, W2, b2.reshape(1, H), w)
    return loss[0, 0]

# --- scband reference (transcript-rebuilt; emitter-appended) ---
"""Pipeline reference for scband-deep-graph-infomax-34110630265409 (READ-ONLY COPY).

The authoritative reference and input builder live on the scoring server;
editing this copy changes nothing except your own understanding.
"""

import jax, jax.numpy as jnp
import numpy as np

N = 10000
E = 320000
D = 128
H = 128


def setup_inputs(seed: int = 0) -> dict:
    key = jax.random.key(seed)
    ks = jax.random.split(key, 8)
    x = jax.random.normal(ks[0], (N, D), dtype=jnp.float32)
    edge_index = jax.random.randint(ks[1], (2, E), 0, N)
    batch = jnp.zeros((N,), dtype=jnp.int32)
    perm = jax.random.permutation(ks[2], N)
    W1 = jax.random.normal(ks[3], (D, H), dtype=jnp.float32) * (1.0 / np.sqrt(D))
    b1 = jnp.zeros((H,), dtype=jnp.float32)
    W2 = jax.random.normal(ks[4], (H, H), dtype=jnp.float32) * (1.0 / np.sqrt(H))
    b2 = jnp.zeros((H,), dtype=jnp.float32)
    bound = 1.0 / np.sqrt(H)
    w = jax.random.uniform(ks[5], (H, H), minval=-bound, maxval=bound, dtype=jnp.float32)
    return {"x": x, "edge_index": edge_index, "batch": batch, "perm": perm,
            "W1": W1, "b1": b1, "W2": W2, "b2": b2, "w": w}


def _gcn_layer(h_in, src, dst, W, b):
    h = h_in @ W
    ones_e = jnp.ones((src.shape[0],), dtype=h.dtype)
    deg = jax.ops.segment_sum(ones_e, dst, num_segments=N) + 1.0  # self-loops
    norm = jax.lax.rsqrt(deg)
    coef = (norm[src] * norm[dst])[:, None]
    agg = jax.ops.segment_sum(h[src] * coef, dst, num_segments=N)
    agg = agg + h * (norm * norm)[:, None]  # self-loop contribution
    return agg + b


def reference(x, edge_index, batch, perm, W1, b1, W2, b2, w):
    src = edge_index[0]
    dst = edge_index[1]

    def gnn(h0):
        h = _gcn_layer(h0, src, dst, W1, b1)
        h = jax.nn.relu(h)
        h = _gcn_layer(h, src, dst, W2, b2)
        return h

    def discriminate(z, summary):
        s = summary[None, :][batch]  # per-graph summary gathered per node
        value = jnp.sum((z @ w) * s, axis=1)
        return jax.nn.sigmoid(value)

    pos_z = gnn(x)
    summary = jax.nn.sigmoid(jnp.mean(pos_z, axis=0))
    corrupted_x = x[perm]
    neg_z = gnn(corrupted_x)
    pos_loss = -jnp.log(discriminate(pos_z, summary) + 1e-15).mean()
    neg_loss = -jnp.log(1.0 - discriminate(neg_z, summary) + 1e-15).mean()
    return pos_loss + neg_loss

if __name__ == "__main__":
    import jax
    _d = setup_inputs()
    print(jax.jit(kernel)(*tuple(_d.values())))

</pallas_src>

<mosaic_0001>
#map = affine_map<(d0, d1) -> (0)>
#map1 = affine_map<(d0, d1) -> (0, 0)>
module attributes {stable_mosaic.version = 14 : i64} {
  func.func @_sc_aggregate(%arg0: i32, %arg1: i32, %arg2: memref<640000xi32, #tpu.memory_space<hbm>>, %arg3: memref<320000xi32, #tpu.memory_space<hbm>>, %arg4: memref<20000x128xf32, #tpu.memory_space<hbm>>, %arg5: memref<640x128xf32, #tpu.memory_space<hbm>>, %arg6: memref<20480x128xf32, #tpu.memory_space<hbm>>, %arg7: memref<4x128xi32, #tpu.memory_space<vmem>>, %arg8: memref<4x128xi32, #tpu.memory_space<vmem>>, %arg9: memref<128x128xf32, #tpu.memory_space<vmem>>, %arg10: memref<128x128xf32, #tpu.memory_space<vmem>>, %arg11: memref<32xi32, #tpu.memory_space<vmem>>, %arg12: memref<32xi32, #tpu.memory_space<vmem>>, %arg13: memref<32x128xf32, #tpu.memory_space<vmem>>, %arg14: memref<10240x128xf32, #tpu.memory_space<vmem_shared>>, %arg15: memref<!tpu.dma_semaphore, #tpu.memory_space<semaphore_mem>>, %arg16: memref<!tpu.dma_semaphore, #tpu.memory_space<semaphore_mem>>, %arg17: memref<!tpu.dma_semaphore, #tpu.memory_space<semaphore_mem>>, %arg18: memref<!tpu.dma_semaphore, #tpu.memory_space<semaphore_mem>>, %arg19: memref<!tpu.dma_semaphore, #tpu.memory_space<semaphore_mem>>, %arg20: memref<!tpu.dma_semaphore, #tpu.memory_space<semaphore_mem>>, %arg21: memref<!tpu.dma_semaphore, #tpu.memory_space<semaphore_mem>>, %arg22: memref<!tpu.dma_semaphore, #tpu.memory_space<semaphore_mem>>) attributes {dimension_semantics = [#tpu.dimension_semantics<core_parallel>, #tpu.dimension_semantics<subcore_parallel>], iteration_bounds = array<i64: 2, 16>, scalar_prefetch = 0 : i64, scratch_operands = 16 : i64, tpu.core_type = #tpu.core_type<sc_vector_subcore>, window_params = [{transform_indices = #map}, {transform_indices = #map}, {transform_indices = #map1}, {transform_indices = #map1}, {transform_indices = #map1}]} {
    %mul3A = arith.constant 640 : i32
    %mul3A_0 = arith.muli %arg1, %mul3A : i32
    "tpu.region"() ({
      %run_scoped3A = tpu.sem_alloc : memref<!tpu.dma_semaphore, #tpu.memory_space<semaphore_mem>>
      %dma_start3A_141 = arith.constant 0 : i32
      %dma_start3A_142 = tpu.memref_slice %arg14[%mul3A_0, %dma_start3A_141] : memref<10240x128xf32, #tpu.memory_space<vmem_shared>> -> memref<640x128xf32, #tpu.memory_space<vmem_shared>>
      tpu.enqueue_dma source(%arg5 : memref<640x128xf32, #tpu.memory_space<hbm>>) target(%dma_start3A_142 : memref<640x128xf32, #tpu.memory_space<vmem_shared>>) target_semaphore(%run_scoped3A : memref<!tpu.dma_semaphore, #tpu.memory_space<semaphore_mem>>)
      %dma_wait3A_143 = arith.constant 0 : i32
      %dma_wait3A_144 = tpu.memref_slice %arg14[%mul3A_0, %dma_wait3A_143] : memref<10240x128xf32, #tpu.memory_space<vmem_shared>> -> memref<640x128xf32, #tpu.memory_space<vmem_shared>>
      tpu.wait_dma2 semaphore(%run_scoped3A : memref<!tpu.dma_semaphore, #tpu.memory_space<semaphore_mem>>) src(%arg5 : memref<640x128xf32, #tpu.memory_space<hbm>>) dst(%dma_wait3A_144 : memref<640x128xf32, #tpu.memory_space<vmem_shared>>)
      tpu.yield
    }) : () -> ()
    %barrier3A = arith.constant 0 : index
    tpu.barrier barrier_id(%barrier3A)
    %mul3A_1 = arith.constant 20000 : i32
    %mul3A_2 = arith.muli %arg1, %mul3A_1 : i32
    %mul3A_3 = arith.constant 320000 : i32
    %mul3A_4 = arith.muli %arg0, %mul3A_3 : i32
    %add3A = arith.addi %mul3A_4, %mul3A_2 : i32
    %add3A_5 = arith.constant 0 : i32
    %add3A_6 = arith.addi %add3A, %add3A_5 : i32
    %dma_start3A = arith.constant 0 : i32
    %dma_start3A_7 = arith.constant 0 : i32
    %dma_start3A_8 = tpu.memref_slice %arg7[%dma_start3A, %dma_start3A_7] : memref<4x128xi32, #tpu.memory_space<vmem>> -> memref<1x128xi32, #tpu.memory_space<vmem>>
    %dma_start3A_9 = tpu.memref_squeeze %dma_start3A_8 : memref<1x128xi32, #tpu.memory_space<vmem>> -> memref<128xi32, #tpu.memory_space<vmem>>
    %dma_start3A_10 = tpu.memref_slice %arg2[%add3A_6] : memref<640000xi32, #tpu.memory_space<hbm>> -> memref<128xi32, #tpu.memory_space<hbm>>
    %dma_start3A_11 = arith.constant 0 : i32
    %dma_start3A_12 = tpu.memref_slice %arg7[%dma_start3A, %dma_start3A_11] : memref<4x128xi32, #tpu.memory_space<vmem>> -> memref<1x128xi32, #tpu.memory_space<vmem>>
    %dma_start3A_13 = tpu.memref_squeeze %dma_start3A_12 : memref<1x128xi32, #tpu.memory_space<vmem>> -> memref<128xi32, #tpu.memory_space<vmem>>
    %dma_start3A_14 = tpu.memref_slice %arg2[%add3A_6] : memref<640000xi32, #tpu.memory_space<hbm>> -> memref<128xi32, #tpu.memory_space<hbm>>
    tpu.enqueue_dma source(%dma_start3A_14 : memref<128xi32, #tpu.memory_space<hbm>>) target(%dma_start3A_13 : memref<128xi32, #tpu.memory_space<vmem>>) target_semaphore(%arg15 : memref<!tpu.dma_semaphore, #tpu.memory_space<semaphore_mem>>)
    %add3A_15 = arith.constant 0 : i32
    %add3A_16 = arith.addi %mul3A_2, %add3A_15 : i32
    %dma_start3A_17 = arith.constant 0 : i32
    %dma_start3A_18 = arith.constant 0 : i32
    %dma_start3A_19 = tpu.memref_slice %arg8[%dma_start3A_17, %dma_start3A_18] : memref<4x128xi32, #tpu.memory_space<vmem>> -> memref<1x128xi32, #tpu.memory_space<vmem>>
    %dma_start3A_20 = tpu.memref_squeeze %dma_start3A_19 : memref<1x128xi32, #tpu.memory_space<vmem>> -> memref<128xi32, #tpu.memory_space<vmem>>
    %dma_start3A_21 = tpu.memref_slice %arg3[%add3A_16] : memref<320000xi32, #tpu.memory_space<hbm>> -> memref<128xi32, #tpu.memory_space<hbm>>
    %dma_start3A_22 = arith.constant 0 : i32
    %dma_start3A_23 = tpu.memref_slice %arg8[%dma_start3A_17, %dma_start3A_22] : memref<4x128xi32, #tpu.memory_space<vmem>> -> memref<1x128xi32, #tpu.memory_space<vmem>>
    %dma_start3A_24 = tpu.memref_squeeze %dma_start3A_23 : memref<1x128xi32, #tpu.memory_space<vmem>> -> memref<128xi32, #tpu.memory_space<vmem>>
    %dma_start3A_25 = tpu.memref_slice %arg3[%add3A_16] : memref<320000xi32, #tpu.memory_space<hbm>> -> memref<128xi32, #tpu.memory_space<hbm>>
    tpu.enqueue_dma source(%dma_start3A_25 : memref<128xi32, #tpu.memory_space<hbm>>) target(%dma_start3A_24 : memref<128xi32, #tpu.memory_space<vmem>>) target_semaphore(%arg15 : memref<!tpu.dma_semaphore, #tpu.memory_space<semaphore_mem>>)
    %add3A_26 = arith.addi %mul3A_4, %mul3A_2 : i32
    %add3A_27 = arith.constant 128 : i32
    %add3A_28 = arith.addi %add3A_26, %add3A_27 : i32
    %dma_start3A_29 = arith.constant 1 : i32
    %dma_start3A_30 = arith.constant 0 : i32
    %dma_start3A_31 = tpu.memref_slice %arg7[%dma_start3A_29, %dma_start3A_30] : memref<4x128xi32, #tpu.memory_space<vmem>> -> memref<1x128xi32, #tpu.memory_space<vmem>>
    %dma_start3A_32 = tpu.memref_squeeze %dma_start3A_31 : memref<1x128xi32, #tpu.memory_space<vmem>> -> memref<128xi32, #tpu.memory_space<vmem>>
    %dma_start3A_33 = tpu.memref_slice %arg2[%add3A_28] : memref<640000xi32, #tpu.memory_space<hbm>> -> memref<128xi32, #tpu.memory_space<hbm>>
    %dma_start3A_34 = arith.constant 0 : i32
    %dma_start3A_35 = tpu.memref_slice %arg7[%dma_start3A_29, %dma_start3A_34] : memref<4x128xi32, #tpu.memory_space<vmem>> -> memref<1x128xi32, #tpu.memory_space<vmem>>
    %dma_start3A_36 = tpu.memref_squeeze %dma_start3A_35 : memref<1x128xi32, #tpu.memory_space<vmem>> -> memref<128xi32, #tpu.memory_space<vmem>>
    %dma_start3A_37 = tpu.memref_slice %arg2[%add3A_28] : memref<640000xi32, #tpu.memory_space<hbm>> -> memref<128xi32, #tpu.memory_space<hbm>>
    tpu.enqueue_dma source(%dma_start3A_37 : memref<128xi32, #tpu.memory_space<hbm>>) target(%dma_start3A_36 : memref<128xi32, #tpu.memory_space<vmem>>) target_semaphore(%arg16 : memref<!tpu.dma_semaphore, #tpu.memory_space<semaphore_mem>>)
    %add3A_38 = arith.constant 128 : i32
    %add3A_39 = arith.addi %mul3A_2, %add3A_38 : i32
    %dma_start3A_40 = arith.constant 1 : i32
    %dma_start3A_41 = arith.constant 0 : i32
    %dma_start3A_42 = tpu.memref_slice %arg8[%dma_start3A_40, %dma_start3A_41] : memref<4x128xi32, #tpu.memory_space<vmem>> -> memref<1x128xi32, #tpu.memory_space<vmem>>
    %dma_start3A_43 = tpu.memref_squeeze %dma_start3A_42 : memref<1x128xi32, #tpu.memory_space<vmem>> -> memref<128xi32, #tpu.memory_space<vmem>>
    %dma_start3A_44 = tpu.memref_slice %arg3[%add3A_39] : memref<320000xi32, #tpu.memory_space<hbm>> -> memref<128xi32, #tpu.memory_space<hbm>>
    %dma_start3A_45 = arith.constant 0 : i32
    %dma_start3A_46 = tpu.memref_slice %arg8[%dma_start3A_40, %dma_start3A_45] : memref<4x128xi32, #tpu.memory_space<vmem>> -> memref<1x128xi32, #tpu.memory_space<vmem>>
    %dma_start3A_47 = tpu.memref_squeeze %dma_start3A_46 : memref<1x128xi32, #tpu.memory_space<vmem>> -> memref<128xi32, #tpu.memory_space<vmem>>
    %dma_start3A_48 = tpu.memref_slice %arg3[%add3A_39] : memref<320000xi32, #tpu.memory_space<hbm>> -> memref<128xi32, #tpu.memory_space<hbm>>
    tpu.enqueue_dma source(%dma_start3A_48 : memref<128xi32, #tpu.memory_space<hbm>>) target(%dma_start3A_47 : memref<128xi32, #tpu.memory_space<vmem>>) target_semaphore(%arg16 : memref<!tpu.dma_semaphore, #tpu.memory_space<semaphore_mem>>)
    %add3A_49 = arith.addi %mul3A_4, %mul3A_2 : i32
    %add3A_50 = arith.constant 256 : i32
    %add3A_51 = arith.addi %add3A_49, %add3A_50 : i32
    %dma_start3A_52 = arith.constant 2 : i32
    %dma_start3A_53 = arith.constant 0 : i32
    %dma_start3A_54 = tpu.memref_slice %arg7[%dma_start3A_52, %dma_start3A_53] : memref<4x128xi32, #tpu.memory_space<vmem>> -> memref<1x128xi32, #tpu.memory_space<vmem>>
    %dma_start3A_55 = tpu.memref_squeeze %dma_start3A_54 : memref<1x128xi32, #tpu.memory_space<vmem>> -> memref<128xi32, #tpu.memory_space<vmem>>
    %dma_start3A_56 = tpu.memref_slice %arg2[%add3A_51] : memref<640000xi32, #tpu.memory_space<hbm>> -> memref<128xi32, #tpu.memory_space<hbm>>
    %dma_start3A_57 = arith.constant 0 : i32
    %dma_start3A_58 = tpu.memref_slice %arg7[%dma_start3A_52, %dma_start3A_57] : memref<4x128xi32, #tpu.memory_space<vmem>> -> memref<1x128xi32, #tpu.memory_space<vmem>>
    %dma_start3A_59 = tpu.memref_squeeze %dma_start3A_58 : memref<1x128xi32, #tpu.memory_space<vmem>> -> memref<128xi32, #tpu.memory_space<vmem>>
    %dma_start3A_60 = tpu.memref_slice %arg2[%add3A_51] : memref<640000xi32, #tpu.memory_space<hbm>> -> memref<128xi32, #tpu.memory_space<hbm>>
    tpu.enqueue_dma source(%dma_start3A_60 : memref<128xi32, #tpu.memory_space<hbm>>) target(%dma_start3A_59 : memref<128xi32, #tpu.memory_space<vmem>>) target_semaphore(%arg17 : memref<!tpu.dma_semaphore, #tpu.memory_space<semaphore_mem>>)
    %add3A_61 = arith.constant 256 : i32
    %add3A_62 = arith.addi %mul3A_2, %add3A_61 : i32
    %dma_start3A_63 = arith.constant 2 : i32
    %dma_start3A_64 = arith.constant 0 : i32
    %dma_start3A_65 = tpu.memref_slice %arg8[%dma_start3A_63, %dma_start3A_64] : memref<4x128xi32, #tpu.memory_space<vmem>> -> memref<1x128xi32, #tpu.memory_space<vmem>>
    %dma_start3A_66 = tpu.memref_squeeze %dma_start3A_65 : memref<1x128xi32, #tpu.memory_space<vmem>> -> memref<128xi32, #tpu.memory_space<vmem>>
    %dma_start3A_67 = tpu.memref_slice %arg3[%add3A_62] : memref<320000xi32, #tpu.memory_space<hbm>> -> memref<128xi32, #tpu.memory_space<hbm>>
    %dma_start3A_68 = arith.constant 0 : i32
    %dma_start3A_69 = tpu.memref_slice %arg8[%dma_start3A_63, %dma_start3A_68] : memref<4x128xi32, #tpu.memory_space<vmem>> -> memref<1x128xi32, #tpu.memory_space<vmem>>
    %dma_start3A_70 = tpu.memref_squeeze %dma_start3A_69 : memref<1x128xi32, #tpu.memory_space<vmem>> -> memref<128xi32, #tpu.memory_space<vmem>>
    %dma_start3A_71 = tpu.memref_slice %arg3[%add3A_62] : memref<320000xi32, #tpu.memory_space<hbm>> -> memref<128xi32, #tpu.memory_space<hbm>>
    tpu.enqueue_dma source(%dma_start3A_71 : memref<128xi32, #tpu.memory_space<hbm>>) target(%dma_start3A_70 : memref<128xi32, #tpu.memory_space<vmem>>) target_semaphore(%arg17 : memref<!tpu.dma_semaphore, #tpu.memory_space<semaphore_mem>>)
    %dma_wait3A = arith.constant 0 : i32
    %dma_wait3A_72 = arith.constant 0 : i32
    %dma_wait3A_73 = tpu.memref_slice %arg7[%dma_wait3A, %dma_wait3A_72] : memref<4x128xi32, #tpu.memory_space<vmem>> -> memref<1x128xi32, #tpu.memory_space<vmem>>
    %dma_wait3A_74 = tpu.memref_squeeze %dma_wait3A_73 : memref<1x128xi32, #tpu.memory_space<vmem>> -> memref<128xi32, #tpu.memory_space<vmem>>
    %dma_wait3A_75 = arith.constant 0 : i32
    %dma_wait3A_76 = tpu.memref_slice %arg3[%dma_wait3A_75] : memref<320000xi32, #tpu.memory_space<hbm>> -> memref<128xi32, #tpu.memory_space<hbm>>
    %dma_wait3A_77 = arith.constant 0 : i32
    %dma_wait3A_78 = tpu.memref_slice %arg7[%dma_wait3A, %dma_wait3A_77] : memref<4x128xi32, #tpu.memory_space<vmem>> -> memref<1x128xi32, #tpu.memory_space<vmem>>
    %dma_wait3A_79 = tpu.memref_squeeze %dma_wait3A_78 : memref<1x128xi32, #tpu.memory_space<vmem>> -> memref<128xi32, #tpu.memory_space<vmem>>
    %dma_wait3A_80 = arith.constant 0 : i32
    %dma_wait3A_81 = tpu.memref_slice %arg3[%dma_wait3A_80] : memref<320000xi32, #tpu.memory_space<hbm>> -> memref<128xi32, #tpu.memory_space<hbm>>
    tpu.wait_dma2 semaphore(%arg15 : memref<!tpu.dma_semaphore, #tpu.memory_space<semaphore_mem>>) src(%dma_wait3A_81 : memref<128xi32, #tpu.memory_space<hbm>>) dst(%dma_wait3A_79 : memref<128xi32, #tpu.memory_space<vmem>>)
    %dma_wait3A_82 = arith.constant 0 : i32
    %dma_wait3A_83 = arith.constant 0 : i32
    %dma_wait3A_84 = tpu.memref_slice %arg8[%dma_wait3A_82, %dma_wait3A_83] : memref<4x128xi32, #tpu.memory_space<vmem>> -> memref<1x128xi32, #tpu.memory_space<vmem>>
    %dma_wait3A_85 = tpu.memref_squeeze %dma_wait3A_84 : memref<1x128xi32, #tpu.memory_space<vmem>> -> memref<128xi32, #tpu.memory_space<vmem>>
    %dma_wait3A_86 = arith.constant 0 : i32
    %dma_wait3A_87 = tpu.memref_slice %arg3[%dma_wait3A_86] : memref<320000xi32, #tpu.memory_space<hbm>> -> memref<128xi32, #tpu.memory_space<hbm>>
    %dma_wait3A_88 = arith.constant 0 : i32
    %dma_wait3A_89 = tpu.memref_slice %arg8[%dma_wait3A_82, %dma_wait3A_88] : memref<4x128xi32, #tpu.memory_space<vmem>> -> memref<1x128xi32, #tpu.memory_space<vmem>>
    %dma_wait3A_90 = tpu.memref_squeeze %dma_wait3A_89 : memref<1x128xi32, #tpu.memory_space<vmem>> -> memref<128xi32, #tpu.memory_space<vmem>>
    %dma_wait3A_91 = arith.constant 0 : i32
    %dma_wait3A_92 = tpu.memref_slice %arg3[%dma_wait3A_91] : memref<320000xi32, #tpu.memory_space<hbm>> -> memref<128xi32, #tpu.memory_space<hbm>>
    tpu.wait_dma2 semaphore(%arg15 : memref<!tpu.dma_semaphore, #tpu.memory_space<semaphore_mem>>) src(%dma_wait3A_92 : memref<128xi32, #tpu.memory_space<hbm>>) dst(%dma_wait3A_90 : memref<128xi32, #tpu.memory_space<vmem>>)
    %dma_start3A_93 = arith.constant 0 : i32
    %dma_start3A_94 = arith.constant 0 : i32
    %dma_start3A_95 = tpu.memref_slice %arg7[%dma_start3A_93, %dma_start3A_94] : memref<4x128xi32, #tpu.memory_space<vmem>> -> memref<1x128xi32, #tpu.memory_space<vmem>>
    %dma_start3A_96 = tpu.memref_squeeze %dma_start3A_95 : memref<1x128xi32, #tpu.memory_space<vmem>> -> memref<128xi32, #tpu.memory_space<vmem>>
    %dma_start3A_97 = arith.constant 0 : i32
    %dma_start3A_98 = arith.constant 0 : i32
    %dma_start3A_99 = tpu.memref_slice %arg4[%dma_start3A_97, %dma_start3A_98] : memref<20000x128xf32, #tpu.memory_space<hbm>> -> memref<20000x128xf32, #tpu.memory_space<hbm>>
    tpu.enqueue_indirect_dma source(%dma_start3A_99 : memref<20000x128xf32, #tpu.memory_space<hbm>>) target(%arg9 : memref<128x128xf32, #tpu.memory_space<vmem>>) offsets(%dma_start3A_96 : memref<128xi32, #tpu.memory_space<vmem>>) semaphore(%arg19 : memref<!tpu.dma_semaphore, #tpu.memory_space<semaphore_mem>>)
    %scan3A = arith.constant 0 : i32
    %scan3A_100 = arith.constant 0 : i32
    %scan3A_101 = arith.constant 39 : i32
    %scan3A_102 = arith.addi %scan3A_100, %scan3A_101 : i32
    %scan3A_103 = arith.constant 1 : i32
    scf.for %scan3A_141 = %scan3A_100 to %scan3A_102 step %scan3A_103  : i32 {
      %mul3A_142 = arith.constant 4 : i32
      %mul3A_143 = arith.muli %mul3A_142, %scan3A_141 : i32
      %add3A_144 = arith.constant 0 : i32
      %add3A_145 = arith.addi %mul3A_143, %add3A_144 : i32
      %dma_wait3A_146 = arith.constant 0 : i32
      %dma_wait3A_147 = arith.constant 0 : i32
      %dma_wait3A_148 = tpu.memref_slice %arg4[%dma_wait3A_146, %dma_wait3A_147] : memref<20000x128xf32, #tpu.memory_space<hbm>> -> memref<128x128xf32, #tpu.memory_space<hbm>>
      %dma_wait3A_149 = arith.constant 0 : i32
      %dma_wait3A_150 = arith.constant 0 : i32
      %dma_wait3A_151 = tpu.memref_slice %arg4[%dma_wait3A_149, %dma_wait3A_150] : memref<20000x128xf32, #tpu.memory_space<hbm>> -> memref<128x128xf32, #tpu.memory_space<hbm>>
      tpu.wait_dma2 semaphore(%arg19 : memref<!tpu.dma_semaphore, #tpu.memory_space<semaphore_mem>>) src(%dma_wait3A_151 : memref<128x128xf32, #tpu.memory_space<hbm>>) dst(%arg9 : memref<128x128xf32, #tpu.memory_space<vmem>>)
      %dma_start3A_152 = arith.constant 0 : i32
      %dma_start3A_153 = arith.constant 0 : i32
      %dma_start3A_154 = tpu.memref_slice %arg8[%dma_start3A_152, %dma_start3A_153] : memref<4x128xi32, #tpu.memory_space<vmem>> -> memref<1x128xi32, #tpu.memory_space<vmem>>
      %dma_start3A_155 = tpu.memref_squeeze %dma_start3A_154 : memref<1x128xi32, #tpu.memory_space<vmem>> -> memref<128xi32, #tpu.memory_space<vmem>>
      %dma_start3A_156 = arith.constant 0 : i32
      %dma_start3A_157 = arith.constant 0 : i32
      %dma_start3A_158 = tpu.memref_slice %arg14[%dma_start3A_156, %dma_start3A_157] : memref<10240x128xf32, #tpu.memory_space<vmem_shared>> -> memref<10240x128xf32, #tpu.memory_space<vmem_shared>>
      tpu.enqueue_indirect_dma source(%arg9 : memref<128x128xf32, #tpu.memory_space<vmem>>) target(%dma_start3A_158 : memref<10240x128xf32, #tpu.memory_space<vmem_shared>>) offsets(%dma_start3A_155 : memref<128xi32, #tpu.memory_space<vmem>>) semaphore(%arg21 : memref<!tpu.dma_semaphore, #tpu.memory_space<semaphore_mem>>) {add = true}
      %ge3A = arith.constant 1 : i32
      %ge3A_159 = arith.cmpi sge, %add3A_145, %ge3A : i32
      %convert_element_type3A = arith.extui %ge3A_159 : i1 to i32
      %cond3A = arith.constant 0 : i32
      %cond3A_160 = arith.cmpi ne, %convert_element_type3A, %cond3A : i32
      scf.if %cond3A_160 {
        %dma_wait3A_276 = arith.constant 3 : i32
        %dma_wait3A_277 = arith.constant 0 : i32
        %dma_wait3A_278 = tpu.memref_slice %arg8[%dma_wait3A_276, %dma_wait3A_277] : memref<4x128xi32, #tpu.memory_space<vmem>> -> memref<1x128xi32, #tpu.memory_space<vmem>>
        %dma_wait3A_279 = tpu.memref_squeeze %dma_wait3A_278 : memref<1x128xi32, #tpu.memory_space<vmem>> -> memref<128xi32, #tpu.memory_space<vmem>>
        %dma_wait3A_280 = arith.constant 0 : i32
        %dma_wait3A_281 = arith.constant 0 : i32
        %dma_wait3A_282 = tpu.memref_slice %arg14[%dma_wait3A_280, %dma_wait3A_281] : memref<10240x128xf32, #tpu.memory_space<vmem_shared>> -> memref<10240x128xf32, #tpu.memory_space<vmem_shared>>
        tpu.wait_indirect_dma semaphore(%arg22 : memref<!tpu.dma_semaphore, #tpu.memory_space<semaphore_mem>>) src(%arg10 : memref<128x128xf32, #tpu.memory_space<vmem>>) dst(%dma_wait3A_282 : memref<10240x128xf32, #tpu.memory_space<vmem_shared>>)
      } else {
      }
      %add3A_161 = arith.constant 1 : i32
      %add3A_162 = arith.addi %add3A_145, %add3A_161 : i32
      %lt3A = arith.constant 156 : i32
      %lt3A_163 = arith.cmpi slt, %add3A_162, %lt3A : i32
      %convert_element_type3A_164 = arith.extui %lt3A_163 : i1 to i32
      %cond3A_165 = arith.constant 0 : i32
      %cond3A_166 = arith.cmpi ne, %convert_element_type3A_164, %cond3A_165 : i32
      scf.if %cond3A_166 {
        %dma_wait3A_276 = arith.constant 1 : i32
        %dma_wait3A_277 = arith.constant 0 : i32
        %dma_wait3A_278 = tpu.memref_slice %arg7[%dma_wait3A_276, %dma_wait3A_277] : memref<4x128xi32, #tpu.memory_space<vmem>> -> memref<1x128xi32, #tpu.memory_space<vmem>>
        %dma_wait3A_279 = tpu.memref_squeeze %dma_wait3A_278 : memref<1x128xi32, #tpu.memory_space<vmem>> -> memref<128xi32, #tpu.memory_space<vmem>>
        %dma_wait3A_280 = arith.constant 0 : i32
        %dma_wait3A_281 = tpu.memref_slice %arg3[%dma_wait3A_280] : memref<320000xi32, #tpu.memory_space<hbm>> -> memref<128xi32, #tpu.memory_space<hbm>>
        %dma_wait3A_282 = arith.constant 0 : i32
        %dma_wait3A_283 = tpu.memref_slice %arg7[%dma_wait3A_276, %dma_wait3A_282] : memref<4x128xi32, #tpu.memory_space<vmem>> -> memref<1x128xi32, #tpu.memory_space<vmem>>
        %dma_wait3A_284 = tpu.memref_squeeze %dma_wait3A_283 : memref<1x128xi32, #tpu.memory_space<vmem>> -> memref<128xi32, #tpu.memory_space<vmem>>
        %dma_wait3A_285 = arith.constant 0 : i32
        %dma_wait3A_286 = tpu.memref_slice %arg3[%dma_wait3A_285] : memref<320000xi32, #tpu.memory_space<hbm>> -> memref<128xi32, #tpu.memory_space<hbm>>
        tpu.wait_dma2 semaphore(%arg16 : memref<!tpu.dma_semaphore, #tpu.memory_space<semaphore_mem>>) src(%dma_wait3A_286 : memref<128xi32, #tpu.memory_space<hbm>>) dst(%dma_wait3A_284 : memref<128xi32, #tpu.memory_space<vmem>>)
        %dma_wait3A_287 = arith.constant 1 : i32
        %dma_wait3A_288 = arith.constant 0 : i32
        %dma_wait3A_289 = tpu.memref_slice %arg8[%dma_wait3A_287, %dma_wait3A_288] : memref<4x128xi32, #tpu.memory_space<vmem>> -> memref<1x128xi32, #tpu.memory_space<vmem>>
        %dma_wait3A_290 = tpu.memref_squeeze %dma_wait3A_289 : memref<1x128xi32, #tpu.memory_space<vmem>> -> memref<128xi32, #tpu.memory_space<vmem>>
        %dma_wait3A_291 = arith.constant 0 : i32
        %dma_wait3A_292 = tpu.memref_slice %arg3[%dma_wait3A_291] : memref<320000xi32, #tpu.memory_space<hbm>> -> memref<128xi32, #tpu.memory_space<hbm>>
        %dma_wait3A_293 = arith.constant 0 : i32
        %dma_wait3A_294 = tpu.memref_slice %arg8[%dma_wait3A_287, %dma_wait3A_293] : memref<4x128xi32, #tpu.memory_space<vmem>> -> memref<1x128xi32, #tpu.memory_space<vmem>>
        %dma_wait3A_295 = tpu.memref_squeeze %dma_wait3A_294 : memref<1x128xi32, #tpu.memory_space<vmem>> -> memref<128xi32, #tpu.memory_space<vmem>>
        %dma_wait3A_296 = arith.constant 0 : i32
        %dma_wait3A_297 = tpu.memref_slice %arg3[%dma_wait3A_296] : memref<320000xi32, #tpu.memory_space<hbm>> -> memref<128xi32, #tpu.memory_space<hbm>>
        tpu.wait_dma2 semaphore(%arg16 : memref<!tpu.dma_semaphore, #tpu.memory_space<semaphore_mem>>) src(%dma_wait3A_297 : memref<128xi32, #tpu.memory_space<hbm>>) dst(%dma_wait3A_295 : memref<128xi32, #tpu.memory_space<vmem>>)
        %dma_start3A_298 = arith.constant 1 : i32
        %dma_start3A_299 = arith.constant 0 : i32
        %dma_start3A_300 = tpu.memref_slice %arg7[%dma_start3A_298, %dma_start3A_299] : memref<4x128xi32, #tpu.memory_space<vmem>> -> memref<1x128xi32, #tpu.memory_space<vmem>>
        %dma_start3A_301 = tpu.memref_squeeze %dma_start3A_300 : memref<1x128xi32, #tpu.memory_space<vmem>> -> memref<128xi32, #tpu.memory_space<vmem>>
        %dma_start3A_302 = arith.constant 0 : i32
        %dma_start3A_303 = arith.constant 0 : i32
        %dma_start3A_304 = tpu.memref_slice %arg4[%dma_start3A_302, %dma_start3A_303] : memref<20000x128xf32, #tpu.memory_space<hbm>> -> memref<20000x128xf32, #tpu.memory_space<hbm>>
        tpu.enqueue_indirect_dma source(%dma_start3A_304 : memref<20000x128xf32, #tpu.memory_space<hbm>>) target(%arg10 : memref<128x128xf32, #tpu.memory_space<vmem>>) offsets(%dma_start3A_301 : memref<128xi32, #tpu.memory_space<vmem>>) semaphore(%arg20 : memref<!tpu.dma_semaphore, #tpu.memory_space<semaphore_mem>>)
      } else {
      }
      %add3A_167 = arith.constant 3 : i32
      %add3A_168 = arith.addi %add3A_145, %add3A_167 : i32
      %lt3A_169 = arith.constant 156 : i32
      %lt3A_170 = arith.cmpi slt, %add3A_168, %lt3A_169 : i32
      %convert_element_type3A_171 = arith.extui %lt3A_170 : i1 to i32
      %cond3A_172 = arith.constant 0 : i32
      %cond3A_173 = arith.cmpi ne, %convert_element_type3A_171, %cond3A_172 : i32
      scf.if %cond3A_173 {
        %add3A_276 = arith.constant 3 : i32
        %add3A_277 = arith.addi %add3A_145, %add3A_276 : i32
        %add3A_278 = arith.addi %mul3A_4, %mul3A_2 : i32
        %mul3A_279 = arith.constant 128 : i32
        %mul3A_280 = arith.muli %add3A_277, %mul3A_279 : i32
        %add3A_281 = arith.addi %add3A_278, %mul3A_280 : i32
        %dma_start3A_282 = arith.constant 3 : i32
        %dma_start3A_283 = arith.constant 0 : i32
        %dma_start3A_284 = tpu.memref_slice %arg7[%dma_start3A_282, %dma_start3A_283] : memref<4x128xi32, #tpu.memory_space<vmem>> -> memref<1x128xi32, #tpu.memory_space<vmem>>
        %dma_start3A_285 = tpu.memref_squeeze %dma_start3A_284 : memref<1x128xi32, #tpu.memory_space<vmem>> -> memref<128xi32, #tpu.memory_space<vmem>>
        %dma_start3A_286 = tpu.memref_slice %arg2[%add3A_281] : memref<640000xi32, #tpu.memory_space<hbm>> -> memref<128xi32, #tpu.memory_space<hbm>>
        %dma_start3A_287 = arith.constant 0 : i32
        %dma_start3A_288 = tpu.memref_slice %arg7[%dma_start3A_282, %dma_start3A_287] : memref<4x128xi32, #tpu.memory_space<vmem>> -> memref<1x128xi32, #tpu.memory_space<vmem>>
        %dma_start3A_289 = tpu.memref_squeeze %dma_start3A_288 : memref<1x128xi32, #tpu.memory_space<vmem>> -> memref<128xi32, #tpu.memory_space<vmem>>
        %dma_start3A_290 = tpu.memref_slice %arg2[%add3A_281] : memref<640000xi32, #tpu.memory_space<hbm>> -> memref<128xi32, #tpu.memory_space<hbm>>
        tpu.enqueue_dma source(%dma_start3A_290 : memref<128xi32, #tpu.memory_space<hbm>>) target(%dma_start3A_289 : memref<128xi32, #tpu.memory_space<vmem>>) target_semaphore(%arg18 : memref<!tpu.dma_semaphore, #tpu.memory_space<semaphore_mem>>)
        %mul3A_291 = arith.constant 128 : i32
        %mul3A_292 = arith.muli %add3A_277, %mul3A_291 : i32
        %add3A_293 = arith.addi %mul3A_2, %mul3A_292 : i32
        %dma_start3A_294 = arith.constant 3 : i32
        %dma_start3A_295 = arith.constant 0 : i32
        %dma_start3A_296 = tpu.memref_slice %arg8[%dma_start3A_294, %dma_start3A_295] : memref<4x128xi32, #tpu.memory_space<vmem>> -> memref<1x128xi32, #tpu.memory_space<vmem>>
        %dma_start3A_297 = tpu.memref_squeeze %dma_start3A_296 : memref<1x128xi32, #tpu.memory_space<vmem>> -> memref<128xi32, #tpu.memory_space<vmem>>
        %dma_start3A_298 = tpu.memref_slice %arg3[%add3A_293] : memref<320000xi32, #tpu.memory_space<hbm>> -> memref<128xi32, #tpu.memory_space<hbm>>
        %dma_start3A_299 = arith.constant 0 : i32
        %dma_start3A_300 = tpu.memref_slice %arg8[%dma_start3A_294, %dma_start3A_299] : memref<4x128xi32, #tpu.memory_space<vmem>> -> memref<1x128xi32, #tpu.memory_space<vmem>>
        %dma_start3A_301 = tpu.memref_squeeze %dma_start3A_300 : memref<1x128xi32, #tpu.memory_space<vmem>> -> memref<128xi32, #tpu.memory_space<vmem>>
        %dma_start3A_302 = tpu.memref_slice %arg3[%add3A_293] : memref<320000xi32, #tpu.memory_space<hbm>> -> memref<128xi32, #tpu.memory_space<hbm>>
        tpu.enqueue_dma source(%dma_start3A_302 : memref<128xi32, #tpu.memory_space<hbm>>) target(%dma_start3A_301 : memref<128xi32, #tpu.memory_space<vmem>>) target_semaphore(%arg18 : memref<!tpu.dma_semaphore, #tpu.memory_space<semaphore_mem>>)
      } else {
      }
      %add3A_174 = arith.constant 1 : i32
      %add3A_175 = arith.addi %mul3A_143, %add3A_174 : i32
      %dma_wait3A_176 = arith.constant 0 : i32
      %dma_wait3A_177 = arith.constant 0 : i32
      %dma_wait3A_178 = tpu.memref_slice %arg4[%dma_wait3A_176, %dma_wait3A_177] : memref<20000x128xf32, #tpu.memory_space<hbm>> -> memref<128x128xf32, #tpu.memory_space<hbm>>
      %dma_wait3A_179 = arith.constant 0 : i32
      %dma_wait3A_180 = arith.constant 0 : i32
      %dma_wait3A_181 = tpu.memref_slice %arg4[%dma_wait3A_179, %dma_wait3A_180] : memref<20000x128xf32, #tpu.memory_space<hbm>> -> memref<128x128xf32, #tpu.memory_space<hbm>>
      tpu.wait_dma2 semaphore(%arg20 : memref<!tpu.dma_semaphore, #tpu.memory_space<semaphore_mem>>) src(%dma_wait3A_181 : memref<128x128xf32, #tpu.memory_space<hbm>>) dst(%arg10 : memref<128x128xf32, #tpu.memory_space<vmem>>)
      %dma_start3A_182 = arith.constant 1 : i32
      %dma_start3A_183 = arith.constant 0 : i32
      %dma_start3A_184 = tpu.memref_slice %arg8[%dma_start3A_182, %dma_start3A_183] : memref<4x128xi32, #tpu.memory_space<vmem>> -> memref<1x128xi32, #tpu.memory_space<vmem>>
      %dma_start3A_185 = tpu.memref_squeeze %dma_start3A_184 : memref<1x128xi32, #tpu.memory_space<vmem>> -> memref<128xi32, #tpu.memory_space<vmem>>
      %dma_start3A_186 = arith.constant 0 : i32
      %dma_start3A_187 = arith.constant 0 : i32
      %dma_start3A_188 = tpu.memref_slice %arg14[%dma_start3A_186, %dma_start3A_187] : memref<10240x128xf32, #tpu.memory_space<vmem_shared>> -> memref<10240x128xf32, #tpu.memory_space<vmem_shared>>
      tpu.enqueue_indirect_dma source(%arg10 : memref<128x128xf32, #tpu.memory_space<vmem>>) target(%dma_start3A_188 : memref<10240x128xf32, #tpu.memory_space<vmem_shared>>) offsets(%dma_start3A_185 : memref<128xi32, #tpu.memory_space<vmem>>) semaphore(%arg22 : memref<!tpu.dma_semaphore, #tpu.memory_space<semaphore_mem>>) {add = true}
      %ge3A_189 = arith.constant 1 : i32
      %ge3A_190 = arith.cmpi sge, %add3A_175, %ge3A_189 : i32
      %convert_element_type3A_191 = arith.extui %ge3A_190 : i1 to i32
      %cond3A_192 = arith.constant 0 : i32
      %cond3A_193 = arith.cmpi ne, %convert_element_type3A_191, %cond3A_192 : i32
      scf.if %cond3A_193 {
        %dma_wait3A_276 = arith.constant 0 : i32
        %dma_wait3A_277 = arith.constant 0 : i32
        %dma_wait3A_278 = tpu.memref_slice %arg8[%dma_wait3A_276, %dma_wait3A_277] : memref<4x128xi32, #tpu.memory_space<vmem>> -> memref<1x128xi32, #tpu.memory_space<vmem>>
        %dma_wait3A_279 = tpu.memref_squeeze %dma_wait3A_278 : memref<1x128xi32, #tpu.memory_space<vmem>> -> memref<128xi32, #tpu.memory_space<vmem>>
        %dma_wait3A_280 = arith.constant 0 : i32
        %dma_wait3A_281 = arith.constant 0 : i32
        %dma_wait3A_282 = tpu.memref_slice %arg14[%dma_wait3A_280, %dma_wait3A_281] : memref<10240x128xf32, #tpu.memory_space<vmem_shared>> -> memref<10240x128xf32, #tpu.memory_space<vmem_shared>>
        tpu.wait_indirect_dma semaphore(%arg21 : memref<!tpu.dma_semaphore, #tpu.memory_space<semaphore_mem>>) src(%arg9 : memref<128x128xf32, #tpu.memory_space<vmem>>) dst(%dma_wait3A_282 : memref<10240x128xf32, #tpu.memory_space<vmem_shared>>)
      } else {
      }
      %add3A_194 = arith.constant 1 : i32
      %add3A_195 = arith.addi %add3A_175, %add3A_194 : i32
      %lt3A_196 = arith.constant 156 : i32
      %lt3A_197 = arith.cmpi slt, %add3A_195, %lt3A_196 : i32
      %convert_element_type3A_198 = arith.extui %lt3A_197 : i1 to i32
      %cond3A_199 = arith.constant 0 : i32
      %cond3A_200 = arith.cmpi ne, %convert_element_type3A_198, %cond3A_199 : i32
      scf.if %cond3A_200 {
        %dma_wait3A_276 = arith.constant 2 : i32
        %dma_wait3A_277 = arith.constant 0 : i32
        %dma_wait3A_278 = tpu.memref_slice %arg7[%dma_wait3A_276, %dma_wait3A_277] : memref<4x128xi32, #tpu.memory_space<vmem>> -> memref<1x128xi32, #tpu.memory_space<vmem>>
        %dma_wait3A_279 = tpu.memref_squeeze %dma_wait3A_278 : memref<1x128xi32, #tpu.memory_space<vmem>> -> memref<128xi32, #tpu.memory_space<vmem>>
        %dma_wait3A_280 = arith.constant 0 : i32
        %dma_wait3A_281 = tpu.memref_slice %arg3[%dma_wait3A_280] : memref<320000xi32, #tpu.memory_space<hbm>> -> memref<128xi32, #tpu.memory_space<hbm>>
        %dma_wait3A_282 = arith.constant 0 : i32
        %dma_wait3A_283 = tpu.memref_slice %arg7[%dma_wait3A_276, %dma_wait3A_282] : memref<4x128xi32, #tpu.memory_space<vmem>> -> memref<1x128xi32, #tpu.memory_space<vmem>>
        %dma_wait3A_284 = tpu.memref_squeeze %dma_wait3A_283 : memref<1x128xi32, #tpu.memory_space<vmem>> -> memref<128xi32, #tpu.memory_space<vmem>>
        %dma_wait3A_285 = arith.constant 0 : i32
        %dma_wait3A_286 = tpu.memref_slice %arg3[%dma_wait3A_285] : memref<320000xi32, #tpu.memory_space<hbm>> -> memref<128xi32, #tpu.memory_space<hbm>>
        tpu.wait_dma2 semaphore(%arg17 : memref<!tpu.dma_semaphore, #tpu.memory_space<semaphore_mem>>) src(%dma_wait3A_286 : memref<128xi32, #tpu.memory_space<hbm>>) dst(%dma_wait3A_284 : memref<128xi32, #tpu.memory_space<vmem>>)
        %dma_wait3A_287 = arith.constant 2 : i32
        %dma_wait3A_288 = arith.constant 0 : i32
        %dma_wait3A_289 = tpu.memref_slice %arg8[%dma_wait3A_287, %dma_wait3A_288] : memref<4x128xi32, #tpu.memory_space<vmem>> -> memref<1x128xi32, #tpu.memory_space<vmem>>
        %dma_wait3A_290 = tpu.memref_squeeze %dma_wait3A_289 : memref<1x128xi32, #tpu.memory_space<vmem>> -> memref<128xi32, #tpu.memory_space<vmem>>
        %dma_wait3A_291 = arith.constant 0 : i32
        %dma_wait3A_292 = tpu.memref_slice %arg3[%dma_wait3A_291] : memref<320000xi32, #tpu.memory_space<hbm>> -> memref<128xi32, #tpu.memory_space<hbm>>
        %dma_wait3A_293 = arith.constant 0 : i32
        %dma_wait3A_294 = tpu.memref_slice %arg8[%dma_wait3A_287, %dma_wait3A_293] : memref<4x128xi32, #tpu.memory_space<vmem>> -> memref<1x128xi32, #tpu.memory_space<vmem>>
        %dma_wait3A_295 = tpu.memref_squeeze %dma_wait3A_294 : memref<1x128xi32, #tpu.memory_space<vmem>> -> memref<128xi32, #tpu.memory_space<vmem>>
        %dma_wait3A_296 = arith.constant 0 : i32
        %dma_wait3A_297 = tpu.memref_slice %arg3[%dma_wait3A_296] : memref<320000xi32, #tpu.memory_space<hbm>> -> memref<128xi32, #tpu.memory_space<hbm>>
        tpu.wait_dma2 semaphore(%arg17 : memref<!tpu.dma_semaphore, #tpu.memory_space<semaphore_mem>>) src(%dma_wait3A_297 : memref<128xi32, #tpu.memory_space<hbm>>) dst(%dma_wait3A_295 : memref<128xi32, #tpu.memory_space<vmem>>)
        %dma_start3A_298 = arith.constant 2 : i32
        %dma_start3A_299 = arith.constant 0 : i32
        %dma_start3A_300 = tpu.memref_slice %arg7[%dma_start3A_298, %dma_start3A_299] : memref<4x128xi32, #tpu.memory_space<vmem>> -> memref<1x128xi32, #tpu.memory_space<vmem>>
        %dma_start3A_301 = tpu.memref_squeeze %dma_start3A_300 : memref<1x128xi32, #tpu.memory_space<vmem>> -> memref<128xi32, #tpu.memory_space<vmem>>
        %dma_start3A_302 = arith.constant 0 : i32
        %dma_start3A_303 = arith.constant 0 : i32
        %dma_start3A_304 = tpu.memref_slice %arg4[%dma_start3A_302, %dma_start3A_303] : memref<20000x128xf32, #tpu.memory_space<hbm>> -> memref<20000x128xf32, #tpu.memory_space<hbm>>
        tpu.enqueue_indirect_dma source(%dma_start3A_304 : memref<20000x128xf32, #tpu.memory_space<hbm>>) target(%arg9 : memref<128x128xf32, #tpu.memory_space<vmem>>) offsets(%dma_start3A_301 : memref<128xi32, #tpu.memory_space<vmem>>) semaphore(%arg19 : memref<!tpu.dma_semaphore, #tpu.memory_space<semaphore_mem>>)
      } else {
      }
      %add3A_201 = arith.constant 3 : i32
      %add3A_202 = arith.addi %add3A_175, %add3A_201 : i32
      %lt3A_203 = arith.constant 156 : i32
      %lt3A_204 = arith.cmpi slt, %add3A_202, %lt3A_203 : i32
      %convert_element_type3A_205 = arith.extui %lt3A_204 : i1 to i32
      %cond3A_206 = arith.constant 0 : i32
      %cond3A_207 = arith.cmpi ne, %convert_element_type3A_205, %cond3A_206 : i32
      scf.if %cond3A_207 {
        %add3A_276 = arith.constant 3 : i32
        %add3A_277 = arith.addi %add3A_175, %add3A_276 : i32
        %add3A_278 = arith.addi %mul3A_4, %mul3A_2 : i32
        %mul3A_279 = arith.constant 128 : i32
        %mul3A_280 = arith.muli %add3A_277, %mul3A_279 : i32
        %add3A_281 = arith.addi %add3A_278, %mul3A_280 : i32
        %dma_start3A_282 = arith.constant 0 : i32
        %dma_start3A_283 = arith.constant 0 : i32
        %dma_start3A_284 = tpu.memref_slice %arg7[%dma_start3A_282, %dma_start3A_283] : memref<4x128xi32, #tpu.memory_space<vmem>> -> memref<1x128xi32, #tpu.memory_space<vmem>>
        %dma_start3A_285 = tpu.memref_squeeze %dma_start3A_284 : memref<1x128xi32, #tpu.memory_space<vmem>> -> memref<128xi32, #tpu.memory_space<vmem>>
        %dma_start3A_286 = tpu.memref_slice %arg2[%add3A_281] : memref<640000xi32, #tpu.memory_space<hbm>> -> memref<128xi32, #tpu.memory_space<hbm>>
        %dma_start3A_287 = arith.constant 0 : i32
        %dma_start3A_288 = tpu.memref_slice %arg7[%dma_start3A_282, %dma_start3A_287] : memref<4x128xi32, #tpu.memory_space<vmem>> -> memref<1x128xi32, #tpu.memory_space<vmem>>
        %dma_start3A_289 = tpu.memref_squeeze %dma_start3A_288 : memref<1x128xi32, #tpu.memory_space<vmem>> -> memref<128xi32, #tpu.memory_space<vmem>>
        %dma_start3A_290 = tpu.memref_slice %arg2[%add3A_281] : memref<640000xi32, #tpu.memory_space<hbm>> -> memref<128xi32, #tpu.memory_space<hbm>>
        tpu.enqueue_dma source(%dma_start3A_290 : memref<128xi32, #tpu.memory_space<hbm>>) target(%dma_start3A_289 : memref<128xi32, #tpu.memory_space<vmem>>) target_semaphore(%arg15 : memref<!tpu.dma_semaphore, #tpu.memory_space<semaphore_mem>>)
        %mul3A_291 = arith.constant 128 : i32
        %mul3A_292 = arith.muli %add3A_277, %mul3A_291 : i32
        %add3A_293 = arith.addi %mul3A_2, %mul3A_292 : i32
        %dma_start3A_294 = arith.constant 0 : i32
        %dma_start3A_295 = arith.constant 0 : i32
        %dma_start3A_296 = tpu.memref_slice %arg8[%dma_start3A_294, %dma_start3A_295] : memref<4x128xi32, #tpu.memory_space<vmem>> -> memref<1x128xi32, #tpu.memory_space<vmem>>
        %dma_start3A_297 = tpu.memref_squeeze %dma_start3A_296 : memref<1x128xi32, #tpu.memory_space<vmem>> -> memref<128xi32, #tpu.memory_space<vmem>>
        %dma_start3A_298 = tpu.memref_slice %arg3[%add3A_293] : memref<320000xi32, #tpu.memory_space<hbm>> -> memref<128xi32, #tpu.memory_space<hbm>>
        %dma_start3A_299 = arith.constant 0 : i32
        %dma_start3A_300 = tpu.memref_slice %arg8[%dma_start3A_294, %dma_start3A_299] : memref<4x128xi32, #tpu.memory_space<vmem>> -> memref<1x128xi32, #tpu.memory_space<vmem>>
        %dma_start3A_301 = tpu.memref_squeeze %dma_start3A_300 : memref<1x128xi32, #tpu.memory_space<vmem>> -> memref<128xi32, #tpu.memory_space<vmem>>
        %dma_start3A_302 = tpu.memref_slice %arg3[%add3A_293] : memref<320000xi32, #tpu.memory_space<hbm>> -> memref<128xi32, #tpu.memory_space<hbm>>
        tpu.enqueue_dma source(%dma_start3A_302 : memref<128xi32, #tpu.memory_space<hbm>>) target(%dma_start3A_301 : memref<128xi32, #tpu.memory_space<vmem>>) target_semaphore(%arg15 : memref<!tpu.dma_semaphore, #tpu.memory_space<semaphore_mem>>)
      } else {
      }
      %add3A_208 = arith.constant 2 : i32
      %add3A_209 = arith.addi %mul3A_143, %add3A_208 : i32
      %dma_wait3A_210 = arith.constant 0 : i32
      %dma_wait3A_211 = arith.constant 0 : i32
      %dma_wait3A_212 = tpu.memref_slice %arg4[%dma_wait3A_210, %dma_wait3A_211] : memref<20000x128xf32, #tpu.memory_space<hbm>> -> memref<128x128xf32, #tpu.memory_space<hbm>>
      %dma_wait3A_213 = arith.constant 0 : i32
      %dma_wait3A_214 = arith.constant 0 : i32
      %dma_wait3A_215 = tpu.memref_slice %arg4[%dma_wait3A_213, %dma_wait3A_214] : memref<20000x128xf32, #tpu.memory_space<hbm>> -> memref<128x128xf32, #tpu.memory_space<hbm>>
      tpu.wait_dma2 semaphore(%arg19 : memref<!tpu.dma_semaphore, #tpu.memory_space<semaphore_mem>>) src(%dma_wait3A_215 : memref<128x128xf32, #tpu.memory_space<hbm>>) dst(%arg9 : memref<128x128xf32, #tpu.memory_space<vmem>>)
      %dma_start3A_216 = arith.constant 2 : i32
      %dma_start3A_217 = arith.constant 0 : i32
      %dma_start3A_218 = tpu.memref_slice %arg8[%dma_start3A_216, %dma_start3A_217] : memref<4x128xi32, #tpu.memory_space<vmem>> -> memref<1x128xi32, #tpu.memory_space<vmem>>
      %dma_start3A_219 = tpu.memref_squeeze %dma_start3A_218 : memref<1x128xi32, #tpu.memory_space<vmem>> -> memref<128xi32, #tpu.memory_space<vmem>>
      %dma_start3A_220 = arith.constant 0 : i32
      %dma_start3A_221 = arith.constant 0 : i32
      %dma_start3A_222 = tpu.memref_slice %arg14[%dma_start3A_220, %dma_start3A_221] : memref<10240x128xf32, #tpu.memory_space<vmem_shared>> -> memref<10240x128xf32, #tpu.memory_space<vmem_shared>>
      tpu.enqueue_indirect_dma source(%arg9 : memref<128x128xf32, #tpu.memory_space<vmem>>) target(%dma_start3A_222 : memref<10240x128xf32, #tpu.memory_space<vmem_shared>>) offsets(%dma_start3A_219 : memref<128xi32, #tpu.memory_space<vmem>>) semaphore(%arg21 : memref<!tpu.dma_semaphore, #tpu.memory_space<semaphore_mem>>) {add = true}
      %ge3A_223 = arith.constant 1 : i32
      %ge3A_224 = arith.cmpi sge, %add3A_209, %ge3A_223 : i32
      %convert_element_type3A_225 = arith.extui %ge3A_224 : i1 to i32
      %cond3A_226 = arith.constant 0 : i32
      %cond3A_227 = arith.cmpi ne, %convert_element_type3A_225, %cond3A_226 : i32
      scf.if %cond3A_227 {
        %dma_wait3A_276 = arith.constant 1 : i32
        %dma_wait3A_277 = arith.constant 0 : i32
        %dma_wait3A_278 = tpu.memref_slice %arg8[%dma_wait3A_276, %dma_wait3A_277] : memref<4x128xi32, #tpu.memory_space<vmem>> -> memref<1x128xi32, #tpu.memory_space<vmem>>
        %dma_wait3A_279 = tpu.memref_squeeze %dma_wait3A_278 : memref<1x128xi32, #tpu.memory_space<vmem>> -> memref<128xi32, #tpu.memory_space<vmem>>
        %dma_wait3A_280 = arith.constant 0 : i32
        %dma_wait3A_281 = arith.constant 0 : i32
        %dma_wait3A_282 = tpu.memref_slice %arg14[%dma_wait3A_280, %dma_wait3A_281] : memref<10240x128xf32, #tpu.memory_space<vmem_shared>> -> memref<10240x128xf32, #tpu.memory_space<vmem_shared>>
        tpu.wait_indirect_dma semaphore(%arg22 : memref<!tpu.dma_semaphore, #tpu.memory_space<semaphore_mem>>) src(%arg10 : memref<128x128xf32, #tpu.memory_space<vmem>>) dst(%dma_wait3A_282 : memref<10240x128xf32, #tpu.memory_space<vmem_shared>>)
      } else {
      }
      %add3A_228 = arith.constant 1 : i32
      %add3A_229 = arith.addi %add3A_209, %add3A_228 : i32
      %lt3A_230 = arith.constant 156 : i32
      %lt3A_231 = arith.cmpi slt, %add3A_229, %lt3A_230 : i32
      %convert_element_type3A_232 = arith.extui %lt3A_231 : i1 to i32
      %cond3A_233 = arith.constant 0 : i32
      %cond3A_234 = arith.cmpi ne, %convert_element_type3A_232, %cond3A_233 : i32
      scf.if %cond3A_234 {
        %dma_wait3A_276 = arith.constant 3 : i32
        %dma_wait3A_277 = arith.constant 0 : i32
        %dma_wait3A_278 = tpu.memref_slice %arg7[%dma_wait3A_276, %dma_wait3A_277] : memref<4x128xi32, #tpu.memory_space<vmem>> -> memref<1x128xi32, #tpu.memory_space<vmem>>
        %dma_wait3A_279 = tpu.memref_squeeze %dma_wait3A_278 : memref<1x128xi32, #tpu.memory_space<vmem>> -> memref<128xi32, #tpu.memory_space<vmem>>
        %dma_wait3A_280 = arith.constant 0 : i32
        %dma_wait3A_281 = tpu.memref_slice %arg3[%dma_wait3A_280] : memref<320000xi32, #tpu.memory_space<hbm>> -> memref<128xi32, #tpu.memory_space<hbm>>
        %dma_wait3A_282 = arith.constant 0 : i32
        %dma_wait3A_283 = tpu.memref_slice %arg7[%dma_wait3A_276, %dma_wait3A_282] : memref<4x128xi32, #tpu.memory_space<vmem>> -> memref<1x128xi32, #tpu.memory_space<vmem>>
        %dma_wait3A_284 = tpu.memref_squeeze %dma_wait3A_283 : memref<1x128xi32, #tpu.memory_space<vmem>> -> memref<128xi32, #tpu.memory_space<vmem>>
        %dma_wait3A_285 = arith.constant 0 : i32
        %dma_wait3A_286 = tpu.memref_slice %arg3[%dma_wait3A_285] : memref<320000xi32, #tpu.memory_space<hbm>> -> memref<128xi32, #tpu.memory_space<hbm>>
        tpu.wait_dma2 semaphore(%arg18 : memref<!tpu.dma_semaphore, #tpu.memory_space<semaphore_mem>>) src(%dma_wait3A_286 : memref<128xi32, #tpu.memory_space<hbm>>) dst(%dma_wait3A_284 : memref<128xi32, #tpu.memory_space<vmem>>)
        %dma_wait3A_287 = arith.constant 3 : i32
        %dma_wait3A_288 = arith.constant 0 : i32
        %dma_wait3A_289 = tpu.memref_slice %arg8[%dma_wait3A_287, %dma_wait3A_288] : memref<4x128xi32, #tpu.memory_space<vmem>> -> memref<1x128xi32, #tpu.memory_space<vmem>>
        %dma_wait3A_290 = tpu.memref_squeeze %dma_wait3A_289 : memref<1x128xi32, #tpu.memory_space<vmem>> -> memref<128xi32, #tpu.memory_space<vmem>>
        %dma_wait3A_291 = arith.constant 0 : i32
        %dma_wait3A_292 = tpu.memref_slice %arg3[%dma_wait3A_291] : memref<320000xi32, #tpu.memory_space<hbm>> -> memref<128xi32, #tpu.memory_space<hbm>>
        %dma_wait3A_293 = arith.constant 0 : i32
        %dma_wait3A_294 = tpu.memref_slice %arg8[%dma_wait3A_287, %dma_wait3A_293] : memref<4x128xi32, #tpu.memory_space<vmem>> -> memref<1x128xi32, #tpu.memory_space<vmem>>
        %dma_wait3A_295 = tpu.memref_squeeze %dma_wait3A_294 : memref<1x128xi32, #tpu.memory_space<vmem>> -> memref<128xi32, #tpu.memory_space<vmem>>
        %dma_wait3A_296 = arith.constant 0 : i32
        %dma_wait3A_297 = tpu.memref_slice %arg3[%dma_wait3A_296] : memref<320000xi32, #tpu.memory_space<hbm>> -> memref<128xi32, #tpu.memory_space<hbm>>
        tpu.wait_dma2 semaphore(%arg18 : memref<!tpu.dma_semaphore, #tpu.memory_space<semaphore_mem>>) src(%dma_wait3A_297 : memref<128xi32, #tpu.memory_space<hbm>>) dst(%dma_wait3A_295 : memref<128xi32, #tpu.memory_space<vmem>>)
        %dma_start3A_298 = arith.constant 3 : i32
        %dma_start3A_299 = arith.constant 0 : i32
        %dma_start3A_300 = tpu.memref_slice %arg7[%dma_start3A_298, %dma_start3A_299] : memref<4x128xi32, #tpu.memory_space<vmem>> -> memref<1x128xi32, #tpu.memory_space<vmem>>
        %dma_start3A_301 = tpu.memref_squeeze %dma_start3A_300 : memref<1x128xi32, #tpu.memory_space<vmem>> -> memref<128xi32, #tpu.memory_space<vmem>>
        %dma_start3A_302 = arith.constant 0 : i32
        %dma_start3A_303 = arith.constant 0 : i32
        %dma_start3A_304 = tpu.memref_slice %arg4[%dma_start3A_302, %dma_start3A_303] : memref<20000x128xf32, #tpu.memory_space<hbm>> -> memref<20000x128xf32, #tpu.memory_space<hbm>>
        tpu.enqueue_indirect_dma source(%dma_start3A_304 : memref<20000x128xf32, #tpu.memory_space<hbm>>) target(%arg10 : memref<128x128xf32, #tpu.memory_space<vmem>>) offsets(%dma_start3A_301 : memref<128xi32, #tpu.memory_space<vmem>>) semaphore(%arg20 : memref<!tpu.dma_semaphore, #tpu.memory_space<semaphore_mem>>)
      } else {
      }
      %add3A_235 = arith.constant 3 : i32
      %add3A_236 = arith.addi %add3A_209, %add3A_235 : i32
      %lt3A_237 = arith.constant 156 : i32
      %lt3A_238 = arith.cmpi slt, %add3A_236, %lt3A_237 : i32
      %convert_element_type3A_239 = arith.extui %lt3A_238 : i1 to i32
      %cond3A_240 = arith.constant 0 : i32
      %cond3A_241 = arith.cmpi ne, %convert_element_type3A_239, %cond3A_240 : i32
      scf.if %cond3A_241 {
        %add3A_276 = arith.constant 3 : i32
        %add3A_277 = arith.addi %add3A_209, %add3A_276 : i32
        %add3A_278 = arith.addi %mul3A_4, %mul3A_2 : i32
        %mul3A_279 = arith.constant 128 : i32
        %mul3A_280 = arith.muli %add3A_277, %mul3A_279 : i32
        %add3A_281 = arith.addi %add3A_278, %mul3A_280 : i32
        %dma_start3A_282 = arith.constant 1 : i32
        %dma_start3A_283 = arith.constant 0 : i32
        %dma_start3A_284 = tpu.memref_slice %arg7[%dma_start3A_282, %dma_start3A_283] : memref<4x128xi32, #tpu.memory_space<vmem>> -> memref<1x128xi32, #tpu.memory_space<vmem>>
        %dma_start3A_285 = tpu.memref_squeeze %dma_start3A_284 : memref<1x128xi32, #tpu.memory_space<vmem>> -> memref<128xi32, #tpu.memory_space<vmem>>
        %dma_start3A_286 = tpu.memref_slice %arg2[%add3A_281] : memref<640000xi32, #tpu.memory_space<hbm>> -> memref<128xi32, #tpu.memory_space<hbm>>
        %dma_start3A_287 = arith.constant 0 : i32
        %dma_start3A_288 = tpu.memref_slice %arg7[%dma_start3A_282, %dma_start3A_287] : memref<4x128xi32, #tpu.memory_space<vmem>> -> memref<1x128xi32, #tpu.memory_space<vmem>>
        %dma_start3A_289 = tpu.memref_squeeze %dma_start3A_288 : memref<1x128xi32, #tpu.memory_space<vmem>> -> memref<128xi32, #tpu.memory_space<vmem>>
        %dma_start3A_290 = tpu.memref_slice %arg2[%add3A_281] : memref<640000xi32, #tpu.memory_space<hbm>> -> memref<128xi32, #tpu.memory_space<hbm>>
        tpu.enqueue_dma source(%dma_start3A_290 : memref<128xi32, #tpu.memory_space<hbm>>) target(%dma_start3A_289 : memref<128xi32, #tpu.memory_space<vmem>>) target_semaphore(%arg16 : memref<!tpu.dma_semaphore, #tpu.memory_space<semaphore_mem>>)
        %mul3A_291 = arith.constant 128 : i32
        %mul3A_292 = arith.muli %add3A_277, %mul3A_291 : i32
        %add3A_293 = arith.addi %mul3A_2, %mul3A_292 : i32
        %dma_start3A_294 = arith.constant 1 : i32
        %dma_start3A_295 = arith.constant 0 : i32
        %dma_start3A_296 = tpu.memref_slice %arg8[%dma_start3A_294, %dma_start3A_295] : memref<4x128xi32, #tpu.memory_space<vmem>> -> memref<1x128xi32, #tpu.memory_space<vmem>>
        %dma_start3A_297 = tpu.memref_squeeze %dma_start3A_296 : memref<1x128xi32, #tpu.memory_space<vmem>> -> memref<128xi32, #tpu.memory_space<vmem>>
        %dma_start3A_298 = tpu.memref_slice %arg3[%add3A_293] : memref<320000xi32, #tpu.memory_space<hbm>> -> memref<128xi32, #tpu.memory_space<hbm>>
        %dma_start3A_299 = arith.constant 0 : i32
        %dma_start3A_300 = tpu.memref_slice %arg8[%dma_start3A_294, %dma_start3A_299] : memref<4x128xi32, #tpu.memory_space<vmem>> -> memref<1x128xi32, #tpu.memory_space<vmem>>
        %dma_start3A_301 = tpu.memref_squeeze %dma_start3A_300 : memref<1x128xi32, #tpu.memory_space<vmem>> -> memref<128xi32, #tpu.memory_space<vmem>>
        %dma_start3A_302 = tpu.memref_slice %arg3[%add3A_293] : memref<320000xi32, #tpu.memory_space<hbm>> -> memref<128xi32, #tpu.memory_space<hbm>>
        tpu.enqueue_dma source(%dma_start3A_302 : memref<128xi32, #tpu.memory_space<hbm>>) target(%dma_start3A_301 : memref<128xi32, #tpu.memory_space<vmem>>) target_semaphore(%arg16 : memref<!tpu.dma_semaphore, #tpu.memory_space<semaphore_mem>>)
      } else {
      }
      %add3A_242 = arith.constant 3 : i32
      %add3A_243 = arith.addi %mul3A_143, %add3A_242 : i32
      %dma_wait3A_244 = arith.constant 0 : i32
      %dma_wait3A_245 = arith.constant 0 : i32
      %dma_wait3A_246 = tpu.memref_slice %arg4[%dma_wait3A_244, %dma_wait3A_245] : memref<20000x128xf32, #tpu.memory_space<hbm>> -> memref<128x128xf32, #tpu.memory_space<hbm>>
      %dma_wait3A_247 = arith.constant 0 : i32
      %dma_wait3A_248 = arith.constant 0 : i32
      %dma_wait3A_249 = tpu.memref_slice %arg4[%dma_wait3A_247, %dma_wait3A_248] : memref<20000x128xf32, #tpu.memory_space<hbm>> -> memref<128x128xf32, #tpu.memory_space<hbm>>
      tpu.wait_dma2 semaphore(%arg20 : memref<!tpu.dma_semaphore, #tpu.memory_space<semaphore_mem>>) src(%dma_wait3A_249 : memref<128x128xf32, #tpu.memory_space<hbm>>) dst(%arg10 : memref<128x128xf32, #tpu.memory_space<vmem>>)
      %dma_start3A_250 = arith.constant 3 : i32
      %dma_start3A_251 = arith.constant 0 : i32
      %dma_start3A_252 = tpu.memref_slice %arg8[%dma_start3A_250, %dma_start3A_251] : memref<4x128xi32, #tpu.memory_space<vmem>> -> memref<1x128xi32, #tpu.memory_space<vmem>>
      %dma_start3A_253 = tpu.memref_squeeze %dma_start3A_252 : memref<1x128xi32, #tpu.memory_space<vmem>> -> memref<128xi32, #tpu.memory_space<vmem>>
      %dma_start3A_254 = arith.constant 0 : i32
      %dma_start3A_255 = arith.constant 0 : i32
      %dma_start3A_256 = tpu.memref_slice %arg14[%dma_start3A_254, %dma_start3A_255] : memref<10240x128xf32, #tpu.memory_space<vmem_shared>> -> memref<10240x128xf32, #tpu.memory_space<vmem_shared>>
      tpu.enqueue_indirect_dma source(%arg10 : memref<128x128xf32, #tpu.memory_space<vmem>>) target(%dma_start3A_256 : memref<10240x128xf32, #tpu.memory_space<vmem_shared>>) offsets(%dma_start3A_253 : memref<128xi32, #tpu.memory_space<vmem>>) semaphore(%arg22 : memref<!tpu.dma_semaphore, #tpu.memory_space<semaphore_mem>>) {add = true}
      %ge3A_257 = arith.constant 1 : i32
      %ge3A_258 = arith.cmpi sge, %add3A_243, %ge3A_257 : i32
      %convert_element_type3A_259 = arith.extui %ge3A_258 : i1 to i32
      %cond3A_260 = arith.constant 0 : i32
      %cond3A_261 = arith.cmpi ne, %convert_element_type3A_259, %cond3A_260 : i32
      scf.if %cond3A_261 {
        %dma_wait3A_276 = arith.constant 2 : i32
        %dma_wait3A_277 = arith.constant 0 : i32
        %dma_wait3A_278 = tpu.memref_slice %arg8[%dma_wait3A_276, %dma_wait3A_277] : memref<4x128xi32, #tpu.memory_space<vmem>> -> memref<1x128xi32, #tpu.memory_space<vmem>>
        %dma_wait3A_279 = tpu.memref_squeeze %dma_wait3A_278 : memref<1x128xi32, #tpu.memory_space<vmem>> -> memref<128xi32, #tpu.memory_space<vmem>>
        %dma_wait3A_280 = arith.constant 0 : i32
        %dma_wait3A_281 = arith.constant 0 : i32
        %dma_wait3A_282 = tpu.memref_slice %arg14[%dma_wait3A_280, %dma_wait3A_281] : memref<10240x128xf32, #tpu.memory_space<vmem_shared>> -> memref<10240x128xf32, #tpu.memory_space<vmem_shared>>
        tpu.wait_indirect_dma semaphore(%arg21 : memref<!tpu.dma_semaphore, #tpu.memory_space<semaphore_mem>>) src(%arg9 : memref<128x128xf32, #tpu.memory_space<vmem>>) dst(%dma_wait3A_282 : memref<10240x128xf32, #tpu.memory_space<vmem_shared>>)
      } else {
      }
      %add3A_262 = arith.constant 1 : i32
      %add3A_263 = arith.addi %add3A_243, %add3A_262 : i32
      %lt3A_264 = arith.constant 156 : i32
      %lt3A_265 = arith.cmpi slt, %add3A_263, %lt3A_264 : i32
      %convert_element_type3A_266 = arith.extui %lt3A_265 : i1 to i32
      %cond3A_267 = arith.constant 0 : i32
      %cond3A_268 = arith.cmpi ne, %convert_element_type3A_266, %cond3A_267 : i32
      scf.if %cond3A_268 {
        %dma_wait3A_276 = arith.constant 0 : i32
        %dma_wait3A_277 = arith.constant 0 : i32
        %dma_wait3A_278 = tpu.memref_slice %arg7[%dma_wait3A_276, %dma_wait3A_277] : memref<4x128xi32, #tpu.memory_space<vmem>> -> memref<1x128xi32, #tpu.memory_space<vmem>>
        %dma_wait3A_279 = tpu.memref_squeeze %dma_wait3A_278 : memref<1x128xi32, #tpu.memory_space<vmem>> -> memref<128xi32, #tpu.memory_space<vmem>>
        %dma_wait3A_280 = arith.constant 0 : i32
        %dma_wait3A_281 = tpu.memref_slice %arg3[%dma_wait3A_280] : memref<320000xi32, #tpu.memory_space<hbm>> -> memref<128xi32, #tpu.memory_space<hbm>>
        %dma_wait3A_282 = arith.constant 0 : i32
        %dma_wait3A_283 = tpu.memref_slice %arg7[%dma_wait3A_276, %dma_wait3A_282] : memref<4x128xi32, #tpu.memory_space<vmem>> -> memref<1x128xi32, #tpu.memory_space<vmem>>
        %dma_wait3A_284 = tpu.memref_squeeze %dma_wait3A_283 : memref<1x128xi32, #tpu.memory_space<vmem>> -> memref<128xi32, #tpu.memory_space<vmem>>
        %dma_wait3A_285 = arith.constant 0 : i32
        %dma_wait3A_286 = tpu.memref_slice %arg3[%dma_wait3A_285] : memref<320000xi32, #tpu.memory_space<hbm>> -> memref<128xi32, #tpu.memory_space<hbm>>
        tpu.wait_dma2 semaphore(%arg15 : memref<!tpu.dma_semaphore, #tpu.memory_space<semaphore_mem>>) src(%dma_wait3A_286 : memref<128xi32, #tpu.memory_space<hbm>>) dst(%dma_wait3A_284 : memref<128xi32, #tpu.memory_space<vmem>>)
        %dma_wait3A_287 = arith.constant 0 : i32
        %dma_wait3A_288 = arith.constant 0 : i32
        %dma_wait3A_289 = tpu.memref_slice %arg8[%dma_wait3A_287, %dma_wait3A_288] : memref<4x128xi32, #tpu.memory_space<vmem>> -> memref<1x128xi32, #tpu.memory_space<vmem>>
        %dma_wait3A_290 = tpu.memref_squeeze %dma_wait3A_289 : memref<1x128xi32, #tpu.memory_space<vmem>> -> memref<128xi32, #tpu.memory_space<vmem>>
        %dma_wait3A_291 = arith.constant 0 : i32
        %dma_wait3A_292 = tpu.memref_slice %arg3[%dma_wait3A_291] : memref<320000xi32, #tpu.memory_space<hbm>> -> memref<128xi32, #tpu.memory_space<hbm>>
        %dma_wait3A_293 = arith.constant 0 : i32
        %dma_wait3A_294 = tpu.memref_slice %arg8[%dma_wait3A_287, %dma_wait3A_293] : memref<4x128xi32, #tpu.memory_space<vmem>> -> memref<1x128xi32, #tpu.memory_space<vmem>>
        %dma_wait3A_295 = tpu.memref_squeeze %dma_wait3A_294 : memref<1x128xi32, #tpu.memory_space<vmem>> -> memref<128xi32, #tpu.memory_space<vmem>>
        %dma_wait3A_296 = arith.constant 0 : i32
        %dma_wait3A_297 = tpu.memref_slice %arg3[%dma_wait3A_296] : memref<320000xi32, #tpu.memory_space<hbm>> -> memref<128xi32, #tpu.memory_space<hbm>>
        tpu.wait_dma2 semaphore(%arg15 : memref<!tpu.dma_semaphore, #tpu.memory_space<semaphore_mem>>) src(%dma_wait3A_297 : memref<128xi32, #tpu.memory_space<hbm>>) dst(%dma_wait3A_295 : memref<128xi32, #tpu.memory_space<vmem>>)
        %dma_start3A_298 = arith.constant 0 : i32
        %dma_start3A_299 = arith.constant 0 : i32
        %dma_start3A_300 = tpu.memref_slice %arg7[%dma_start3A_298, %dma_start3A_299] : memref<4x128xi32, #tpu.memory_space<vmem>> -> memref<1x128xi32, #tpu.memory_space<vmem>>
        %dma_start3A_301 = tpu.memref_squeeze %dma_start3A_300 : memref<1x128xi32, #tpu.memory_space<vmem>> -> memref<128xi32, #tpu.memory_space<vmem>>
        %dma_start3A_302 = arith.constant 0 : i32
        %dma_start3A_303 = arith.constant 0 : i32
        %dma_start3A_304 = tpu.memref_slice %arg4[%dma_start3A_302, %dma_start3A_303] : memref<20000x128xf32, #tpu.memory_space<hbm>> -> memref<20000x128xf32, #tpu.memory_space<hbm>>
        tpu.enqueue_indirect_dma source(%dma_start3A_304 : memref<20000x128xf32, #tpu.memory_space<hbm>>) target(%arg9 : memref<128x128xf32, #tpu.memory_space<vmem>>) offsets(%dma_start3A_301 : memref<128xi32, #tpu.memory_space<vmem>>) semaphore(%arg19 : memref<!tpu.dma_semaphore, #tpu.memory_space<semaphore_mem>>)
      } else {
      }
      %add3A_269 = arith.constant 3 : i32
      %add3A_270 = arith.addi %add3A_243, %add3A_269 : i32
      %lt3A_271 = arith.constant 156 : i32
      %lt3A_272 = arith.cmpi slt, %add3A_270, %lt3A_271 : i32
      %convert_element_type3A_273 = arith.extui %lt3A_272 : i1 to i32
      %cond3A_274 = arith.constant 0 : i32
      %cond3A_275 = arith.cmpi ne, %convert_element_type3A_273, %cond3A_274 : i32
      scf.if %cond3A_275 {
        %add3A_276 = arith.constant 3 : i32
        %add3A_277 = arith.addi %add3A_243, %add3A_276 : i32
        %add3A_278 = arith.addi %mul3A_4, %mul3A_2 : i32
        %mul3A_279 = arith.constant 128 : i32
        %mul3A_280 = arith.muli %add3A_277, %mul3A_279 : i32
        %add3A_281 = arith.addi %add3A_278, %mul3A_280 : i32
        %dma_start3A_282 = arith.constant 2 : i32
        %dma_start3A_283 = arith.constant 0 : i32
        %dma_start3A_284 = tpu.memref_slice %arg7[%dma_start3A_282, %dma_start3A_283] : memref<4x128xi32, #tpu.memory_space<vmem>> -> memref<1x128xi32, #tpu.memory_space<vmem>>
        %dma_start3A_285 = tpu.memref_squeeze %dma_start3A_284 : memref<1x128xi32, #tpu.memory_space<vmem>> -> memref<128xi32, #tpu.memory_space<vmem>>
        %dma_start3A_286 = tpu.memref_slice %arg2[%add3A_281] : memref<640000xi32, #tpu.memory_space<hbm>> -> memref<128xi32, #tpu.memory_space<hbm>>
        %dma_start3A_287 = arith.constant 0 : i32
        %dma_start3A_288 = tpu.memref_slice %arg7[%dma_start3A_282, %dma_start3A_287] : memref<4x128xi32, #tpu.memory_space<vmem>> -> memref<1x128xi32, #tpu.memory_space<vmem>>
        %dma_start3A_289 = tpu.memref_squeeze %dma_start3A_288 : memref<1x128xi32, #tpu.memory_space<vmem>> -> memref<128xi32, #tpu.memory_space<vmem>>
        %dma_start3A_290 = tpu.memref_slice %arg2[%add3A_281] : memref<640000xi32, #tpu.memory_space<hbm>> -> memref<128xi32, #tpu.memory_space<hbm>>
        tpu.enqueue_dma source(%dma_start3A_290 : memref<128xi32, #tpu.memory_space<hbm>>) target(%dma_start3A_289 : memref<128xi32, #tpu.memory_space<vmem>>) target_semaphore(%arg17 : memref<!tpu.dma_semaphore, #tpu.memory_space<semaphore_mem>>)
        %mul3A_291 = arith.constant 128 : i32
        %mul3A_292 = arith.muli %add3A_277, %mul3A_291 : i32
        %add3A_293 = arith.addi %mul3A_2, %mul3A_292 : i32
        %dma_start3A_294 = arith.constant 2 : i32
        %dma_start3A_295 = arith.constant 0 : i32
        %dma_start3A_296 = tpu.memref_slice %arg8[%dma_start3A_294, %dma_start3A_295] : memref<4x128xi32, #tpu.memory_space<vmem>> -> memref<1x128xi32, #tpu.memory_space<vmem>>
        %dma_start3A_297 = tpu.memref_squeeze %dma_start3A_296 : memref<1x128xi32, #tpu.memory_space<vmem>> -> memref<128xi32, #tpu.memory_space<vmem>>
        %dma_start3A_298 = tpu.memref_slice %arg3[%add3A_293] : memref<320000xi32, #tpu.memory_space<hbm>> -> memref<128xi32, #tpu.memory_space<hbm>>
        %dma_start3A_299 = arith.constant 0 : i32
        %dma_start3A_300 = tpu.memref_slice %arg8[%dma_start3A_294, %dma_start3A_299] : memref<4x128xi32, #tpu.memory_space<vmem>> -> memref<1x128xi32, #tpu.memory_space<vmem>>
        %dma_start3A_301 = tpu.memref_squeeze %dma_start3A_300 : memref<1x128xi32, #tpu.memory_space<vmem>> -> memref<128xi32, #tpu.memory_space<vmem>>
        %dma_start3A_302 = tpu.memref_slice %arg3[%add3A_293] : memref<320000xi32, #tpu.memory_space<hbm>> -> memref<128xi32, #tpu.memory_space<hbm>>
        tpu.enqueue_dma source(%dma_start3A_302 : memref<128xi32, #tpu.memory_space<hbm>>) target(%dma_start3A_301 : memref<128xi32, #tpu.memory_space<vmem>>) target_semaphore(%arg17 : memref<!tpu.dma_semaphore, #tpu.memory_space<semaphore_mem>>)
      } else {
      }
    }
    %scan3A_104 = arith.constant 39 : i32
    %dma_wait3A_105 = arith.constant 3 : i32
    %dma_wait3A_106 = arith.constant 0 : i32
    %dma_wait3A_107 = tpu.memref_slice %arg8[%dma_wait3A_105, %dma_wait3A_106] : memref<4x128xi32, #tpu.memory_space<vmem>> -> memref<1x128xi32, #tpu.memory_space<vmem>>
    %dma_wait3A_108 = tpu.memref_squeeze %dma_wait3A_107 : memref<1x128xi32, #tpu.memory_space<vmem>> -> memref<128xi32, #tpu.memory_space<vmem>>
    %dma_wait3A_109 = arith.constant 0 : i32
    %dma_wait3A_110 = arith.constant 0 : i32
    %dma_wait3A_111 = tpu.memref_slice %arg14[%dma_wait3A_109, %dma_wait3A_110] : memref<10240x128xf32, #tpu.memory_space<vmem_shared>> -> memref<10240x128xf32, #tpu.memory_space<vmem_shared>>
    tpu.wait_indirect_dma semaphore(%arg22 : memref<!tpu.dma_semaphore, #tpu.memory_space<semaphore_mem>>) src(%arg10 : memref<128x128xf32, #tpu.memory_space<vmem>>) dst(%dma_wait3A_111 : memref<10240x128xf32, #tpu.memory_space<vmem_shared>>)
    %add3A_112 = arith.constant 19968 : i32
    %add3A_113 = arith.addi %mul3A_2, %add3A_112 : i32
    %add3A_114 = arith.addi %mul3A_4, %add3A_113 : i32
    %dma_start3A_115 = tpu.memref_slice %arg2[%add3A_114] : memref<640000xi32, #tpu.memory_space<hbm>> -> memref<32xi32, #tpu.memory_space<hbm>>
    %dma_start3A_116 = tpu.memref_slice %arg2[%add3A_114] : memref<640000xi32, #tpu.memory_space<hbm>> -> memref<32xi32, #tpu.memory_space<hbm>>
    tpu.enqueue_dma source(%dma_start3A_116 : memref<32xi32, #tpu.memory_space<hbm>>) target(%arg11 : memref<32xi32, #tpu.memory_space<vmem>>) target_semaphore(%arg15 : memref<!tpu.dma_semaphore, #tpu.memory_space<semaphore_mem>>)
    %dma_start3A_117 = tpu.memref_slice %arg3[%add3A_113] : memref<320000xi32, #tpu.memory_space<hbm>> -> memref<32xi32, #tpu.memory_space<hbm>>
    %dma_start3A_118 = tpu.memref_slice %arg3[%add3A_113] : memref<320000xi32, #tpu.memory_space<hbm>> -> memref<32xi32, #tpu.memory_space<hbm>>
    tpu.enqueue_dma source(%dma_start3A_118 : memref<32xi32, #tpu.memory_space<hbm>>) target(%arg12 : memref<32xi32, #tpu.memory_space<vmem>>) target_semaphore(%arg15 : memref<!tpu.dma_semaphore, #tpu.memory_space<semaphore_mem>>)
    %dma_wait3A_119 = arith.constant 0 : i32
    %dma_wait3A_120 = tpu.memref_slice %arg3[%dma_wait3A_119] : memref<320000xi32, #tpu.memory_space<hbm>> -> memref<32xi32, #tpu.memory_space<hbm>>
    %dma_wait3A_121 = arith.constant 0 : i32
    %dma_wait3A_122 = tpu.memref_slice %arg3[%dma_wait3A_121] : memref<320000xi32, #tpu.memory_space<hbm>> -> memref<32xi32, #tpu.memory_space<hbm>>
    tpu.wait_dma2 semaphore(%arg15 : memref<!tpu.dma_semaphore, #tpu.memory_space<semaphore_mem>>) src(%dma_wait3A_122 : memref<32xi32, #tpu.memory_space<hbm>>) dst(%arg11 : memref<32xi32, #tpu.memory_space<vmem>>)
    %dma_wait3A_123 = arith.constant 0 : i32
    %dma_wait3A_124 = tpu.memref_slice %arg3[%dma_wait3A_123] : memref<320000xi32, #tpu.memory_space<hbm>> -> memref<32xi32, #tpu.memory_space<hbm>>
    %dma_wait3A_125 = arith.constant 0 : i32
    %dma_wait3A_126 = tpu.memref_slice %arg3[%dma_wait3A_125] : memref<320000xi32, #tpu.memory_space<hbm>> -> memref<32xi32, #tpu.memory_space<hbm>>
    tpu.wait_dma2 semaphore(%arg15 : memref<!tpu.dma_semaphore, #tpu.memory_space<semaphore_mem>>) src(%dma_wait3A_126 : memref<32xi32, #tpu.memory_space<hbm>>) dst(%arg12 : memref<32xi32, #tpu.memory_space<vmem>>)
    %dma_start3A_127 = arith.constant 0 : i32
    %dma_start3A_128 = arith.constant 0 : i32
    %dma_start3A_129 = tpu.memref_slice %arg4[%dma_start3A_127, %dma_start3A_128] : memref<20000x128xf32, #tpu.memory_space<hbm>> -> memref<20000x128xf32, #tpu.memory_space<hbm>>
    tpu.enqueue_indirect_dma source(%dma_start3A_129 : memref<20000x128xf32, #tpu.memory_space<hbm>>) target(%arg13 : memref<32x128xf32, #tpu.memory_space<vmem>>) offsets(%arg11 : memref<32xi32, #tpu.memory_space<vmem>>) semaphore(%arg19 : memref<!tpu.dma_semaphore, #tpu.memory_space<semaphore_mem>>)
    %dma_wait3A_130 = arith.constant 0 : i32
    %dma_wait3A_131 = arith.constant 0 : i32
    %dma_wait3A_132 = tpu.memref_slice %arg4[%dma_wait3A_130, %dma_wait3A_131] : memref<20000x128xf32, #tpu.memory_space<hbm>> -> memref<20000x128xf32, #tpu.memory_space<hbm>>
    tpu.wait_indirect_dma semaphore(%arg19 : memref<!tpu.dma_semaphore, #tpu.memory_space<semaphore_mem>>) src(%dma_wait3A_132 : memref<20000x128xf32, #tpu.memory_space<hbm>>) dst(%arg13 : memref<32x128xf32, #tpu.memory_space<vmem>>)
    "tpu.region"() ({
      %run_scoped3A = tpu.sem_alloc : memref<!tpu.dma_semaphore, #tpu.memory_space<semaphore_mem>>
      %dma_start3A_141 = arith.constant 0 : i32
      %dma_start3A_142 = arith.constant 0 : i32
      %dma_start3A_143 = tpu.memref_slice %arg14[%dma_start3A_141, %dma_start3A_142] : memref<10240x128xf32, #tpu.memory_space<vmem_shared>> -> memref<10240x128xf32, #tpu.memory_space<vmem_shared>>
      tpu.enqueue_indirect_dma source(%arg13 : memref<32x128xf32, #tpu.memory_space<vmem>>) target(%dma_start3A_143 : memref<10240x128xf32, #tpu.memory_space<vmem_shared>>) offsets(%arg12 : memref<32xi32, #tpu.memory_space<vmem>>) semaphore(%run_scoped3A : memref<!tpu.dma_semaphore, #tpu.memory_space<semaphore_mem>>) {add = true}
      %dma_wait3A_144 = arith.constant 0 : i32
      %dma_wait3A_145 = arith.constant 0 : i32
      %dma_wait3A_146 = tpu.memref_slice %arg14[%dma_wait3A_144, %dma_wait3A_145] : memref<10240x128xf32, #tpu.memory_space<vmem_shared>> -> memref<10240x128xf32, #tpu.memory_space<vmem_shared>>
      tpu.wait_indirect_dma semaphore(%run_scoped3A : memref<!tpu.dma_semaphore, #tpu.memory_space<semaphore_mem>>) src(%arg13 : memref<32x128xf32, #tpu.memory_space<vmem>>) dst(%dma_wait3A_146 : memref<10240x128xf32, #tpu.memory_space<vmem_shared>>)
      tpu.yield
    }) : () -> ()
    %barrier3A_133 = arith.constant 0 : index
    tpu.barrier barrier_id(%barrier3A_133)
    %mul3A_134 = arith.constant 640 : i32
    %mul3A_135 = arith.muli %arg1, %mul3A_134 : i32
    %mul3A_136 = arith.constant 10240 : i32
    %mul3A_137 = arith.muli %arg0, %mul3A_136 : i32
    %mul3A_138 = arith.constant 640 : i32
    %mul3A_139 = arith.muli %arg1, %mul3A_138 : i32
    %add3A_140 = arith.addi %mul3A_137, %mul3A_139 : i32
    "tpu.region"() ({
      %run_scoped3A = tpu.sem_alloc : memref<!tpu.dma_semaphore, #tpu.memory_space<semaphore_mem>>
      %dma_start3A_141 = arith.constant 0 : i32
      %dma_start3A_142 = tpu.memref_slice %arg6[%add3A_140, %dma_start3A_141] : memref<20480x128xf32, #tpu.memory_space<hbm>> -> memref<640x128xf32, #tpu.memory_space<hbm>>
      %dma_start3A_143 = arith.constant 0 : i32
      %dma_start3A_144 = tpu.memref_slice %arg14[%mul3A_135, %dma_start3A_143] : memref<10240x128xf32, #tpu.memory_space<vmem_shared>> -> memref<640x128xf32, #tpu.memory_space<vmem_shared>>
      tpu.enqueue_dma source(%dma_start3A_144 : memref<640x128xf32, #tpu.memory_space<vmem_shared>>) target(%dma_start3A_142 : memref<640x128xf32, #tpu.memory_space<hbm>>) target_semaphore(%run_scoped3A : memref<!tpu.dma_semaphore, #tpu.memory_space<semaphore_mem>>)
      %dma_wait3A_145 = arith.constant 0 : i32
      %dma_wait3A_146 = tpu.memref_slice %arg6[%add3A_140, %dma_wait3A_145] : memref<20480x128xf32, #tpu.memory_space<hbm>> -> memref<640x128xf32, #tpu.memory_space<hbm>>
      %dma_wait3A_147 = arith.constant 0 : i32
      %dma_wait3A_148 = tpu.memref_slice %arg14[%mul3A_135, %dma_wait3A_147] : memref<10240x128xf32, #tpu.memory_space<vmem_shared>> -> memref<640x128xf32, #tpu.memory_space<vmem_shared>>
      tpu.wait_dma2 semaphore(%run_scoped3A : memref<!tpu.dma_semaphore, #tpu.memory_space<semaphore_mem>>) src(%dma_wait3A_148 : memref<640x128xf32, #tpu.memory_space<vmem_shared>>) dst(%dma_wait3A_146 : memref<640x128xf32, #tpu.memory_space<hbm>>)
      tpu.yield
    }) : () -> ()
    return
  }
}

#map = affine_map<(d0, d1) -> (0)>
#map1 = affine_map<(d0, d1) -> (0, 0)>
module attributes {stable_mosaic.version = 14 : i64} {
  func.func @_sc_hist_perm(%arg0: i32, %arg1: i32, %arg2: memref<320000xi32, #tpu.memory_space<hbm>>, %arg3: memref<10240xi32, #tpu.memory_space<hbm>>, %arg4: memref<10000x128xf32, #tpu.memory_space<hbm>>, %arg5: memref<128x128xf32, #tpu.memory_space<hbm>>, %arg6: memref<640x128xf32, #tpu.memory_space<hbm>>, %arg7: memref<20480x128xf32, #tpu.memory_space<hbm>>, %arg8: memref<10240x128xf32, #tpu.memory_space<hbm>>, %arg9: memref<128xi32, #tpu.memory_space<vmem>>, %arg10: memref<128xi32, #tpu.memory_space<vmem>>, %arg11: memref<128x128xf32, #tpu.memory_space<vmem>>, %arg12: memref<16xi32, #tpu.memory_space<vmem>>, %arg13: memref<80xi32, #tpu.memory_space<vmem>>, %arg14: memref<80x128xf32, #tpu.memory_space<vmem>>, %arg15: memref<10240x128xf32, #tpu.memory_space<vmem_shared>>, %arg16: memref<!tpu.dma_semaphore, #tpu.memory_space<semaphore_mem>>, %arg17: memref<!tpu.dma_semaphore, #tpu.memory_space<semaphore_mem>>, %arg18: memref<!tpu.dma_semaphore, #tpu.memory_space<semaphore_mem>>, %arg19: memref<!tpu.dma_semaphore, #tpu.memory_space<semaphore_mem>>) attributes {dimension_semantics = [#tpu.dimension_semantics<core_parallel>, #tpu.dimension_semantics<subcore_parallel>], iteration_bounds = array<i64: 2, 16>, scalar_prefetch = 0 : i64, scratch_operands = 11 : i64, tpu.core_type = #tpu.core_type<sc_vector_subcore>, window_params = [{transform_indices = #map}, {transform_indices = #map}, {transform_indices = #map1}, {transform_indices = #map1}, {transform_indices = #map1}, {transform_indices = #map1}, {transform_indices = #map1}]} {
    %mul3A = arith.constant 16 : i32
    %mul3A_0 = arith.muli %arg0, %mul3A : i32
    %add3A = arith.addi %mul3A_0, %arg1 : i32
    %mul3A_1 = arith.constant 640 : i32
    %mul3A_2 = arith.muli %arg1, %mul3A_1 : i32
    "tpu.region"() ({
      %run_scoped3A = tpu.sem_alloc : memref<!tpu.dma_semaphore, #tpu.memory_space<semaphore_mem>>
      %dma_start3A_36 = arith.constant 0 : i32
      %dma_start3A_37 = tpu.memref_slice %arg15[%mul3A_2, %dma_start3A_36] : memref<10240x128xf32, #tpu.memory_space<vmem_shared>> -> memref<640x128xf32, #tpu.memory_space<vmem_shared>>
      tpu.enqueue_dma source(%arg6 : memref<640x128xf32, #tpu.memory_space<hbm>>) target(%dma_start3A_37 : memref<640x128xf32, #tpu.memory_space<vmem_shared>>) target_semaphore(%run_scoped3A : memref<!tpu.dma_semaphore, #tpu.memory_space<semaphore_mem>>)
      %dma_wait3A_38 = arith.constant 0 : i32
      %dma_wait3A_39 = tpu.memref_slice %arg15[%mul3A_2, %dma_wait3A_38] : memref<10240x128xf32, #tpu.memory_space<vmem_shared>> -> memref<640x128xf32, #tpu.memory_space<vmem_shared>>
      tpu.wait_dma2 semaphore(%run_scoped3A : memref<!tpu.dma_semaphore, #tpu.memory_space<semaphore_mem>>) src(%arg6 : memref<640x128xf32, #tpu.memory_space<hbm>>) dst(%dma_wait3A_39 : memref<640x128xf32, #tpu.memory_space<vmem_shared>>)
      tpu.yield
    }) : () -> ()
    "tpu.region"() ({
      %run_scoped3A = tpu.sem_alloc : memref<!tpu.dma_semaphore, #tpu.memory_space<semaphore_mem>>
      tpu.enqueue_dma source(%arg5 : memref<128x128xf32, #tpu.memory_space<hbm>>) target(%arg11 : memref<128x128xf32, #tpu.memory_space<vmem>>) target_semaphore(%run_scoped3A : memref<!tpu.dma_semaphore, #tpu.memory_space<semaphore_mem>>)
      tpu.wait_dma2 semaphore(%run_scoped3A : memref<!tpu.dma_semaphore, #tpu.memory_space<semaphore_mem>>) src(%arg5 : memref<128x128xf32, #tpu.memory_space<hbm>>) dst(%arg11 : memref<128x128xf32, #tpu.memory_space<vmem>>)
      tpu.yield
    }) : () -> ()
    %barrier3A = arith.constant 0 : index
    tpu.barrier barrier_id(%barrier3A)
    %mul3A_3 = arith.constant 10000 : i32
    %mul3A_4 = arith.muli %add3A, %mul3A_3 : i32
    %add3A_5 = arith.constant 0 : i32
    %add3A_6 = arith.addi %mul3A_4, %add3A_5 : i32
    %dma_start3A = tpu.memref_slice %arg2[%add3A_6] : memref<320000xi32, #tpu.memory_space<hbm>> -> memref<128xi32, #tpu.memory_space<hbm>>
    %dma_start3A_7 = tpu.memref_slice %arg2[%add3A_6] : memref<320000xi32, #tpu.memory_space<hbm>> -> memref<128xi32, #tpu.memory_space<hbm>>
    tpu.enqueue_dma source(%dma_start3A_7 : memref<128xi32, #tpu.memory_space<hbm>>) target(%arg9 : memref<128xi32, #tpu.memory_space<vmem>>) target_semaphore(%arg16 : memref<!tpu.dma_semaphore, #tpu.memory_space<semaphore_mem>>)
    %add3A_8 = arith.constant 128 : i32
    %add3A_9 = arith.addi %mul3A_4, %add3A_8 : i32
    %dma_start3A_10 = tpu.memref_slice %arg2[%add3A_9] : memref<320000xi32, #tpu.memory_space<hbm>> -> memref<128xi32, #tpu.memory_space<hbm>>
    %dma_start3A_11 = tpu.memref_slice %arg2[%add3A_9] : memref<320000xi32, #tpu.memory_space<hbm>> -> memref<128xi32, #tpu.memory_space<hbm>>
    tpu.enqueue_dma source(%dma_start3A_11 : memref<128xi32, #tpu.memory_space<hbm>>) target(%arg10 : memref<128xi32, #tpu.memory_space<vmem>>) target_semaphore(%arg17 : memref<!tpu.dma_semaphore, #tpu.memory_space<semaphore_mem>>)
    %scan3A = arith.constant 0 : i32
    %scan3A_12 = arith.constant 0 : i32
    %scan3A_13 = arith.constant 39 : i32
    %scan3A_14 = arith.addi %scan3A_12, %scan3A_13 : i32
    %scan3A_15 = arith.constant 1 : i32
    scf.for %scan3A_36 = %scan3A_12 to %scan3A_14 step %scan3A_15  : i32 {
      %mul3A_37 = arith.constant 2 : i32
      %mul3A_38 = arith.muli %mul3A_37, %scan3A_36 : i32
      %dma_wait3A_39 = arith.constant 0 : i32
      %dma_wait3A_40 = tpu.memref_slice %arg2[%dma_wait3A_39] : memref<320000xi32, #tpu.memory_space<hbm>> -> memref<128xi32, #tpu.memory_space<hbm>>
      %dma_wait3A_41 = arith.constant 0 : i32
      %dma_wait3A_42 = tpu.memref_slice %arg2[%dma_wait3A_41] : memref<320000xi32, #tpu.memory_space<hbm>> -> memref<128xi32, #tpu.memory_space<hbm>>
      tpu.wait_dma2 semaphore(%arg16 : memref<!tpu.dma_semaphore, #tpu.memory_space<semaphore_mem>>) src(%dma_wait3A_42 : memref<128xi32, #tpu.memory_space<hbm>>) dst(%arg9 : memref<128xi32, #tpu.memory_space<vmem>>)
      "tpu.region"() ({
        %run_scoped3A = tpu.sem_alloc : memref<!tpu.dma_semaphore, #tpu.memory_space<semaphore_mem>>
        %dma_start3A_58 = arith.constant 0 : i32
        %dma_start3A_59 = arith.constant 0 : i32
        %dma_start3A_60 = tpu.memref_slice %arg15[%dma_start3A_58, %dma_start3A_59] : memref<10240x128xf32, #tpu.memory_space<vmem_shared>> -> memref<10240x128xf32, #tpu.memory_space<vmem_shared>>
        tpu.enqueue_indirect_dma source(%arg11 : memref<128x128xf32, #tpu.memory_space<vmem>>) target(%dma_start3A_60 : memref<10240x128xf32, #tpu.memory_space<vmem_shared>>) offsets(%arg9 : memref<128xi32, #tpu.memory_space<vmem>>) semaphore(%run_scoped3A : memref<!tpu.dma_semaphore, #tpu.memory_space<semaphore_mem>>) {add = true}
        %dma_wait3A_61 = arith.constant 0 : i32
        %dma_wait3A_62 = arith.constant 0 : i32
        %dma_wait3A_63 = tpu.memref_slice %arg15[%dma_wait3A_61, %dma_wait3A_62] : memref<10240x128xf32, #tpu.memory_space<vmem_shared>> -> memref<10240x128xf32, #tpu.memory_space<vmem_shared>>
        tpu.wait_indirect_dma semaphore(%run_scoped3A : memref<!tpu.dma_semaphore, #tpu.memory_space<semaphore_mem>>) src(%arg11 : memref<128x128xf32, #tpu.memory_space<vmem>>) dst(%dma_wait3A_63 : memref<10240x128xf32, #tpu.memory_space<vmem_shared>>)
        tpu.yield
      }) : () -> ()
      %add3A_43 = arith.constant 2 : i32
      %add3A_44 = arith.addi %mul3A_38, %add3A_43 : i32
      %lt3A = arith.constant 78 : i32
      %lt3A_45 = arith.cmpi slt, %add3A_44, %lt3A : i32
      %convert_element_type3A = arith.extui %lt3A_45 : i1 to i32
      %cond3A = arith.constant 0 : i32
      %cond3A_46 = arith.cmpi ne, %convert_element_type3A, %cond3A : i32
      scf.if %cond3A_46 {
        %add3A_58 = arith.constant 2 : i32
        %add3A_59 = arith.addi %mul3A_38, %add3A_58 : i32
        %mul3A_60 = arith.constant 128 : i32
        %mul3A_61 = arith.muli %add3A_59, %mul3A_60 : i32
        %add3A_62 = arith.addi %mul3A_4, %mul3A_61 : i32
        %dma_start3A_63 = tpu.memref_slice %arg2[%add3A_62] : memref<320000xi32, #tpu.memory_space<hbm>> -> memref<128xi32, #tpu.memory_space<hbm>>
        %dma_start3A_64 = tpu.memref_slice %arg2[%add3A_62] : memref<320000xi32, #tpu.memory_space<hbm>> -> memref<128xi32, #tpu.memory_space<hbm>>
        tpu.enqueue_dma source(%dma_start3A_64 : memref<128xi32, #tpu.memory_space<hbm>>) target(%arg9 : memref<128xi32, #tpu.memory_space<vmem>>) target_semaphore(%arg16 : memref<!tpu.dma_semaphore, #tpu.memory_space<semaphore_mem>>)
      } else {
      }
      %dma_wait3A_47 = arith.constant 0 : i32
      %dma_wait3A_48 = tpu.memref_slice %arg2[%dma_wait3A_47] : memref<320000xi32, #tpu.memory_space<hbm>> -> memref<128xi32, #tpu.memory_space<hbm>>
      %dma_wait3A_49 = arith.constant 0 : i32
      %dma_wait3A_50 = tpu.memref_slice %arg2[%dma_wait3A_49] : memref<320000xi32, #tpu.memory_space<hbm>> -> memref<128xi32, #tpu.memory_space<hbm>>
      tpu.wait_dma2 semaphore(%arg17 : memref<!tpu.dma_semaphore, #tpu.memory_space<semaphore_mem>>) src(%dma_wait3A_50 : memref<128xi32, #tpu.memory_space<hbm>>) dst(%arg10 : memref<128xi32, #tpu.memory_space<vmem>>)
      "tpu.region"() ({
        %run_scoped3A = tpu.sem_alloc : memref<!tpu.dma_semaphore, #tpu.memory_space<semaphore_mem>>
        %dma_start3A_58 = arith.constant 0 : i32
        %dma_start3A_59 = arith.constant 0 : i32
        %dma_start3A_60 = tpu.memref_slice %arg15[%dma_start3A_58, %dma_start3A_59] : memref<10240x128xf32, #tpu.memory_space<vmem_shared>> -> memref<10240x128xf32, #tpu.memory_space<vmem_shared>>
        tpu.enqueue_indirect_dma source(%arg11 : memref<128x128xf32, #tpu.memory_space<vmem>>) target(%dma_start3A_60 : memref<10240x128xf32, #tpu.memory_space<vmem_shared>>) offsets(%arg10 : memref<128xi32, #tpu.memory_space<vmem>>) semaphore(%run_scoped3A : memref<!tpu.dma_semaphore, #tpu.memory_space<semaphore_mem>>) {add = true}
        %dma_wait3A_61 = arith.constant 0 : i32
        %dma_wait3A_62 = arith.constant 0 : i32
        %dma_wait3A_63 = tpu.memref_slice %arg15[%dma_wait3A_61, %dma_wait3A_62] : memref<10240x128xf32, #tpu.memory_space<vmem_shared>> -> memref<10240x128xf32, #tpu.memory_space<vmem_shared>>
        tpu.wait_indirect_dma semaphore(%run_scoped3A : memref<!tpu.dma_semaphore, #tpu.memory_space<semaphore_mem>>) src(%arg11 : memref<128x128xf32, #tpu.memory_space<vmem>>) dst(%dma_wait3A_63 : memref<10240x128xf32, #tpu.memory_space<vmem_shared>>)
        tpu.yield
      }) : () -> ()
      %add3A_51 = arith.constant 3 : i32
      %add3A_52 = arith.addi %mul3A_38, %add3A_51 : i32
      %lt3A_53 = arith.constant 78 : i32
      %lt3A_54 = arith.cmpi slt, %add3A_52, %lt3A_53 : i32
      %convert_element_type3A_55 = arith.extui %lt3A_54 : i1 to i32
      %cond3A_56 = arith.constant 0 : i32
      %cond3A_57 = arith.cmpi ne, %convert_element_type3A_55, %cond3A_56 : i32
      scf.if %cond3A_57 {
        %add3A_58 = arith.constant 3 : i32
        %add3A_59 = arith.addi %mul3A_38, %add3A_58 : i32
        %mul3A_60 = arith.constant 128 : i32
        %mul3A_61 = arith.muli %add3A_59, %mul3A_60 : i32
        %add3A_62 = arith.addi %mul3A_4, %mul3A_61 : i32
        %dma_start3A_63 = tpu.memref_slice %arg2[%add3A_62] : memref<320000xi32, #tpu.memory_space<hbm>> -> memref<128xi32, #tpu.memory_space<hbm>>
        %dma_start3A_64 = tpu.memref_slice %arg2[%add3A_62] : memref<320000xi32, #tpu.memory_space<hbm>> -> memref<128xi32, #tpu.memory_space<hbm>>
        tpu.enqueue_dma source(%dma_start3A_64 : memref<128xi32, #tpu.memory_space<hbm>>) target(%arg10 : memref<128xi32, #tpu.memory_space<vmem>>) target_semaphore(%arg17 : memref<!tpu.dma_semaphore, #tpu.memory_space<semaphore_mem>>)
      } else {
      }
    }
    %scan3A_16 = arith.constant 39 : i32
    %add3A_17 = arith.constant 9984 : i32
    %add3A_18 = arith.addi %mul3A_4, %add3A_17 : i32
    %dma_start3A_19 = tpu.memref_slice %arg2[%add3A_18] : memref<320000xi32, #tpu.memory_space<hbm>> -> memref<16xi32, #tpu.memory_space<hbm>>
    %dma_start3A_20 = tpu.memref_slice %arg2[%add3A_18] : memref<320000xi32, #tpu.memory_space<hbm>> -> memref<16xi32, #tpu.memory_space<hbm>>
    tpu.enqueue_dma source(%dma_start3A_20 : memref<16xi32, #tpu.memory_space<hbm>>) target(%arg12 : memref<16xi32, #tpu.memory_space<vmem>>) target_semaphore(%arg16 : memref<!tpu.dma_semaphore, #tpu.memory_space<semaphore_mem>>)
    %dma_wait3A = tpu.memref_slice %arg2[%add3A_18] : memref<320000xi32, #tpu.memory_space<hbm>> -> memref<16xi32, #tpu.memory_space<hbm>>
    %dma_wait3A_21 = tpu.memref_slice %arg2[%add3A_18] : memref<320000xi32, #tpu.memory_space<hbm>> -> memref<16xi32, #tpu.memory_space<hbm>>
    tpu.wait_dma2 semaphore(%arg16 : memref<!tpu.dma_semaphore, #tpu.memory_space<semaphore_mem>>) src(%dma_wait3A_21 : memref<16xi32, #tpu.memory_space<hbm>>) dst(%arg12 : memref<16xi32, #tpu.memory_space<vmem>>)
    "tpu.region"() ({
      %run_scoped3A = tpu.sem_alloc : memref<!tpu.dma_semaphore, #tpu.memory_space<semaphore_mem>>
      %dma_start3A_36 = arith.constant 0 : i32
      %dma_start3A_37 = arith.constant 0 : i32
      %dma_start3A_38 = tpu.memref_slice %arg11[%dma_start3A_36, %dma_start3A_37] : memref<128x128xf32, #tpu.memory_space<vmem>> -> memref<16x128xf32, #tpu.memory_space<vmem>>
      %dma_start3A_39 = arith.constant 0 : i32
      %dma_start3A_40 = arith.constant 0 : i32
      %dma_start3A_41 = tpu.memref_slice %arg15[%dma_start3A_39, %dma_start3A_40] : memref<10240x128xf32, #tpu.memory_space<vmem_shared>> -> memref<10240x128xf32, #tpu.memory_space<vmem_shared>>
      tpu.enqueue_indirect_dma source(%dma_start3A_38 : memref<16x128xf32, #tpu.memory_space<vmem>>) target(%dma_start3A_41 : memref<10240x128xf32, #tpu.memory_space<vmem_shared>>) offsets(%arg12 : memref<16xi32, #tpu.memory_space<vmem>>) semaphore(%run_scoped3A : memref<!tpu.dma_semaphore, #tpu.memory_space<semaphore_mem>>) {add = true}
      %dma_wait3A_42 = arith.constant 0 : i32
      %dma_wait3A_43 = arith.constant 0 : i32
      %dma_wait3A_44 = tpu.memref_slice %arg11[%dma_wait3A_42, %dma_wait3A_43] : memref<128x128xf32, #tpu.memory_space<vmem>> -> memref<16x128xf32, #tpu.memory_space<vmem>>
      %dma_wait3A_45 = arith.constant 0 : i32
      %dma_wait3A_46 = arith.constant 0 : i32
      %dma_wait3A_47 = tpu.memref_slice %arg15[%dma_wait3A_45, %dma_wait3A_46] : memref<10240x128xf32, #tpu.memory_space<vmem_shared>> -> memref<10240x128xf32, #tpu.memory_space<vmem_shared>>
      tpu.wait_indirect_dma semaphore(%run_scoped3A : memref<!tpu.dma_semaphore, #tpu.memory_space<semaphore_mem>>) src(%dma_wait3A_44 : memref<16x128xf32, #tpu.memory_space<vmem>>) dst(%dma_wait3A_47 : memref<10240x128xf32, #tpu.memory_space<vmem_shared>>)
      tpu.yield
    }) : () -> ()
    %scan3A_22 = arith.constant 0 : i32
    %scan3A_23 = arith.constant 0 : i32
    %scan3A_24 = arith.constant 4 : i32
    %scan3A_25 = arith.addi %scan3A_23, %scan3A_24 : i32
    %scan3A_26 = arith.constant 1 : i32
    scf.for %scan3A_36 = %scan3A_23 to %scan3A_25 step %scan3A_26  : i32 {
      %mul3A_37 = arith.constant 320 : i32
      %mul3A_38 = arith.muli %add3A, %mul3A_37 : i32
      %mul3A_39 = arith.constant 80 : i32
      %mul3A_40 = arith.muli %scan3A_36, %mul3A_39 : i32
      %add3A_41 = arith.addi %mul3A_38, %mul3A_40 : i32
      %dma_start3A_42 = tpu.memref_slice %arg3[%add3A_41] : memref<10240xi32, #tpu.memory_space<hbm>> -> memref<80xi32, #tpu.memory_space<hbm>>
      %dma_start3A_43 = tpu.memref_slice %arg3[%add3A_41] : memref<10240xi32, #tpu.memory_space<hbm>> -> memref<80xi32, #tpu.memory_space<hbm>>
      tpu.enqueue_dma source(%dma_start3A_43 : memref<80xi32, #tpu.memory_space<hbm>>) target(%arg13 : memref<80xi32, #tpu.memory_space<vmem>>) target_semaphore(%arg18 : memref<!tpu.dma_semaphore, #tpu.memory_space<semaphore_mem>>)
      %dma_wait3A_44 = tpu.memref_slice %arg3[%add3A_41] : memref<10240xi32, #tpu.memory_space<hbm>> -> memref<80xi32, #tpu.memory_space<hbm>>
      %dma_wait3A_45 = tpu.memref_slice %arg3[%add3A_41] : memref<10240xi32, #tpu.memory_space<hbm>> -> memref<80xi32, #tpu.memory_space<hbm>>
      tpu.wait_dma2 semaphore(%arg18 : memref<!tpu.dma_semaphore, #tpu.memory_space<semaphore_mem>>) src(%dma_wait3A_45 : memref<80xi32, #tpu.memory_space<hbm>>) dst(%arg13 : memref<80xi32, #tpu.memory_space<vmem>>)
      %dma_start3A_46 = arith.constant 0 : i32
      %dma_start3A_47 = arith.constant 0 : i32
      %dma_start3A_48 = tpu.memref_slice %arg4[%dma_start3A_46, %dma_start3A_47] : memref<10000x128xf32, #tpu.memory_space<hbm>> -> memref<10000x128xf32, #tpu.memory_space<hbm>>
      tpu.enqueue_indirect_dma source(%dma_start3A_48 : memref<10000x128xf32, #tpu.memory_space<hbm>>) target(%arg14 : memref<80x128xf32, #tpu.memory_space<vmem>>) offsets(%arg13 : memref<80xi32, #tpu.memory_space<vmem>>) semaphore(%arg19 : memref<!tpu.dma_semaphore, #tpu.memory_space<semaphore_mem>>)
      %dma_wait3A_49 = arith.constant 0 : i32
      %dma_wait3A_50 = arith.constant 0 : i32
      %dma_wait3A_51 = tpu.memref_slice %arg4[%dma_wait3A_49, %dma_wait3A_50] : memref<10000x128xf32, #tpu.memory_space<hbm>> -> memref<10000x128xf32, #tpu.memory_space<hbm>>
      tpu.wait_indirect_dma semaphore(%arg19 : memref<!tpu.dma_semaphore, #tpu.memory_space<semaphore_mem>>) src(%dma_wait3A_51 : memref<10000x128xf32, #tpu.memory_space<hbm>>) dst(%arg14 : memref<80x128xf32, #tpu.memory_space<vmem>>)
      "tpu.region"() ({
        %run_scoped3A = tpu.sem_alloc : memref<!tpu.dma_semaphore, #tpu.memory_space<semaphore_mem>>
        %dma_start3A_52 = arith.constant 0 : i32
        %dma_start3A_53 = tpu.memref_slice %arg8[%add3A_41, %dma_start3A_52] : memref<10240x128xf32, #tpu.memory_space<hbm>> -> memref<80x128xf32, #tpu.memory_space<hbm>>
        %dma_start3A_54 = arith.constant 0 : i32
        %dma_start3A_55 = tpu.memref_slice %arg8[%add3A_41, %dma_start3A_54] : memref<10240x128xf32, #tpu.memory_space<hbm>> -> memref<80x128xf32, #tpu.memory_space<hbm>>
        tpu.enqueue_dma source(%arg14 : memref<80x128xf32, #tpu.memory_space<vmem>>) target(%dma_start3A_55 : memref<80x128xf32, #tpu.memory_space<hbm>>) target_semaphore(%run_scoped3A : memref<!tpu.dma_semaphore, #tpu.memory_space<semaphore_mem>>)
        %dma_wait3A_56 = arith.constant 0 : i32
        %dma_wait3A_57 = tpu.memref_slice %arg8[%add3A_41, %dma_wait3A_56] : memref<10240x128xf32, #tpu.memory_space<hbm>> -> memref<80x128xf32, #tpu.memory_space<hbm>>
        %dma_wait3A_58 = arith.constant 0 : i32
        %dma_wait3A_59 = tpu.memref_slice %arg8[%add3A_41, %dma_wait3A_58] : memref<10240x128xf32, #tpu.memory_space<hbm>> -> memref<80x128xf32, #tpu.memory_space<hbm>>
        tpu.wait_dma2 semaphore(%run_scoped3A : memref<!tpu.dma_semaphore, #tpu.memory_space<semaphore_mem>>) src(%arg14 : memref<80x128xf32, #tpu.memory_space<vmem>>) dst(%dma_wait3A_59 : memref<80x128xf32, #tpu.memory_space<hbm>>)
        tpu.yield
      }) : () -> ()
    }
    %scan3A_27 = arith.constant 4 : i32
    %barrier3A_28 = arith.constant 0 : index
    tpu.barrier barrier_id(%barrier3A_28)
    %mul3A_29 = arith.constant 640 : i32
    %mul3A_30 = arith.muli %arg1, %mul3A_29 : i32
    %mul3A_31 = arith.constant 10240 : i32
    %mul3A_32 = arith.muli %arg0, %mul3A_31 : i32
    %mul3A_33 = arith.constant 640 : i32
    %mul3A_34 = arith.muli %arg1, %mul3A_33 : i32
    %add3A_35 = arith.addi %mul3A_32, %mul3A_34 : i32
    "tpu.region"() ({
      %run_scoped3A = tpu.sem_alloc : memref<!tpu.dma_semaphore, #tpu.memory_space<semaphore_mem>>
      %dma_start3A_36 = arith.constant 0 : i32
      %dma_start3A_37 = tpu.memref_slice %arg7[%add3A_35, %dma_start3A_36] : memref<20480x128xf32, #tpu.memory_space<hbm>> -> memref<640x128xf32, #tpu.memory_space<hbm>>
      %dma_start3A_38 = arith.constant 0 : i32
      %dma_start3A_39 = tpu.memref_slice %arg15[%mul3A_30, %dma_start3A_38] : memref<10240x128xf32, #tpu.memory_space<vmem_shared>> -> memref<640x128xf32, #tpu.memory_space<vmem_shared>>
      tpu.enqueue_dma source(%dma_start3A_39 : memref<640x128xf32, #tpu.memory_space<vmem_shared>>) target(%dma_start3A_37 : memref<640x128xf32, #tpu.memory_space<hbm>>) target_semaphore(%run_scoped3A : memref<!tpu.dma_semaphore, #tpu.memory_space<semaphore_mem>>)
      %dma_wait3A_40 = arith.constant 0 : i32
      %dma_wait3A_41 = tpu.memref_slice %arg7[%add3A_35, %dma_wait3A_40] : memref<20480x128xf32, #tpu.memory_space<hbm>> -> memref<640x128xf32, #tpu.memory_space<hbm>>
      %dma_wait3A_42 = arith.constant 0 : i32
      %dma_wait3A_43 = tpu.memref_slice %arg15[%mul3A_30, %dma_wait3A_42] : memref<10240x128xf32, #tpu.memory_space<vmem_shared>> -> memref<640x128xf32, #tpu.memory_space<vmem_shared>>
      tpu.wait_dma2 semaphore(%run_scoped3A : memref<!tpu.dma_semaphore, #tpu.memory_space<semaphore_mem>>) src(%dma_wait3A_43 : memref<640x128xf32, #tpu.memory_space<vmem_shared>>) dst(%dma_wait3A_41 : memref<640x128xf32, #tpu.memory_space<hbm>>)
      tpu.yield
    }) : () -> ()
    return
  }
}

#map = affine_map<(d0, d1) -> (0)>
#map1 = affine_map<(d0, d1) -> (0, 0)>
module attributes {stable_mosaic.version = 14 : i64} {
  func.func @_sc_aggregate(%arg0: i32, %arg1: i32, %arg2: memref<640000xi32, #tpu.memory_space<hbm>>, %arg3: memref<320000xi32, #tpu.memory_space<hbm>>, %arg4: memref<20000x128xf32, #tpu.memory_space<hbm>>, %arg5: memref<640x128xf32, #tpu.memory_space<hbm>>, %arg6: memref<20480x128xf32, #tpu.memory_space<hbm>>, %arg7: memref<4x128xi32, #tpu.memory_space<vmem>>, %arg8: memref<4x128xi32, #tpu.memory_space<vmem>>, %arg9: memref<128x128xf32, #tpu.memory_space<vmem>>, %arg10: memref<128x128xf32, #tpu.memory_space<vmem>>, %arg11: memref<32xi32, #tpu.memory_space<vmem>>, %arg12: memref<32xi32, #tpu.memory_space<vmem>>, %arg13: memref<32x128xf32, #tpu.memory_space<vmem>>, %arg14: memref<10240x128xf32, #tpu.memory_space<vmem_shared>>, %arg15: memref<!tpu.dma_semaphore, #tpu.memory_space<semaphore_mem>>, %arg16: memref<!tpu.dma_semaphore, #tpu.memory_space<semaphore_mem>>, %arg17: memref<!tpu.dma_semaphore, #tpu.memory_space<semaphore_mem>>, %arg18: memref<!tpu.dma_semaphore, #tpu.memory_space<semaphore_mem>>, %arg19: memref<!tpu.dma_semaphore, #tpu.memory_space<semaphore_mem>>, %arg20: memref<!tpu.dma_semaphore, #tpu.memory_space<semaphore_mem>>, %arg21: memref<!tpu.dma_semaphore, #tpu.memory_space<semaphore_mem>>, %arg22: memref<!tpu.dma_semaphore, #tpu.memory_space<semaphore_mem>>) attributes {dimension_semantics = [#tpu.dimension_semantics<core_parallel>, #tpu.dimension_semantics<subcore_parallel>], iteration_bounds = array<i64: 2, 16>, scalar_prefetch = 0 : i64, scratch_operands = 16 : i64, tpu.core_type = #tpu.core_type<sc_vector_subcore>, window_params = [{transform_indices = #map}, {transform_indices = #map}, {transform_indices = #map1}, {transform_indices = #map1}, {transform_indices = #map1}]} {
    %mul3A = arith.constant 640 : i32
    %mul3A_0 = arith.muli %arg1, %mul3A : i32
    "tpu.region"() ({
      %run_scoped3A = tpu.sem_alloc : memref<!tpu.dma_semaphore, #tpu.memory_space<semaphore_mem>>
      %dma_start3A_141 = arith.constant 0 : i32
      %dma_start3A_142 = tpu.memref_slice %arg14[%mul3A_0, %dma_start3A_141] : memref<10240x128xf32, #tpu.memory_space<vmem_shared>> -> memref<640x128xf32, #tpu.memory_space<vmem_shared>>
      tpu.enqueue_dma source(%arg5 : memref<640x128xf32, #tpu.memory_space<hbm>>) target(%dma_start3A_142 : memref<640x128xf32, #tpu.memory_space<vmem_shared>>) target_semaphore(%run_scoped3A : memref<!tpu.dma_semaphore, #tpu.memory_space<semaphore_mem>>)
      %dma_wait3A_143 = arith.constant 0 : i32
      %dma_wait3A_144 = tpu.memref_slice %arg14[%mul3A_0, %dma_wait3A_143] : memref<10240x128xf32, #tpu.memory_space<vmem_shared>> -> memref<640x128xf32, #tpu.memory_space<vmem_shared>>
      tpu.wait_dma2 semaphore(%run_scoped3A : memref<!tpu.dma_semaphore, #tpu.memory_space<semaphore_mem>>) src(%arg5 : memref<640x128xf32, #tpu.memory_space<hbm>>) dst(%dma_wait3A_144 : memref<640x128xf32, #tpu.memory_space<vmem_shared>>)
      tpu.yield
    }) : () -> ()
    %barrier3A = arith.constant 0 : index
    tpu.barrier barrier_id(%barrier3A)
    %mul3A_1 = arith.constant 20000 : i32
    %mul3A_2 = arith.muli %arg1, %mul3A_1 : i32
    %mul3A_3 = arith.constant 320000 : i32
    %mul3A_4 = arith.muli %arg0, %mul3A_3 : i32
    %add3A = arith.addi %mul3A_4, %mul3A_2 : i32
    %add3A_5 = arith.constant 0 : i32
    %add3A_6 = arith.addi %add3A, %add3A_5 : i32
    %dma_start3A = arith.constant 0 : i32
    %dma_start3A_7 = arith.constant 0 : i32
    %dma_start3A_8 = tpu.memref_slice %arg7[%dma_start3A, %dma_start3A_7] : memref<4x128xi32, #tpu.memory_space<vmem>> -> memref<1x128xi32, #tpu.memory_space<vmem>>
    %dma_start3A_9 = tpu.memref_squeeze %dma_start3A_8 : memref<1x128xi32, #tpu.memory_space<vmem>> -> memref<128xi32, #tpu.memory_space<vmem>>
    %dma_start3A_10 = tpu.memref_slice %arg2[%add3A_6] : memref<640000xi32, #tpu.memory_space<hbm>> -> memref<128xi32, #tpu.memory_space<hbm>>
    %dma_start3A_11 = arith.constant 0 : i32
    %dma_start3A_12 = tpu.memref_slice %arg7[%dma_start3A, %dma_start3A_11] : memref<4x128xi32, #tpu.memory_space<vmem>> -> memref<1x128xi32, #tpu.memory_space<vmem>>
    %dma_start3A_13 = tpu.memref_squeeze %dma_start3A_12 : memref<1x128xi32, #tpu.memory_space<vmem>> -> memref<128xi32, #tpu.memory_space<vmem>>
    %dma_start3A_14 = tpu.memref_slice %arg2[%add3A_6] : memref<640000xi32, #tpu.memory_space<hbm>> -> memref<128xi32, #tpu.memory_space<hbm>>
    tpu.enqueue_dma source(%dma_start3A_14 : memref<128xi32, #tpu.memory_space<hbm>>) target(%dma_start3A_13 : memref<128xi32, #tpu.memory_space<vmem>>) target_semaphore(%arg15 : memref<!tpu.dma_semaphore, #tpu.memory_space<semaphore_mem>>)
    %add3A_15 = arith.constant 0 : i32
    %add3A_16 = arith.addi %mul3A_2, %add3A_15 : i32
    %dma_start3A_17 = arith.constant 0 : i32
    %dma_start3A_18 = arith.constant 0 : i32
    %dma_start3A_19 = tpu.memref_slice %arg8[%dma_start3A_17, %dma_start3A_18] : memref<4x128xi32, #tpu.memory_space<vmem>> -> memref<1x128xi32, #tpu.memory_space<vmem>>
    %dma_start3A_20 = tpu.memref_squeeze %dma_start3A_19 : memref<1x128xi32, #tpu.memory_space<vmem>> -> memref<128xi32, #tpu.memory_space<vmem>>
    %dma_start3A_21 = tpu.memref_slice %arg3[%add3A_16] : memref<320000xi32, #tpu.memory_space<hbm>> -> memref<128xi32, #tpu.memory_space<hbm>>
    %dma_start3A_22 = arith.constant 0 : i32
    %dma_start3A_23 = tpu.memref_slice %arg8[%dma_start3A_17, %dma_start3A_22] : memref<4x128xi32, #tpu.memory_space<vmem>> -> memref<1x128xi32, #tpu.memory_space<vmem>>
    %dma_start3A_24 = tpu.memref_squeeze %dma_start3A_23 : memref<1x128xi32, #tpu.memory_space<vmem>> -> memref<128xi32, #tpu.memory_space<vmem>>
    %dma_start3A_25 = tpu.memref_slice %arg3[%add3A_16] : memref<320000xi32, #tpu.memory_space<hbm>> -> memref<128xi32, #tpu.memory_space<hbm>>
    tpu.enqueue_dma source(%dma_start3A_25 : memref<128xi32, #tpu.memory_space<hbm>>) target(%dma_start3A_24 : memref<128xi32, #tpu.memory_space<vmem>>) target_semaphore(%arg15 : memref<!tpu.dma_semaphore, #tpu.memory_space<semaphore_mem>>)
    %add3A_26 = arith.addi %mul3A_4, %mul3A_2 : i32
    %add3A_27 = arith.constant 128 : i32
    %add3A_28 = arith.addi %add3A_26, %add3A_27 : i32
    %dma_start3A_29 = arith.constant 1 : i32
    %dma_start3A_30 = arith.constant 0 : i32
    %dma_start3A_31 = tpu.memref_slice %arg7[%dma_start3A_29, %dma_start3A_30] : memref<4x128xi32, #tpu.memory_space<vmem>> -> memref<1x128xi32, #tpu.memory_space<vmem>>
    %dma_start3A_32 = tpu.memref_squeeze %dma_start3A_31 : memref<1x128xi32, #tpu.memory_space<vmem>> -> memref<128xi32, #tpu.memory_space<vmem>>
    %dma_start3A_33 = tpu.memref_slice %arg2[%add3A_28] : memref<640000xi32, #tpu.memory_space<hbm>> -> memref<128xi32, #tpu.memory_space<hbm>>
    %dma_start3A_34 = arith.constant 0 : i32
    %dma_start3A_35 = tpu.memref_slice %arg7[%dma_start3A_29, %dma_start3A_34] : memref<4x128xi32, #tpu.memory_space<vmem>> -> memref<1x128xi32, #tpu.memory_space<vmem>>
    %dma_start3A_36 = tpu.memref_squeeze %dma_start3A_35 : memref<1x128xi32, #tpu.memory_space<vmem>> -> memref<128xi32, #tpu.memory_space<vmem>>
    %dma_start3A_37 = tpu.memref_slice %arg2[%add3A_28] : memref<640000xi32, #tpu.memory_space<hbm>> -> memref<128xi32, #tpu.memory_space<hbm>>
    tpu.enqueue_dma source(%dma_start3A_37 : memref<128xi32, #tpu.memory_space<hbm>>) target(%dma_start3A_36 : memref<128xi32, #tpu.memory_space<vmem>>) target_semaphore(%arg16 : memref<!tpu.dma_semaphore, #tpu.memory_space<semaphore_mem>>)
    %add3A_38 = arith.constant 128 : i32
    %add3A_39 = arith.addi %mul3A_2, %add3A_38 : i32
    %dma_start3A_40 = arith.constant 1 : i32
    %dma_start3A_41 = arith.constant 0 : i32
    %dma_start3A_42 = tpu.memref_slice %arg8[%dma_start3A_40, %dma_start3A_41] : memref<4x128xi32, #tpu.memory_space<vmem>> -> memref<1x128xi32, #tpu.memory_space<vmem>>
    %dma_start3A_43 = tpu.memref_squeeze %dma_start3A_42 : memref<1x128xi32, #tpu.memory_space<vmem>> -> memref<128xi32, #tpu.memory_space<vmem>>
    %dma_start3A_44 = tpu.memref_slice %arg3[%add3A_39] : memref<320000xi32, #tpu.memory_space<hbm>> -> memref<128xi32, #tpu.memory_space<hbm>>
    %dma_start3A_45 = arith.constant 0 : i32
    %dma_start3A_46 = tpu.memref_slice %arg8[%dma_start3A_40, %dma_start3A_45] : memref<4x128xi32, #tpu.memory_space<vmem>> -> memref<1x128xi32, #tpu.memory_space<vmem>>
    %dma_start3A_47 = tpu.memref_squeeze %dma_start3A_46 : memref<1x128xi32, #tpu.memory_space<vmem>> -> memref<128xi32, #tpu.memory_space<vmem>>
    %dma_start3A_48 = tpu.memref_slice %arg3[%add3A_39] : memref<320000xi32, #tpu.memory_space<hbm>> -> memref<128xi32, #tpu.memory_space<hbm>>
    tpu.enqueue_dma source(%dma_start3A_48 : memref<128xi32, #tpu.memory_space<hbm>>) target(%dma_start3A_47 : memref<128xi32, #tpu.memory_space<vmem>>) target_semaphore(%arg16 : memref<!tpu.dma_semaphore, #tpu.memory_space<semaphore_mem>>)
    %add3A_49 = arith.addi %mul3A_4, %mul3A_2 : i32
    %add3A_50 = arith.constant 256 : i32
    %add3A_51 = arith.addi %add3A_49, %add3A_50 : i32
    %dma_start3A_52 = arith.constant 2 : i32
    %dma_start3A_53 = arith.constant 0 : i32
    %dma_start3A_54 = tpu.memref_slice %arg7[%dma_start3A_52, %dma_start3A_53] : memref<4x128xi32, #tpu.memory_space<vmem>> -> memref<1x128xi32, #tpu.memory_space<vmem>>
    %dma_start3A_55 = tpu.memref_squeeze %dma_start3A_54 : memref<1x128xi32, #tpu.memory_space<vmem>> -> memref<128xi32, #tpu.memory_space<vmem>>
    %dma_start3A_56 = tpu.memref_slice %arg2[%add3A_51] : memref<640000xi32, #tpu.memory_space<hbm>> -> memref<128xi32, #tpu.memory_space<hbm>>
    %dma_start3A_57 = arith.constant 0 : i32
    %dma_start3A_58 = tpu.memref_slice %arg7[%dma_start3A_52, %dma_start3A_57] : memref<4x128xi32, #tpu.memory_space<vmem>> -> memref<1x128xi32, #tpu.memory_space<vmem>>
    %dma_start3A_59 = tpu.memref_squeeze %dma_start3A_58 : memref<1x128xi32, #tpu.memory_space<vmem>> -> memref<128xi32, #tpu.memory_space<vmem>>
    %dma_start3A_60 = tpu.memref_slice %arg2[%add3A_51] : memref<640000xi32, #tpu.memory_space<hbm>> -> memref<128xi32, #tpu.memory_space<hbm>>
    tpu.enqueue_dma source(%dma_start3A_60 : memref<128xi32, #tpu.memory_space<hbm>>) target(%dma_start3A_59 : memref<128xi32, #tpu.memory_space<vmem>>) target_semaphore(%arg17 : memref<!tpu.dma_semaphore, #tpu.memory_space<semaphore_mem>>)
    %add3A_61 = arith.constant 256 : i32
    %add3A_62 = arith.addi %mul3A_2, %add3A_61 : i32
    %dma_start3A_63 = arith.constant 2 : i32
    %dma_start3A_64 = arith.constant 0 : i32
    %dma_start3A_65 = tpu.memref_slice %arg8[%dma_start3A_63, %dma_start3A_64] : memref<4x128xi32, #tpu.memory_space<vmem>> -> memref<1x128xi32, #tpu.memory_space<vmem>>
    %dma_start3A_66 = tpu.memref_squeeze %dma_start3A_65 : memref<1x128xi32, #tpu.memory_space<vmem>> -> memref<128xi32, #tpu.memory_space<vmem>>
    %dma_start3A_67 = tpu.memref_slice %arg3[%add3A_62] : memref<320000xi32, #tpu.memory_space<hbm>> -> memref<128xi32, #tpu.memory_space<hbm>>
    %dma_start3A_68 = arith.constant 0 : i32
    %dma_start3A_69 = tpu.memref_slice %arg8[%dma_start3A_63, %dma_start3A_68] : memref<4x128xi32, #tpu.memory_space<vmem>> -> memref<1x128xi32, #tpu.memory_space<vmem>>
    %dma_start3A_70 = tpu.memref_squeeze %dma_start3A_69 : memref<1x128xi32, #tpu.memory_space<vmem>> -> memref<128xi32, #tpu.memory_space<vmem>>
    %dma_start3A_71 = tpu.memref_slice %arg3[%add3A_62] : memref<320000xi32, #tpu.memory_space<hbm>> -> memref<128xi32, #tpu.memory_space<hbm>>
    tpu.enqueue_dma source(%dma_start3A_71 : memref<128xi32, #tpu.memory_space<hbm>>) target(%dma_start3A_70 : memref<128xi32, #tpu.memory_space<vmem>>) target_semaphore(%arg17 : memref<!tpu.dma_semaphore, #tpu.memory_space<semaphore_mem>>)
    %dma_wait3A = arith.constant 0 : i32
    %dma_wait3A_72 = arith.constant 0 : i32
    %dma_wait3A_73 = tpu.memref_slice %arg7[%dma_wait3A, %dma_wait3A_72] : memref<4x128xi32, #tpu.memory_space<vmem>> -> memref<1x128xi32, #tpu.memory_space<vmem>>
    %dma_wait3A_74 = tpu.memref_squeeze %dma_wait3A_73 : memref<1x128xi32, #tpu.memory_space<vmem>> -> memref<128xi32, #tpu.memory_space<vmem>>
    %dma_wait3A_75 = arith.constant 0 : i32
    %dma_wait3A_76 = tpu.memref_slice %arg3[%dma_wait3A_75] : memref<320000xi32, #tpu.memory_space<hbm>> -> memref<128xi32, #tpu.memory_space<hbm>>
    %dma_wait3A_77 = arith.constant 0 : i32
    %dma_wait3A_78 = tpu.memref_slice %arg7[%dma_wait3A, %dma_wait3A_77] : memref<4x128xi32, #tpu.memory_space<vmem>> -> memref<1x128xi32, #tpu.memory_space<vmem>>
    %dma_wait3A_79 = tpu.memref_squeeze %dma_wait3A_78 : memref<1x128xi32, #tpu.memory_space<vmem>> -> memref<128xi32, #tpu.memory_space<vmem>>
    %dma_wait3A_80 = arith.constant 0 : i32
    %dma_wait3A_81 = tpu.memref_slice %arg3[%dma_wait3A_80] : memref<320000xi32, #tpu.memory_space<hbm>> -> memref<128xi32, #tpu.memory_space<hbm>>
    tpu.wait_dma2 semaphore(%arg15 : memref<!tpu.dma_semaphore, #tpu.memory_space<semaphore_mem>>) src(%dma_wait3A_81 : memref<128xi32, #tpu.memory_space<hbm>>) dst(%dma_wait3A_79 : memref<128xi32, #tpu.memory_space<vmem>>)
    %dma_wait3A_82 = arith.constant 0 : i32
    %dma_wait3A_83 = arith.constant 0 : i32
    %dma_wait3A_84 = tpu.memref_slice %arg8[%dma_wait3A_82, %dma_wait3A_83] : memref<4x128xi32, #tpu.memory_space<vmem>> -> memref<1x128xi32, #tpu.memory_space<vmem>>
    %dma_wait3A_85 = tpu.memref_squeeze %dma_wait3A_84 : memref<1x128xi32, #tpu.memory_space<vmem>> -> memref<128xi32, #tpu.memory_space<vmem>>
    %dma_wait3A_86 = arith.constant 0 : i32
    %dma_wait3A_87 = tpu.memref_slice %arg3[%dma_wait3A_86] : memref<320000xi32, #tpu.memory_space<hbm>> -> memref<128xi32, #tpu.memory_space<hbm>>
    %dma_wait3A_88 = arith.constant 0 : i32
    %dma_wait3A_89 = tpu.memref_slice %arg8[%dma_wait3A_82, %dma_wait3A_88] : memref<4x128xi32, #tpu.memory_space<vmem>> -> memref<1x128xi32, #tpu.memory_space<vmem>>
    %dma_wait3A_90 = tpu.memref_squeeze %dma_wait3A_89 : memref<1x128xi32, #tpu.memory_space<vmem>> -> memref<128xi32, #tpu.memory_space<vmem>>
    %dma_wait3A_91 = arith.constant 0 : i32
    %dma_wait3A_92 = tpu.memref_slice %arg3[%dma_wait3A_91] : memref<320000xi32, #tpu.memory_space<hbm>> -> memref<128xi32, #tpu.memory_space<hbm>>
    tpu.wait_dma2 semaphore(%arg15 : memref<!tpu.dma_semaphore, #tpu.memory_space<semaphore_mem>>) src(%dma_wait3A_92 : memref<128xi32, #tpu.memory_space<hbm>>) dst(%dma_wait3A_90 : memref<128xi32, #tpu.memory_space<vmem>>)
    %dma_start3A_93 = arith.constant 0 : i32
    %dma_start3A_94 = arith.constant 0 : i32
    %dma_start3A_95 = tpu.memref_slice %arg7[%dma_start3A_93, %dma_start3A_94] : memref<4x128xi32, #tpu.memory_space<vmem>> -> memref<1x128xi32, #tpu.memory_space<vmem>>
    %dma_start3A_96 = tpu.memref_squeeze %dma_start3A_95 : memref<1x128xi32, #tpu.memory_space<vmem>> -> memref<128xi32, #tpu.memory_space<vmem>>
    %dma_start3A_97 = arith.constant 0 : i32
    %dma_start3A_98 = arith.constant 0 : i32
    %dma_start3A_99 = tpu.memref_slice %arg4[%dma_start3A_97, %dma_start3A_98] : memref<20000x128xf32, #tpu.memory_space<hbm>> -> memref<20000x128xf32, #tpu.memory_space<hbm>>
    tpu.enqueue_indirect_dma source(%dma_start3A_99 : memref<20000x128xf32, #tpu.memory_space<hbm>>) target(%arg9 : memref<128x128xf32, #tpu.memory_space<vmem>>) offsets(%dma_start3A_96 : memref<128xi32, #tpu.memory_space<vmem>>) semaphore(%arg19 : memref<!tpu.dma_semaphore, #tpu.memory_space<semaphore_mem>>)
    %scan3A = arith.constant 0 : i32
    %scan3A_100 = arith.constant 0 : i32
    %scan3A_101 = arith.constant 39 : i32
    %scan3A_102 = arith.addi %scan3A_100, %scan3A_101 : i32
    %scan3A_103 = arith.constant 1 : i32
    scf.for %scan3A_141 = %scan3A_100 to %scan3A_102 step %scan3A_103  : i32 {
      %mul3A_142 = arith.constant 4 : i32
      %mul3A_143 = arith.muli %mul3A_142, %scan3A_141 : i32
      %add3A_144 = arith.constant 0 : i32
      %add3A_145 = arith.addi %mul3A_143, %add3A_144 : i32
      %dma_wait3A_146 = arith.constant 0 : i32
      %dma_wait3A_147 = arith.constant 0 : i32
      %dma_wait3A_148 = tpu.memref_slice %arg4[%dma_wait3A_146, %dma_wait3A_147] : memref<20000x128xf32, #tpu.memory_space<hbm>> -> memref<128x128xf32, #tpu.memory_space<hbm>>
      %dma_wait3A_149 = arith.constant 0 : i32
      %dma_wait3A_150 = arith.constant 0 : i32
      %dma_wait3A_151 = tpu.memref_slice %arg4[%dma_wait3A_149, %dma_wait3A_150] : memref<20000x128xf32, #tpu.memory_space<hbm>> -> memref<128x128xf32, #tpu.memory_space<hbm>>
      tpu.wait_dma2 semaphore(%arg19 : memref<!tpu.dma_semaphore, #tpu.memory_space<semaphore_mem>>) src(%dma_wait3A_151 : memref<128x128xf32, #tpu.memory_space<hbm>>) dst(%arg9 : memref<128x128xf32, #tpu.memory_space<vmem>>)
      %dma_start3A_152 = arith.constant 0 : i32
      %dma_start3A_153 = arith.constant 0 : i32
      %dma_start3A_154 = tpu.memref_slice %arg8[%dma_start3A_152, %dma_start3A_153] : memref<4x128xi32, #tpu.memory_space<vmem>> -> memref<1x128xi32, #tpu.memory_space<vmem>>
      %dma_start3A_155 = tpu.memref_squeeze %dma_start3A_154 : memref<1x128xi32, #tpu.memory_space<vmem>> -> memref<128xi32, #tpu.memory_space<vmem>>
      %dma_start3A_156 = arith.constant 0 : i32
      %dma_start3A_157 = arith.constant 0 : i32
      %dma_start3A_158 = tpu.memref_slice %arg14[%dma_start3A_156, %dma_start3A_157] : memref<10240x128xf32, #tpu.memory_space<vmem_shared>> -> memref<10240x128xf32, #tpu.memory_space<vmem_shared>>
      tpu.enqueue_indirect_dma source(%arg9 : memref<128x128xf32, #tpu.memory_space<vmem>>) target(%dma_start3A_158 : memref<10240x128xf32, #tpu.memory_space<vmem_shared>>) offsets(%dma_start3A_155 : memref<128xi32, #tpu.memory_space<vmem>>) semaphore(%arg21 : memref<!tpu.dma_semaphore, #tpu.memory_space<semaphore_mem>>) {add = true}
      %ge3A = arith.constant 1 : i32
      %ge3A_159 = arith.cmpi sge, %add3A_145, %ge3A : i32
      %convert_element_type3A = arith.extui %ge3A_159 : i1 to i32
      %cond3A = arith.constant 0 : i32
      %cond3A_160 = arith.cmpi ne, %convert_element_type3A, %cond3A : i32
      scf.if %cond3A_160 {
        %dma_wait3A_276 = arith.constant 3 : i32
        %dma_wait3A_277 = arith.constant 0 : i32
        %dma_wait3A_278 = tpu.memref_slice %arg8[%dma_wait3A_276, %dma_wait3A_277] : memref<4x128xi32, #tpu.memory_space<vmem>> -> memref<1x128xi32, #tpu.memory_space<vmem>>
        %dma_wait3A_279 = tpu.memref_squeeze %dma_wait3A_278 : memref<1x128xi32, #tpu.memory_space<vmem>> -> memref<128xi32, #tpu.memory_space<vmem>>
        %dma_wait3A_280 = arith.constant 0 : i32
        %dma_wait3A_281 = arith.constant 0 : i32
        %dma_wait3A_282 = tpu.memref_slice %arg14[%dma_wait3A_280, %dma_wait3A_281] : memref<10240x128xf32, #tpu.memory_space<vmem_shared>> -> memref<10240x128xf32, #tpu.memory_space<vmem_shared>>
        tpu.wait_indirect_dma semaphore(%arg22 : memref<!tpu.dma_semaphore, #tpu.memory_space<semaphore_mem>>) src(%arg10 : memref<128x128xf32, #tpu.memory_space<vmem>>) dst(%dma_wait3A_282 : memref<10240x128xf32, #tpu.memory_space<vmem_shared>>)
      } else {
      }
      %add3A_161 = arith.constant 1 : i32
      %add3A_162 = arith.addi %add3A_145, %add3A_161 : i32
      %lt3A = arith.constant 156 : i32
      %lt3A_163 = arith.cmpi slt, %add3A_162, %lt3A : i32
      %convert_element_type3A_164 = arith.extui %lt3A_163 : i1 to i32
      %cond3A_165 = arith.constant 0 : i32
      %cond3A_166 = arith.cmpi ne, %convert_element_type3A_164, %cond3A_165 : i32
      scf.if %cond3A_166 {
        %dma_wait3A_276 = arith.constant 1 : i32
        %dma_wait3A_277 = arith.constant 0 : i32
        %dma_wait3A_278 = tpu.memref_slice %arg7[%dma_wait3A_276, %dma_wait3A_277] : memref<4x128xi32, #tpu.memory_space<vmem>> -> memref<1x128xi32, #tpu.memory_space<vmem>>
        %dma_wait3A_279 = tpu.memref_squeeze %dma_wait3A_278 : memref<1x128xi32, #tpu.memory_space<vmem>> -> memref<128xi32, #tpu.memory_space<vmem>>
        %dma_wait3A_280 = arith.constant 0 : i32
        %dma_wait3A_281 = tpu.memref_slice %arg3[%dma_wait3A_280] : memref<320000xi32, #tpu.memory_space<hbm>> -> memref<128xi32, #tpu.memory_space<hbm>>
        %dma_wait3A_282 = arith.constant 0 : i32
        %dma_wait3A_283 = tpu.memref_slice %arg7[%dma_wait3A_276, %dma_wait3A_282] : memref<4x128xi32, #tpu.memory_space<vmem>> -> memref<1x128xi32, #tpu.memory_space<vmem>>
        %dma_wait3A_284 = tpu.memref_squeeze %dma_wait3A_283 : memref<1x128xi32, #tpu.memory_space<vmem>> -> memref<128xi32, #tpu.memory_space<vmem>>
        %dma_wait3A_285 = arith.constant 0 : i32
        %dma_wait3A_286 = tpu.memref_slice %arg3[%dma_wait3A_285] : memref<320000xi32, #tpu.memory_space<hbm>> -> memref<128xi32, #tpu.memory_space<hbm>>
        tpu.wait_dma2 semaphore(%arg16 : memref<!tpu.dma_semaphore, #tpu.memory_space<semaphore_mem>>) src(%dma_wait3A_286 : memref<128xi32, #tpu.memory_space<hbm>>) dst(%dma_wait3A_284 : memref<128xi32, #tpu.memory_space<vmem>>)
        %dma_wait3A_287 = arith.constant 1 : i32
        %dma_wait3A_288 = arith.constant 0 : i32
        %dma_wait3A_289 = tpu.memref_slice %arg8[%dma_wait3A_287, %dma_wait3A_288] : memref<4x128xi32, #tpu.memory_space<vmem>> -> memref<1x128xi32, #tpu.memory_space<vmem>>
        %dma_wait3A_290 = tpu.memref_squeeze %dma_wait3A_289 : memref<1x128xi32, #tpu.memory_space<vmem>> -> memref<128xi32, #tpu.memory_space<vmem>>
        %dma_wait3A_291 = arith.constant 0 : i32
        %dma_wait3A_292 = tpu.memref_slice %arg3[%dma_wait3A_291] : memref<320000xi32, #tpu.memory_space<hbm>> -> memref<128xi32, #tpu.memory_space<hbm>>
        %dma_wait3A_293 = arith.constant 0 : i32
        %dma_wait3A_294 = tpu.memref_slice %arg8[%dma_wait3A_287, %dma_wait3A_293] : memref<4x128xi32, #tpu.memory_space<vmem>> -> memref<1x128xi32, #tpu.memory_space<vmem>>
        %dma_wait3A_295 = tpu.memref_squeeze %dma_wait3A_294 : memref<1x128xi32, #tpu.memory_space<vmem>> -> memref<128xi32, #tpu.memory_space<vmem>>
        %dma_wait3A_296 = arith.constant 0 : i32
        %dma_wait3A_297 = tpu.memref_slice %arg3[%dma_wait3A_296] : memref<320000xi32, #tpu.memory_space<hbm>> -> memref<128xi32, #tpu.memory_space<hbm>>
        tpu.wait_dma2 semaphore(%arg16 : memref<!tpu.dma_semaphore, #tpu.memory_space<semaphore_mem>>) src(%dma_wait3A_297 : memref<128xi32, #tpu.memory_space<hbm>>) dst(%dma_wait3A_295 : memref<128xi32, #tpu.memory_space<vmem>>)
        %dma_start3A_298 = arith.constant 1 : i32
        %dma_start3A_299 = arith.constant 0 : i32
        %dma_start3A_300 = tpu.memref_slice %arg7[%dma_start3A_298, %dma_start3A_299] : memref<4x128xi32, #tpu.memory_space<vmem>> -> memref<1x128xi32, #tpu.memory_space<vmem>>
        %dma_start3A_301 = tpu.memref_squeeze %dma_start3A_300 : memref<1x128xi32, #tpu.memory_space<vmem>> -> memref<128xi32, #tpu.memory_space<vmem>>
        %dma_start3A_302 = arith.constant 0 : i32
        %dma_start3A_303 = arith.constant 0 : i32
        %dma_start3A_304 = tpu.memref_slice %arg4[%dma_start3A_302, %dma_start3A_303] : memref<20000x128xf32, #tpu.memory_space<hbm>> -> memref<20000x128xf32, #tpu.memory_space<hbm>>
        tpu.enqueue_indirect_dma source(%dma_start3A_304 : memref<20000x128xf32, #tpu.memory_space<hbm>>) target(%arg10 : memref<128x128xf32, #tpu.memory_space<vmem>>) offsets(%dma_start3A_301 : memref<128xi32, #tpu.memory_space<vmem>>) semaphore(%arg20 : memref<!tpu.dma_semaphore, #tpu.memory_space<semaphore_mem>>)
      } else {
      }
      %add3A_167 = arith.constant 3 : i32
      %add3A_168 = arith.addi %add3A_145, %add3A_167 : i32
      %lt3A_169 = arith.constant 156 : i32
      %lt3A_170 = arith.cmpi slt, %add3A_168, %lt3A_169 : i32
      %convert_element_type3A_171 = arith.extui %lt3A_170 : i1 to i32
      %cond3A_172 = arith.constant 0 : i32
      %cond3A_173 = arith.cmpi ne, %convert_element_type3A_171, %cond3A_172 : i32
      scf.if %cond3A_173 {
        %add3A_276 = arith.constant 3 : i32
        %add3A_277 = arith.addi %add3A_145, %add3A_276 : i32
        %add3A_278 = arith.addi %mul3A_4, %mul3A_2 : i32
        %mul3A_279 = arith.constant 128 : i32
        %mul3A_280 = arith.muli %add3A_277, %mul3A_279 : i32
        %add3A_281 = arith.addi %add3A_278, %mul3A_280 : i32
        %dma_start3A_282 = arith.constant 3 : i32
        %dma_start3A_283 = arith.constant 0 : i32
        %dma_start3A_284 = tpu.memref_slice %arg7[%dma_start3A_282, %dma_start3A_283] : memref<4x128xi32, #tpu.memory_space<vmem>> -> memref<1x128xi32, #tpu.memory_space<vmem>>
        %dma_start3A_285 = tpu.memref_squeeze %dma_start3A_284 : memref<1x128xi32, #tpu.memory_space<vmem>> -> memref<128xi32, #tpu.memory_space<vmem>>
        %dma_start3A_286 = tpu.memref_slice %arg2[%add3A_281] : memref<640000xi32, #tpu.memory_space<hbm>> -> memref<128xi32, #tpu.memory_space<hbm>>
        %dma_start3A_287 = arith.constant 0 : i32
        %dma_start3A_288 = tpu.memref_slice %arg7[%dma_start3A_282, %dma_start3A_287] : memref<4x128xi32, #tpu.memory_space<vmem>> -> memref<1x128xi32, #tpu.memory_space<vmem>>
        %dma_start3A_289 = tpu.memref_squeeze %dma_start3A_288 : memref<1x128xi32, #tpu.memory_space<vmem>> -> memref<128xi32, #tpu.memory_space<vmem>>
        %dma_start3A_290 = tpu.memref_slice %arg2[%add3A_281] : memref<640000xi32, #tpu.memory_space<hbm>> -> memref<128xi32, #tpu.memory_space<hbm>>
        tpu.enqueue_dma source(%dma_start3A_290 : memref<128xi32, #tpu.memory_space<hbm>>) target(%dma_start3A_289 : memref<128xi32, #tpu.memory_space<vmem>>) target_semaphore(%arg18 : memref<!tpu.dma_semaphore, #tpu.memory_space<semaphore_mem>>)
        %mul3A_291 = arith.constant 128 : i32
        %mul3A_292 = arith.muli %add3A_277, %mul3A_291 : i32
        %add3A_293 = arith.addi %mul3A_2, %mul3A_292 : i32
        %dma_start3A_294 = arith.constant 3 : i32
        %dma_start3A_295 = arith.constant 0 : i32
        %dma_start3A_296 = tpu.memref_slice %arg8[%dma_start3A_294, %dma_start3A_295] : memref<4x128xi32, #tpu.memory_space<vmem>> -> memref<1x128xi32, #tpu.memory_space<vmem>>
        %dma_start3A_297 = tpu.memref_squeeze %dma_start3A_296 : memref<1x128xi32, #tpu.memory_space<vmem>> -> memref<128xi32, #tpu.memory_space<vmem>>
        %dma_start3A_298 = tpu.memref_slice %arg3[%add3A_293] : memref<320000xi32, #tpu.memory_space<hbm>> -> memref<128xi32, #tpu.memory_space<hbm>>
        %dma_start3A_299 = arith.constant 0 : i32
        %dma_start3A_300 = tpu.memref_slice %arg8[%dma_start3A_294, %dma_start3A_299] : memref<4x128xi32, #tpu.memory_space<vmem>> -> memref<1x128xi32, #tpu.memory_space<vmem>>
        %dma_start3A_301 = tpu.memref_squeeze %dma_start3A_300 : memref<1x128xi32, #tpu.memory_space<vmem>> -> memref<128xi32, #tpu.memory_space<vmem>>
        %dma_start3A_302 = tpu.memref_slice %arg3[%add3A_293] : memref<320000xi32, #tpu.memory_space<hbm>> -> memref<128xi32, #tpu.memory_space<hbm>>
        tpu.enqueue_dma source(%dma_start3A_302 : memref<128xi32, #tpu.memory_space<hbm>>) target(%dma_start3A_301 : memref<128xi32, #tpu.memory_space<vmem>>) target_semaphore(%arg18 : memref<!tpu.dma_semaphore, #tpu.memory_space<semaphore_mem>>)
      } else {
      }
      %add3A_174 = arith.constant 1 : i32
      %add3A_175 = arith.addi %mul3A_143, %add3A_174 : i32
      %dma_wait3A_176 = arith.constant 0 : i32
      %dma_wait3A_177 = arith.constant 0 : i32
      %dma_wait3A_178 = tpu.memref_slice %arg4[%dma_wait3A_176, %dma_wait3A_177] : memref<20000x128xf32, #tpu.memory_space<hbm>> -> memref<128x128xf32, #tpu.memory_space<hbm>>
      %dma_wait3A_179 = arith.constant 0 : i32
      %dma_wait3A_180 = arith.constant 0 : i32
      %dma_wait3A_181 = tpu.memref_slice %arg4[%dma_wait3A_179, %dma_wait3A_180] : memref<20000x128xf32, #tpu.memory_space<hbm>> -> memref<128x128xf32, #tpu.memory_space<hbm>>
      tpu.wait_dma2 semaphore(%arg20 : memref<!tpu.dma_semaphore, #tpu.memory_space<semaphore_mem>>) src(%dma_wait3A_181 : memref<128x128xf32, #tpu.memory_space<hbm>>) dst(%arg10 : memref<128x128xf32, #tpu.memory_space<vmem>>)
      %dma_start3A_182 = arith.constant 1 : i32
      %dma_start3A_183 = arith.constant 0 : i32
      %dma_start3A_184 = tpu.memref_slice %arg8[%dma_start3A_182, %dma_start3A_183] : memref<4x128xi32, #tpu.memory_space<vmem>> -> memref<1x128xi32, #tpu.memory_space<vmem>>
      %dma_start3A_185 = tpu.memref_squeeze %dma_start3A_184 : memref<1x128xi32, #tpu.memory_space<vmem>> -> memref<128xi32, #tpu.memory_space<vmem>>
      %dma_start3A_186 = arith.constant 0 : i32
      %dma_start3A_187 = arith.constant 0 : i32
      %dma_start3A_188 = tpu.memref_slice %arg14[%dma_start3A_186, %dma_start3A_187] : memref<10240x128xf32, #tpu.memory_space<vmem_shared>> -> memref<10240x128xf32, #tpu.memory_space<vmem_shared>>
      tpu.enqueue_indirect_dma source(%arg10 : memref<128x128xf32, #tpu.memory_space<vmem>>) target(%dma_start3A_188 : memref<10240x128xf32, #tpu.memory_space<vmem_shared>>) offsets(%dma_start3A_185 : memref<128xi32, #tpu.memory_space<vmem>>) semaphore(%arg22 : memref<!tpu.dma_semaphore, #tpu.memory_space<semaphore_mem>>) {add = true}
      %ge3A_189 = arith.constant 1 : i32
      %ge3A_190 = arith.cmpi sge, %add3A_175, %ge3A_189 : i32
      %convert_element_type3A_191 = arith.extui %ge3A_190 : i1 to i32
      %cond3A_192 = arith.constant 0 : i32
      %cond3A_193 = arith.cmpi ne, %convert_element_type3A_191, %cond3A_192 : i32
      scf.if %cond3A_193 {
        %dma_wait3A_276 = arith.constant 0 : i32
        %dma_wait3A_277 = arith.constant 0 : i32
        %dma_wait3A_278 = tpu.memref_slice %arg8[%dma_wait3A_276, %dma_wait3A_277] : memref<4x128xi32, #tpu.memory_space<vmem>> -> memref<1x128xi32, #tpu.memory_space<vmem>>
        %dma_wait3A_279 = tpu.memref_squeeze %dma_wait3A_278 : memref<1x128xi32, #tpu.memory_space<vmem>> -> memref<128xi32, #tpu.memory_space<vmem>>
        %dma_wait3A_280 = arith.constant 0 : i32
        %dma_wait3A_281 = arith.constant 0 : i32
        %dma_wait3A_282 = tpu.memref_slice %arg14[%dma_wait3A_280, %dma_wait3A_281] : memref<10240x128xf32, #tpu.memory_space<vmem_shared>> -> memref<10240x128xf32, #tpu.memory_space<vmem_shared>>
        tpu.wait_indirect_dma semaphore(%arg21 : memref<!tpu.dma_semaphore, #tpu.memory_space<semaphore_mem>>) src(%arg9 : memref<128x128xf32, #tpu.memory_space<vmem>>) dst(%dma_wait3A_282 : memref<10240x128xf32, #tpu.memory_space<vmem_shared>>)
      } else {
      }
      %add3A_194 = arith.constant 1 : i32
      %add3A_195 = arith.addi %add3A_175, %add3A_194 : i32
      %lt3A_196 = arith.constant 156 : i32
      %lt3A_197 = arith.cmpi slt, %add3A_195, %lt3A_196 : i32
      %convert_element_type3A_198 = arith.extui %lt3A_197 : i1 to i32
      %cond3A_199 = arith.constant 0 : i32
      %cond3A_200 = arith.cmpi ne, %convert_element_type3A_198, %cond3A_199 : i32
      scf.if %cond3A_200 {
        %dma_wait3A_276 = arith.constant 2 : i32
        %dma_wait3A_277 = arith.constant 0 : i32
        %dma_wait3A_278 = tpu.memref_slice %arg7[%dma_wait3A_276, %dma_wait3A_277] : memref<4x128xi32, #tpu.memory_space<vmem>> -> memref<1x128xi32, #tpu.memory_space<vmem>>
        %dma_wait3A_279 = tpu.memref_squeeze %dma_wait3A_278 : memref<1x128xi32, #tpu.memory_space<vmem>> -> memref<128xi32, #tpu.memory_space<vmem>>
        %dma_wait3A_280 = arith.constant 0 : i32
        %dma_wait3A_281 = tpu.memref_slice %arg3[%dma_wait3A_280] : memref<320000xi32, #tpu.memory_space<hbm>> -> memref<128xi32, #tpu.memory_space<hbm>>
        %dma_wait3A_282 = arith.constant 0 : i32
        %dma_wait3A_283 = tpu.memref_slice %arg7[%dma_wait3A_276, %dma_wait3A_282] : memref<4x128xi32, #tpu.memory_space<vmem>> -> memref<1x128xi32, #tpu.memory_space<vmem>>
        %dma_wait3A_284 = tpu.memref_squeeze %dma_wait3A_283 : memref<1x128xi32, #tpu.memory_space<vmem>> -> memref<128xi32, #tpu.memory_space<vmem>>
        %dma_wait3A_285 = arith.constant 0 : i32
        %dma_wait3A_286 = tpu.memref_slice %arg3[%dma_wait3A_285] : memref<320000xi32, #tpu.memory_space<hbm>> -> memref<128xi32, #tpu.memory_space<hbm>>
        tpu.wait_dma2 semaphore(%arg17 : memref<!tpu.dma_semaphore, #tpu.memory_space<semaphore_mem>>) src(%dma_wait3A_286 : memref<128xi32, #tpu.memory_space<hbm>>) dst(%dma_wait3A_284 : memref<128xi32, #tpu.memory_space<vmem>>)
        %dma_wait3A_287 = arith.constant 2 : i32
        %dma_wait3A_288 = arith.constant 0 : i32
        %dma_wait3A_289 = tpu.memref_slice %arg8[%dma_wait3A_287, %dma_wait3A_288] : memref<4x128xi32, #tpu.memory_space<vmem>> -> memref<1x128xi32, #tpu.memory_space<vmem>>
        %dma_wait3A_290 = tpu.memref_squeeze %dma_wait3A_289 : memref<1x128xi32, #tpu.memory_space<vmem>> -> memref<128xi32, #tpu.memory_space<vmem>>
        %dma_wait3A_291 = arith.constant 0 : i32
        %dma_wait3A_292 = tpu.memref_slice %arg3[%dma_wait3A_291] : memref<320000xi32, #tpu.memory_space<hbm>> -> memref<128xi32, #tpu.memory_space<hbm>>
        %dma_wait3A_293 = arith.constant 0 : i32
        %dma_wait3A_294 = tpu.memref_slice %arg8[%dma_wait3A_287, %dma_wait3A_293] : memref<4x128xi32, #tpu.memory_space<vmem>> -> memref<1x128xi32, #tpu.memory_space<vmem>>
        %dma_wait3A_295 = tpu.memref_squeeze %dma_wait3A_294 : memref<1x128xi32, #tpu.memory_space<vmem>> -> memref<128xi32, #tpu.memory_space<vmem>>
        %dma_wait3A_296 = arith.constant 0 : i32
        %dma_wait3A_297 = tpu.memref_slice %arg3[%dma_wait3A_296] : memref<320000xi32, #tpu.memory_space<hbm>> -> memref<128xi32, #tpu.memory_space<hbm>>
        tpu.wait_dma2 semaphore(%arg17 : memref<!tpu.dma_semaphore, #tpu.memory_space<semaphore_mem>>) src(%dma_wait3A_297 : memref<128xi32, #tpu.memory_space<hbm>>) dst(%dma_wait3A_295 : memref<128xi32, #tpu.memory_space<vmem>>)
        %dma_start3A_298 = arith.constant 2 : i32
        %dma_start3A_299 = arith.constant 0 : i32
        %dma_start3A_300 = tpu.memref_slice %arg7[%dma_start3A_298, %dma_start3A_299] : memref<4x128xi32, #tpu.memory_space<vmem>> -> memref<1x128xi32, #tpu.memory_space<vmem>>
        %dma_start3A_301 = tpu.memref_squeeze %dma_start3A_300 : memref<1x128xi32, #tpu.memory_space<vmem>> -> memref<128xi32, #tpu.memory_space<vmem>>
        %dma_start3A_302 = arith.constant 0 : i32
        %dma_start3A_303 = arith.constant 0 : i32
        %dma_start3A_304 = tpu.memref_slice %arg4[%dma_start3A_302, %dma_start3A_303] : memref<20000x128xf32, #tpu.memory_space<hbm>> -> memref<20000x128xf32, #tpu.memory_space<hbm>>
        tpu.enqueue_indirect_dma source(%dma_start3A_304 : memref<20000x128xf32, #tpu.memory_space<hbm>>) target(%arg9 : memref<128x128xf32, #tpu.memory_space<vmem>>) offsets(%dma_start3A_301 : memref<128xi32, #tpu.memory_space<vmem>>) semaphore(%arg19 : memref<!tpu.dma_semaphore, #tpu.memory_space<semaphore_mem>>)
      } else {
      }
      %add3A_201 = arith.constant 3 : i32
      %add3A_202 = arith.addi %add3A_175, %add3A_201 : i32
      %lt3A_203 = arith.constant 156 : i32
      %lt3A_204 = arith.cmpi slt, %add3A_202, %lt3A_203 : i32
      %convert_element_type3A_205 = arith.extui %lt3A_204 : i1 to i32
      %cond3A_206 = arith.constant 0 : i32
      %cond3A_207 = arith.cmpi ne, %convert_element_type3A_205, %cond3A_206 : i32
      scf.if %cond3A_207 {
        %add3A_276 = arith.constant 3 : i32
        %add3A_277 = arith.addi %add3A_175, %add3A_276 : i32
        %add3A_278 = arith.addi %mul3A_4, %mul3A_2 : i32
        %mul3A_279 = arith.constant 128 : i32
        %mul3A_280 = arith.muli %add3A_277, %mul3A_279 : i32
        %add3A_281 = arith.addi %add3A_278, %mul3A_280 : i32
        %dma_start3A_282 = arith.constant 0 : i32
        %dma_start3A_283 = arith.constant 0 : i32
        %dma_start3A_284 = tpu.memref_slice %arg7[%dma_start3A_282, %dma_start3A_283] : memref<4x128xi32, #tpu.memory_space<vmem>> -> memref<1x128xi32, #tpu.memory_space<vmem>>
        %dma_start3A_285 = tpu.memref_squeeze %dma_start3A_284 : memref<1x128xi32, #tpu.memory_space<vmem>> -> memref<128xi32, #tpu.memory_space<vmem>>
        %dma_start3A_286 = tpu.memref_slice %arg2[%add3A_281] : memref<640000xi32, #tpu.memory_space<hbm>> -> memref<128xi32, #tpu.memory_space<hbm>>
        %dma_start3A_287 = arith.constant 0 : i32
        %dma_start3A_288 = tpu.memref_slice %arg7[%dma_start3A_282, %dma_start3A_287] : memref<4x128xi32, #tpu.memory_space<vmem>> -> memref<1x128xi32, #tpu.memory_space<vmem>>
        %dma_start3A_289 = tpu.memref_squeeze %dma_start3A_288 : memref<1x128xi32, #tpu.memory_space<vmem>> -> memref<128xi32, #tpu.memory_space<vmem>>
        %dma_start3A_290 = tpu.memref_slice %arg2[%add3A_281] : memref<640000xi32, #tpu.memory_space<hbm>> -> memref<128xi32, #tpu.memory_space<hbm>>
        tpu.enqueue_dma source(%dma_start3A_290 : memref<128xi32, #tpu.memory_space<hbm>>) target(%dma_start3A_289 : memref<128xi32, #tpu.memory_space<vmem>>) target_semaphore(%arg15 : memref<!tpu.dma_semaphore, #tpu.memory_space<semaphore_mem>>)
        %mul3A_291 = arith.constant 128 : i32
        %mul3A_292 = arith.muli %add3A_277, %mul3A_291 : i32
        %add3A_293 = arith.addi %mul3A_2, %mul3A_292 : i32
        %dma_start3A_294 = arith.constant 0 : i32
        %dma_start3A_295 = arith.constant 0 : i32
        %dma_start3A_296 = tpu.memref_slice %arg8[%dma_start3A_294, %dma_start3A_295] : memref<4x128xi32, #tpu.memory_space<vmem>> -> memref<1x128xi32, #tpu.memory_space<vmem>>
        %dma_start3A_297 = tpu.memref_squeeze %dma_start3A_296 : memref<1x128xi32, #tpu.memory_space<vmem>> -> memref<128xi32, #tpu.memory_space<vmem>>
        %dma_start3A_298 = tpu.memref_slice %arg3[%add3A_293] : memref<320000xi32, #tpu.memory_space<hbm>> -> memref<128xi32, #tpu.memory_space<hbm>>
        %dma_start3A_299 = arith.constant 0 : i32
        %dma_start3A_300 = tpu.memref_slice %arg8[%dma_start3A_294, %dma_start3A_299] : memref<4x128xi32, #tpu.memory_space<vmem>> -> memref<1x128xi32, #tpu.memory_space<vmem>>
        %dma_start3A_301 = tpu.memref_squeeze %dma_start3A_300 : memref<1x128xi32, #tpu.memory_space<vmem>> -> memref<128xi32, #tpu.memory_space<vmem>>
        %dma_start3A_302 = tpu.memref_slice %arg3[%add3A_293] : memref<320000xi32, #tpu.memory_space<hbm>> -> memref<128xi32, #tpu.memory_space<hbm>>
        tpu.enqueue_dma source(%dma_start3A_302 : memref<128xi32, #tpu.memory_space<hbm>>) target(%dma_start3A_301 : memref<128xi32, #tpu.memory_space<vmem>>) target_semaphore(%arg15 : memref<!tpu.dma_semaphore, #tpu.memory_space<semaphore_mem>>)
      } else {
      }
      %add3A_208 = arith.constant 2 : i32
      %add3A_209 = arith.addi %mul3A_143, %add3A_208 : i32
      %dma_wait3A_210 = arith.constant 0 : i32
      %dma_wait3A_211 = arith.constant 0 : i32
      %dma_wait3A_212 = tpu.memref_slice %arg4[%dma_wait3A_210, %dma_wait3A_211] : memref<20000x128xf32, #tpu.memory_space<hbm>> -> memref<128x128xf32, #tpu.memory_space<hbm>>
      %dma_wait3A_213 = arith.constant 0 : i32
      %dma_wait3A_214 = arith.constant 0 : i32
      %dma_wait3A_215 = tpu.memref_slice %arg4[%dma_wait3A_213, %dma_wait3A_214] : memref<20000x128xf32, #tpu.memory_space<hbm>> -> memref<128x128xf32, #tpu.memory_space<hbm>>
      tpu.wait_dma2 semaphore(%arg19 : memref<!tpu.dma_semaphore, #tpu.memory_space<semaphore_mem>>) src(%dma_wait3A_215 : memref<128x128xf32, #tpu.memory_space<hbm>>) dst(%arg9 : memref<128x128xf32, #tpu.memory_space<vmem>>)
      %dma_start3A_216 = arith.constant 2 : i32
      %dma_start3A_217 = arith.constant 0 : i32
      %dma_start3A_218 = tpu.memref_slice %arg8[%dma_start3A_216, %dma_start3A_217] : memref<4x128xi32, #tpu.memory_space<vmem>> -> memref<1x128xi32, #tpu.memory_space<vmem>>
      %dma_start3A_219 = tpu.memref_squeeze %dma_start3A_218 : memref<1x128xi32, #tpu.memory_space<vmem>> -> memref<128xi32, #tpu.memory_space<vmem>>
      %dma_start3A_220 = arith.constant 0 : i32
      %dma_start3A_221 = arith.constant 0 : i32
      %dma_start3A_222 = tpu.memref_slice %arg14[%dma_start3A_220, %dma_start3A_221] : memref<10240x128xf32, #tpu.memory_space<vmem_shared>> -> memref<10240x128xf32, #tpu.memory_space<vmem_shared>>
      tpu.enqueue_indirect_dma source(%arg9 : memref<128x128xf32, #tpu.memory_space<vmem>>) target(%dma_start3A_222 : memref<10240x128xf32, #tpu.memory_space<vmem_shared>>) offsets(%dma_start3A_219 : memref<128xi32, #tpu.memory_space<vmem>>) semaphore(%arg21 : memref<!tpu.dma_semaphore, #tpu.memory_space<semaphore_mem>>) {add = true}
      %ge3A_223 = arith.constant 1 : i32
      %ge3A_224 = arith.cmpi sge, %add3A_209, %ge3A_223 : i32
      %convert_element_type3A_225 = arith.extui %ge3A_224 : i1 to i32
      %cond3A_226 = arith.constant 0 : i32
      %cond3A_227 = arith.cmpi ne, %convert_element_type3A_225, %cond3A_226 : i32
      scf.if %cond3A_227 {
        %dma_wait3A_276 = arith.constant 1 : i32
        %dma_wait3A_277 = arith.constant 0 : i32
        %dma_wait3A_278 = tpu.memref_slice %arg8[%dma_wait3A_276, %dma_wait3A_277] : memref<4x128xi32, #tpu.memory_space<vmem>> -> memref<1x128xi32, #tpu.memory_space<vmem>>
        %dma_wait3A_279 = tpu.memref_squeeze %dma_wait3A_278 : memref<1x128xi32, #tpu.memory_space<vmem>> -> memref<128xi32, #tpu.memory_space<vmem>>
        %dma_wait3A_280 = arith.constant 0 : i32
        %dma_wait3A_281 = arith.constant 0 : i32
        %dma_wait3A_282 = tpu.memref_slice %arg14[%dma_wait3A_280, %dma_wait3A_281] : memref<10240x128xf32, #tpu.memory_space<vmem_shared>> -> memref<10240x128xf32, #tpu.memory_space<vmem_shared>>
        tpu.wait_indirect_dma semaphore(%arg22 : memref<!tpu.dma_semaphore, #tpu.memory_space<semaphore_mem>>) src(%arg10 : memref<128x128xf32, #tpu.memory_space<vmem>>) dst(%dma_wait3A_282 : memref<10240x128xf32, #tpu.memory_space<vmem_shared>>)
      } else {
      }
      %add3A_228 = arith.constant 1 : i32
      %add3A_229 = arith.addi %add3A_209, %add3A_228 : i32
      %lt3A_230 = arith.constant 156 : i32
      %lt3A_231 = arith.cmpi slt, %add3A_229, %lt3A_230 : i32
      %convert_element_type3A_232 = arith.extui %lt3A_231 : i1 to i32
      %cond3A_233 = arith.constant 0 : i32
      %cond3A_234 = arith.cmpi ne, %convert_element_type3A_232, %cond3A_233 : i32
      scf.if %cond3A_234 {
        %dma_wait3A_276 = arith.constant 3 : i32
        %dma_wait3A_277 = arith.constant 0 : i32
        %dma_wait3A_278 = tpu.memref_slice %arg7[%dma_wait3A_276, %dma_wait3A_277] : memref<4x128xi32, #tpu.memory_space<vmem>> -> memref<1x128xi32, #tpu.memory_space<vmem>>
        %dma_wait3A_279 = tpu.memref_squeeze %dma_wait3A_278 : memref<1x128xi32, #tpu.memory_space<vmem>> -> memref<128xi32, #tpu.memory_space<vmem>>
        %dma_wait3A_280 = arith.constant 0 : i32
        %dma_wait3A_281 = tpu.memref_slice %arg3[%dma_wait3A_280] : memref<320000xi32, #tpu.memory_space<hbm>> -> memref<128xi32, #tpu.memory_space<hbm>>
        %dma_wait3A_282 = arith.constant 0 : i32
        %dma_wait3A_283 = tpu.memref_slice %arg7[%dma_wait3A_276, %dma_wait3A_282] : memref<4x128xi32, #tpu.memory_space<vmem>> -> memref<1x128xi32, #tpu.memory_space<vmem>>
        %dma_wait3A_284 = tpu.memref_squeeze %dma_wait3A_283 : memref<1x128xi32, #tpu.memory_space<vmem>> -> memref<128xi32, #tpu.memory_space<vmem>>
        %dma_wait3A_285 = arith.constant 0 : i32
        %dma_wait3A_286 = tpu.memref_slice %arg3[%dma_wait3A_285] : memref<320000xi32, #tpu.memory_space<hbm>> -> memref<128xi32, #tpu.memory_space<hbm>>
        tpu.wait_dma2 semaphore(%arg18 : memref<!tpu.dma_semaphore, #tpu.memory_space<semaphore_mem>>) src(%dma_wait3A_286 : memref<128xi32, #tpu.memory_space<hbm>>) dst(%dma_wait3A_284 : memref<128xi32, #tpu.memory_space<vmem>>)
        %dma_wait3A_287 = arith.constant 3 : i32
        %dma_wait3A_288 = arith.constant 0 : i32
        %dma_wait3A_289 = tpu.memref_slice %arg8[%dma_wait3A_287, %dma_wait3A_288] : memref<4x128xi32, #tpu.memory_space<vmem>> -> memref<1x128xi32, #tpu.memory_space<vmem>>
        %dma_wait3A_290 = tpu.memref_squeeze %dma_wait3A_289 : memref<1x128xi32, #tpu.memory_space<vmem>> -> memref<128xi32, #tpu.memory_space<vmem>>
        %dma_wait3A_291 = arith.constant 0 : i32
        %dma_wait3A_292 = tpu.memref_slice %arg3[%dma_wait3A_291] : memref<320000xi32, #tpu.memory_space<hbm>> -> memref<128xi32, #tpu.memory_space<hbm>>
        %dma_wait3A_293 = arith.constant 0 : i32
        %dma_wait3A_294 = tpu.memref_slice %arg8[%dma_wait3A_287, %dma_wait3A_293] : memref<4x128xi32, #tpu.memory_space<vmem>> -> memref<1x128xi32, #tpu.memory_space<vmem>>
        %dma_wait3A_295 = tpu.memref_squeeze %dma_wait3A_294 : memref<1x128xi32, #tpu.memory_space<vmem>> -> memref<128xi32, #tpu.memory_space<vmem>>
        %dma_wait3A_296 = arith.constant 0 : i32
        %dma_wait3A_297 = tpu.memref_slice %arg3[%dma_wait3A_296] : memref<320000xi32, #tpu.memory_space<hbm>> -> memref<128xi32, #tpu.memory_space<hbm>>
        tpu.wait_dma2 semaphore(%arg18 : memref<!tpu.dma_semaphore, #tpu.memory_space<semaphore_mem>>) src(%dma_wait3A_297 : memref<128xi32, #tpu.memory_space<hbm>>) dst(%dma_wait3A_295 : memref<128xi32, #tpu.memory_space<vmem>>)
        %dma_start3A_298 = arith.constant 3 : i32
        %dma_start3A_299 = arith.constant 0 : i32
        %dma_start3A_300 = tpu.memref_slice %arg7[%dma_start3A_298, %dma_start3A_299] : memref<4x128xi32, #tpu.memory_space<vmem>> -> memref<1x128xi32, #tpu.memory_space<vmem>>
        %dma_start3A_301 = tpu.memref_squeeze %dma_start3A_300 : memref<1x128xi32, #tpu.memory_space<vmem>> -> memref<128xi32, #tpu.memory_space<vmem>>
        %dma_start3A_302 = arith.constant 0 : i32
        %dma_start3A_303 = arith.constant 0 : i32
        %dma_start3A_304 = tpu.memref_slice %arg4[%dma_start3A_302, %dma_start3A_303] : memref<20000x128xf32, #tpu.memory_space<hbm>> -> memref<20000x128xf32, #tpu.memory_space<hbm>>
        tpu.enqueue_indirect_dma source(%dma_start3A_304 : memref<20000x128xf32, #tpu.memory_space<hbm>>) target(%arg10 : memref<128x128xf32, #tpu.memory_space<vmem>>) offsets(%dma_start3A_301 : memref<128xi32, #tpu.memory_space<vmem>>) semaphore(%arg20 : memref<!tpu.dma_semaphore, #tpu.memory_space<semaphore_mem>>)
      } else {
      }
      %add3A_235 = arith.constant 3 : i32
      %add3A_236 = arith.addi %add3A_209, %add3A_235 : i32
      %lt3A_237 = arith.constant 156 : i32
      %lt3A_238 = arith.cmpi slt, %add3A_236, %lt3A_237 : i32
      %convert_element_type3A_239 = arith.extui %lt3A_238 : i1 to i32
      %cond3A_240 = arith.constant 0 : i32
      %cond3A_241 = arith.cmpi ne, %convert_element_type3A_239, %cond3A_240 : i32
      scf.if %cond3A_241 {
        %add3A_276 = arith.constant 3 : i32
        %add3A_277 = arith.addi %add3A_209, %add3A_276 : i32
        %add3A_278 = arith.addi %mul3A_4, %mul3A_2 : i32
        %mul3A_279 = arith.constant 128 : i32
        %mul3A_280 = arith.muli %add3A_277, %mul3A_279 : i32
        %add3A_281 = arith.addi %add3A_278, %mul3A_280 : i32
        %dma_start3A_282 = arith.constant 1 : i32
        %dma_start3A_283 = arith.constant 0 : i32
        %dma_start3A_284 = tpu.memref_slice %arg7[%dma_start3A_282, %dma_start3A_283] : memref<4x128xi32, #tpu.memory_space<vmem>> -> memref<1x128xi32, #tpu.memory_space<vmem>>
        %dma_start3A_285 = tpu.memref_squeeze %dma_start3A_284 : memref<1x128xi32, #tpu.memory_space<vmem>> -> memref<128xi32, #tpu.memory_space<vmem>>
        %dma_start3A_286 = tpu.memref_slice %arg2[%add3A_281] : memref<640000xi32, #tpu.memory_space<hbm>> -> memref<128xi32, #tpu.memory_space<hbm>>
        %dma_start3A_287 = arith.constant 0 : i32
        %dma_start3A_288 = tpu.memref_slice %arg7[%dma_start3A_282, %dma_start3A_287] : memref<4x128xi32, #tpu.memory_space<vmem>> -> memref<1x128xi32, #tpu.memory_space<vmem>>
        %dma_start3A_289 = tpu.memref_squeeze %dma_start3A_288 : memref<1x128xi32, #tpu.memory_space<vmem>> -> memref<128xi32, #tpu.memory_space<vmem>>
        %dma_start3A_290 = tpu.memref_slice %arg2[%add3A_281] : memref<640000xi32, #tpu.memory_space<hbm>> -> memref<128xi32, #tpu.memory_space<hbm>>
        tpu.enqueue_dma source(%dma_start3A_290 : memref<128xi32, #tpu.memory_space<hbm>>) target(%dma_start3A_289 : memref<128xi32, #tpu.memory_space<vmem>>) target_semaphore(%arg16 : memref<!tpu.dma_semaphore, #tpu.memory_space<semaphore_mem>>)
        %mul3A_291 = arith.constant 128 : i32
        %mul3A_292 = arith.muli %add3A_277, %mul3A_291 : i32
        %add3A_293 = arith.addi %mul3A_2, %mul3A_292 : i32
        %dma_start3A_294 = arith.constant 1 : i32
        %dma_start3A_295 = arith.constant 0 : i32
        %dma_start3A_296 = tpu.memref_slice %arg8[%dma_start3A_294, %dma_start3A_295] : memref<4x128xi32, #tpu.memory_space<vmem>> -> memref<1x128xi32, #tpu.memory_space<vmem>>
        %dma_start3A_297 = tpu.memref_squeeze %dma_start3A_296 : memref<1x128xi32, #tpu.memory_space<vmem>> -> memref<128xi32, #tpu.memory_space<vmem>>
        %dma_start3A_298 = tpu.memref_slice %arg3[%add3A_293] : memref<320000xi32, #tpu.memory_space<hbm>> -> memref<128xi32, #tpu.memory_space<hbm>>
        %dma_start3A_299 = arith.constant 0 : i32
        %dma_start3A_300 = tpu.memref_slice %arg8[%dma_start3A_294, %dma_start3A_299] : memref<4x128xi32, #tpu.memory_space<vmem>> -> memref<1x128xi32, #tpu.memory_space<vmem>>
        %dma_start3A_301 = tpu.memref_squeeze %dma_start3A_300 : memref<1x128xi32, #tpu.memory_space<vmem>> -> memref<128xi32, #tpu.memory_space<vmem>>
        %dma_start3A_302 = tpu.memref_slice %arg3[%add3A_293] : memref<320000xi32, #tpu.memory_space<hbm>> -> memref<128xi32, #tpu.memory_space<hbm>>
        tpu.enqueue_dma source(%dma_start3A_302 : memref<128xi32, #tpu.memory_space<hbm>>) target(%dma_start3A_301 : memref<128xi32, #tpu.memory_space<vmem>>) target_semaphore(%arg16 : memref<!tpu.dma_semaphore, #tpu.memory_space<semaphore_mem>>)
      } else {
      }
      %add3A_242 = arith.constant 3 : i32
      %add3A_243 = arith.addi %mul3A_143, %add3A_242 : i32
      %dma_wait3A_244 = arith.constant 0 : i32
      %dma_wait3A_245 = arith.constant 0 : i32
      %dma_wait3A_246 = tpu.memref_slice %arg4[%dma_wait3A_244, %dma_wait3A_245] : memref<20000x128xf32, #tpu.memory_space<hbm>> -> memref<128x128xf32, #tpu.memory_space<hbm>>
      %dma_wait3A_247 = arith.constant 0 : i32
      %dma_wait3A_248 = arith.constant 0 : i32
      %dma_wait3A_249 = tpu.memref_slice %arg4[%dma_wait3A_247, %dma_wait3A_248] : memref<20000x128xf32, #tpu.memory_space<hbm>> -> memref<128x128xf32, #tpu.memory_space<hbm>>
      tpu.wait_dma2 semaphore(%arg20 : memref<!tpu.dma_semaphore, #tpu.memory_space<semaphore_mem>>) src(%dma_wait3A_249 : memref<128x128xf32, #tpu.memory_space<hbm>>) dst(%arg10 : memref<128x128xf32, #tpu.memory_space<vmem>>)
      %dma_start3A_250 = arith.constant 3 : i32
      %dma_start3A_251 = arith.constant 0 : i32
      %dma_start3A_252 = tpu.memref_slice %arg8[%dma_start3A_250, %dma_start3A_251] : memref<4x128xi32, #tpu.memory_space<vmem>> -> memref<1x128xi32, #tpu.memory_space<vmem>>
      %dma_start3A_253 = tpu.memref_squeeze %dma_start3A_252 : memref<1x128xi32, #tpu.memory_space<vmem>> -> memref<128xi32, #tpu.memory_space<vmem>>
      %dma_start3A_254 = arith.constant 0 : i32
      %dma_start3A_255 = arith.constant 0 : i32
      %dma_start3A_256 = tpu.memref_slice %arg14[%dma_start3A_254, %dma_start3A_255] : memref<10240x128xf32, #tpu.memory_space<vmem_shared>> -> memref<10240x128xf32, #tpu.memory_space<vmem_shared>>
      tpu.enqueue_indirect_dma source(%arg10 : memref<128x128xf32, #tpu.memory_space<vmem>>) target(%dma_start3A_256 : memref<10240x128xf32, #tpu.memory_space<vmem_shared>>) offsets(%dma_start3A_253 : memref<128xi32, #tpu.memory_space<vmem>>) semaphore(%arg22 : memref<!tpu.dma_semaphore, #tpu.memory_space<semaphore_mem>>) {add = true}
      %ge3A_257 = arith.constant 1 : i32
      %ge3A_258 = arith.cmpi sge, %add3A_243, %ge3A_257 : i32
      %convert_element_type3A_259 = arith.extui %ge3A_258 : i1 to i32
      %cond3A_260 = arith.constant 0 : i32
      %cond3A_261 = arith.cmpi ne, %convert_element_type3A_259, %cond3A_260 : i32
      scf.if %cond3A_261 {
        %dma_wait3A_276 = arith.constant 2 : i32
        %dma_wait3A_277 = arith.constant 0 : i32
        %dma_wait3A_278 = tpu.memref_slice %arg8[%dma_wait3A_276, %dma_wait3A_277] : memref<4x128xi32, #tpu.memory_space<vmem>> -> memref<1x128xi32, #tpu.memory_space<vmem>>
        %dma_wait3A_279 = tpu.memref_squeeze %dma_wait3A_278 : memref<1x128xi32, #tpu.memory_space<vmem>> -> memref<128xi32, #tpu.memory_space<vmem>>
        %dma_wait3A_280 = arith.constant 0 : i32
        %dma_wait3A_281 = arith.constant 0 : i32
        %dma_wait3A_282 = tpu.memref_slice %arg14[%dma_wait3A_280, %dma_wait3A_281] : memref<10240x128xf32, #tpu.memory_space<vmem_shared>> -> memref<10240x128xf32, #tpu.memory_space<vmem_shared>>
        tpu.wait_indirect_dma semaphore(%arg21 : memref<!tpu.dma_semaphore, #tpu.memory_space<semaphore_mem>>) src(%arg9 : memref<128x128xf32, #tpu.memory_space<vmem>>) dst(%dma_wait3A_282 : memref<10240x128xf32, #tpu.memory_space<vmem_shared>>)
      } else {
      }
      %add3A_262 = arith.constant 1 : i32
      %add3A_263 = arith.addi %add3A_243, %add3A_262 : i32
      %lt3A_264 = arith.constant 156 : i32
      %lt3A_265 = arith.cmpi slt, %add3A_263, %lt3A_264 : i32
      %convert_element_type3A_266 = arith.extui %lt3A_265 : i1 to i32
      %cond3A_267 = arith.constant 0 : i32
      %cond3A_268 = arith.cmpi ne, %convert_element_type3A_266, %cond3A_267 : i32
      scf.if %cond3A_268 {
        %dma_wait3A_276 = arith.constant 0 : i32
        %dma_wait3A_277 = arith.constant 0 : i32
        %dma_wait3A_278 = tpu.memref_slice %arg7[%dma_wait3A_276, %dma_wait3A_277] : memref<4x128xi32, #tpu.memory_space<vmem>> -> memref<1x128xi32, #tpu.memory_space<vmem>>
        %dma_wait3A_279 = tpu.memref_squeeze %dma_wait3A_278 : memref<1x128xi32, #tpu.memory_space<vmem>> -> memref<128xi32, #tpu.memory_space<vmem>>
        %dma_wait3A_280 = arith.constant 0 : i32
        %dma_wait3A_281 = tpu.memref_slice %arg3[%dma_wait3A_280] : memref<320000xi32, #tpu.memory_space<hbm>> -> memref<128xi32, #tpu.memory_space<hbm>>
        %dma_wait3A_282 = arith.constant 0 : i32
        %dma_wait3A_283 = tpu.memref_slice %arg7[%dma_wait3A_276, %dma_wait3A_282] : memref<4x128xi32, #tpu.memory_space<vmem>> -> memref<1x128xi32, #tpu.memory_space<vmem>>
        %dma_wait3A_284 = tpu.memref_squeeze %dma_wait3A_283 : memref<1x128xi32, #tpu.memory_space<vmem>> -> memref<128xi32, #tpu.memory_space<vmem>>
        %dma_wait3A_285 = arith.constant 0 : i32
        %dma_wait3A_286 = tpu.memref_slice %arg3[%dma_wait3A_285] : memref<320000xi32, #tpu.memory_space<hbm>> -> memref<128xi32, #tpu.memory_space<hbm>>
        tpu.wait_dma2 semaphore(%arg15 : memref<!tpu.dma_semaphore, #tpu.memory_space<semaphore_mem>>) src(%dma_wait3A_286 : memref<128xi32, #tpu.memory_space<hbm>>) dst(%dma_wait3A_284 : memref<128xi32, #tpu.memory_space<vmem>>)
        %dma_wait3A_287 = arith.constant 0 : i32
        %dma_wait3A_288 = arith.constant 0 : i32
        %dma_wait3A_289 = tpu.memref_slice %arg8[%dma_wait3A_287, %dma_wait3A_288] : memref<4x128xi32, #tpu.memory_space<vmem>> -> memref<1x128xi32, #tpu.memory_space<vmem>>
        %dma_wait3A_290 = tpu.memref_squeeze %dma_wait3A_289 : memref<1x128xi32, #tpu.memory_space<vmem>> -> memref<128xi32, #tpu.memory_space<vmem>>
        %dma_wait3A_291 = arith.constant 0 : i32
        %dma_wait3A_292 = tpu.memref_slice %arg3[%dma_wait3A_291] : memref<320000xi32, #tpu.memory_space<hbm>> -> memref<128xi32, #tpu.memory_space<hbm>>
        %dma_wait3A_293 = arith.constant 0 : i32
        %dma_wait3A_294 = tpu.memref_slice %arg8[%dma_wait3A_287, %dma_wait3A_293] : memref<4x128xi32, #tpu.memory_space<vmem>> -> memref<1x128xi32, #tpu.memory_space<vmem>>
        %dma_wait3A_295 = tpu.memref_squeeze %dma_wait3A_294 : memref<1x128xi32, #tpu.memory_space<vmem>> -> memref<128xi32, #tpu.memory_space<vmem>>
        %dma_wait3A_296 = arith.constant 0 : i32
        %dma_wait3A_297 = tpu.memref_slice %arg3[%dma_wait3A_296] : memref<320000xi32, #tpu.memory_space<hbm>> -> memref<128xi32, #tpu.memory_space<hbm>>
        tpu.wait_dma2 semaphore(%arg15 : memref<!tpu.dma_semaphore, #tpu.memory_space<semaphore_mem>>) src(%dma_wait3A_297 : memref<128xi32, #tpu.memory_space<hbm>>) dst(%dma_wait3A_295 : memref<128xi32, #tpu.memory_space<vmem>>)
        %dma_start3A_298 = arith.constant 0 : i32
        %dma_start3A_299 = arith.constant 0 : i32
        %dma_start3A_300 = tpu.memref_slice %arg7[%dma_start3A_298, %dma_start3A_299] : memref<4x128xi32, #tpu.memory_space<vmem>> -> memref<1x128xi32, #tpu.memory_space<vmem>>
        %dma_start3A_301 = tpu.memref_squeeze %dma_start3A_300 : memref<1x128xi32, #tpu.memory_space<vmem>> -> memref<128xi32, #tpu.memory_space<vmem>>
        %dma_start3A_302 = arith.constant 0 : i32
        %dma_start3A_303 = arith.constant 0 : i32
        %dma_start3A_304 = tpu.memref_slice %arg4[%dma_start3A_302, %dma_start3A_303] : memref<20000x128xf32, #tpu.memory_space<hbm>> -> memref<20000x128xf32, #tpu.memory_space<hbm>>
        tpu.enqueue_indirect_dma source(%dma_start3A_304 : memref<20000x128xf32, #tpu.memory_space<hbm>>) target(%arg9 : memref<128x128xf32, #tpu.memory_space<vmem>>) offsets(%dma_start3A_301 : memref<128xi32, #tpu.memory_space<vmem>>) semaphore(%arg19 : memref<!tpu.dma_semaphore, #tpu.memory_space<semaphore_mem>>)
      } else {
      }
      %add3A_269 = arith.constant 3 : i32
      %add3A_270 = arith.addi %add3A_243, %add3A_269 : i32
      %lt3A_271 = arith.constant 156 : i32
      %lt3A_272 = arith.cmpi slt, %add3A_270, %lt3A_271 : i32
      %convert_element_type3A_273 = arith.extui %lt3A_272 : i1 to i32
      %cond3A_274 = arith.constant 0 : i32
      %cond3A_275 = arith.cmpi ne, %convert_element_type3A_273, %cond3A_274 : i32
      scf.if %cond3A_275 {
        %add3A_276 = arith.constant 3 : i32
        %add3A_277 = arith.addi %add3A_243, %add3A_276 : i32
        %add3A_278 = arith.addi %mul3A_4, %mul3A_2 : i32
        %mul3A_279 = arith.constant 128 : i32
        %mul3A_280 = arith.muli %add3A_277, %mul3A_279 : i32
        %add3A_281 = arith.addi %add3A_278, %mul3A_280 : i32
        %dma_start3A_282 = arith.constant 2 : i32
        %dma_start3A_283 = arith.constant 0 : i32
        %dma_start3A_284 = tpu.memref_slice %arg7[%dma_start3A_282, %dma_start3A_283] : memref<4x128xi32, #tpu.memory_space<vmem>> -> memref<1x128xi32, #tpu.memory_space<vmem>>
        %dma_start3A_285 = tpu.memref_squeeze %dma_start3A_284 : memref<1x128xi32, #tpu.memory_space<vmem>> -> memref<128xi32, #tpu.memory_space<vmem>>
        %dma_start3A_286 = tpu.memref_slice %arg2[%add3A_281] : memref<640000xi32, #tpu.memory_space<hbm>> -> memref<128xi32, #tpu.memory_space<hbm>>
        %dma_start3A_287 = arith.constant 0 : i32
        %dma_start3A_288 = tpu.memref_slice %arg7[%dma_start3A_282, %dma_start3A_287] : memref<4x128xi32, #tpu.memory_space<vmem>> -> memref<1x128xi32, #tpu.memory_space<vmem>>
        %dma_start3A_289 = tpu.memref_squeeze %dma_start3A_288 : memref<1x128xi32, #tpu.memory_space<vmem>> -> memref<128xi32, #tpu.memory_space<vmem>>
        %dma_start3A_290 = tpu.memref_slice %arg2[%add3A_281] : memref<640000xi32, #tpu.memory_space<hbm>> -> memref<128xi32, #tpu.memory_space<hbm>>
        tpu.enqueue_dma source(%dma_start3A_290 : memref<128xi32, #tpu.memory_space<hbm>>) target(%dma_start3A_289 : memref<128xi32, #tpu.memory_space<vmem>>) target_semaphore(%arg17 : memref<!tpu.dma_semaphore, #tpu.memory_space<semaphore_mem>>)
        %mul3A_291 = arith.constant 128 : i32
        %mul3A_292 = arith.muli %add3A_277, %mul3A_291 : i32
        %add3A_293 = arith.addi %mul3A_2, %mul3A_292 : i32
        %dma_start3A_294 = arith.constant 2 : i32
        %dma_start3A_295 = arith.constant 0 : i32
        %dma_start3A_296 = tpu.memref_slice %arg8[%dma_start3A_294, %dma_start3A_295] : memref<4x128xi32, #tpu.memory_space<vmem>> -> memref<1x128xi32, #tpu.memory_space<vmem>>
        %dma_start3A_297 = tpu.memref_squeeze %dma_start3A_296 : memref<1x128xi32, #tpu.memory_space<vmem>> -> memref<128xi32, #tpu.memory_space<vmem>>
        %dma_start3A_298 = tpu.memref_slice %arg3[%add3A_293] : memref<320000xi32, #tpu.memory_space<hbm>> -> memref<128xi32, #tpu.memory_space<hbm>>
        %dma_start3A_299 = arith.constant 0 : i32
        %dma_start3A_300 = tpu.memref_slice %arg8[%dma_start3A_294, %dma_start3A_299] : memref<4x128xi32, #tpu.memory_space<vmem>> -> memref<1x128xi32, #tpu.memory_space<vmem>>
        %dma_start3A_301 = tpu.memref_squeeze %dma_start3A_300 : memref<1x128xi32, #tpu.memory_space<vmem>> -> memref<128xi32, #tpu.memory_space<vmem>>
        %dma_start3A_302 = tpu.memref_slice %arg3[%add3A_293] : memref<320000xi32, #tpu.memory_space<hbm>> -> memref<128xi32, #tpu.memory_space<hbm>>
        tpu.enqueue_dma source(%dma_start3A_302 : memref<128xi32, #tpu.memory_space<hbm>>) target(%dma_start3A_301 : memref<128xi32, #tpu.memory_space<vmem>>) target_semaphore(%arg17 : memref<!tpu.dma_semaphore, #tpu.memory_space<semaphore_mem>>)
      } else {
      }
    }
    %scan3A_104 = arith.constant 39 : i32
    %dma_wait3A_105 = arith.constant 3 : i32
    %dma_wait3A_106 = arith.constant 0 : i32
    %dma_wait3A_107 = tpu.memref_slice %arg8[%dma_wait3A_105, %dma_wait3A_106] : memref<4x128xi32, #tpu.memory_space<vmem>> -> memref<1x128xi32, #tpu.memory_space<vmem>>
    %dma_wait3A_108 = tpu.memref_squeeze %dma_wait3A_107 : memref<1x128xi32, #tpu.memory_space<vmem>> -> memref<128xi32, #tpu.memory_space<vmem>>
    %dma_wait3A_109 = arith.constant 0 : i32
    %dma_wait3A_110 = arith.constant 0 : i32
    %dma_wait3A_111 = tpu.memref_slice %arg14[%dma_wait3A_109, %dma_wait3A_110] : memref<10240x128xf32, #tpu.memory_space<vmem_shared>> -> memref<10240x128xf32, #tpu.memory_space<vmem_shared>>
    tpu.wait_indirect_dma semaphore(%arg22 : memref<!tpu.dma_semaphore, #tpu.memory_space<semaphore_mem>>) src(%arg10 : memref<128x128xf32, #tpu.memory_space<vmem>>) dst(%dma_wait3A_111 : memref<10240x128xf32, #tpu.memory_space<vmem_shared>>)
    %add3A_112 = arith.constant 19968 : i32
    %add3A_113 = arith.addi %mul3A_2, %add3A_112 : i32
    %add3A_114 = arith.addi %mul3A_4, %add3A_113 : i32
    %dma_start3A_115 = tpu.memref_slice %arg2[%add3A_114] : memref<640000xi32, #tpu.memory_space<hbm>> -> memref<32xi32, #tpu.memory_space<hbm>>
    %dma_start3A_116 = tpu.memref_slice %arg2[%add3A_114] : memref<640000xi32, #tpu.memory_space<hbm>> -> memref<32xi32, #tpu.memory_space<hbm>>
    tpu.enqueue_dma source(%dma_start3A_116 : memref<32xi32, #tpu.memory_space<hbm>>) target(%arg11 : memref<32xi32, #tpu.memory_space<vmem>>) target_semaphore(%arg15 : memref<!tpu.dma_semaphore, #tpu.memory_space<semaphore_mem>>)
    %dma_start3A_117 = tpu.memref_slice %arg3[%add3A_113] : memref<320000xi32, #tpu.memory_space<hbm>> -> memref<32xi32, #tpu.memory_space<hbm>>
    %dma_start3A_118 = tpu.memref_slice %arg3[%add3A_113] : memref<320000xi32, #tpu.memory_space<hbm>> -> memref<32xi32, #tpu.memory_space<hbm>>
    tpu.enqueue_dma source(%dma_start3A_118 : memref<32xi32, #tpu.memory_space<hbm>>) target(%arg12 : memref<32xi32, #tpu.memory_space<vmem>>) target_semaphore(%arg15 : memref<!tpu.dma_semaphore, #tpu.memory_space<semaphore_mem>>)
    %dma_wait3A_119 = arith.constant 0 : i32
    %dma_wait3A_120 = tpu.memref_slice %arg3[%dma_wait3A_119] : memref<320000xi32, #tpu.memory_space<hbm>> -> memref<32xi32, #tpu.memory_space<hbm>>
    %dma_wait3A_121 = arith.constant 0 : i32
    %dma_wait3A_122 = tpu.memref_slice %arg3[%dma_wait3A_121] : memref<320000xi32, #tpu.memory_space<hbm>> -> memref<32xi32, #tpu.memory_space<hbm>>
    tpu.wait_dma2 semaphore(%arg15 : memref<!tpu.dma_semaphore, #tpu.memory_space<semaphore_mem>>) src(%dma_wait3A_122 : memref<32xi32, #tpu.memory_space<hbm>>) dst(%arg11 : memref<32xi32, #tpu.memory_space<vmem>>)
    %dma_wait3A_123 = arith.constant 0 : i32
    %dma_wait3A_124 = tpu.memref_slice %arg3[%dma_wait3A_123] : memref<320000xi32, #tpu.memory_space<hbm>> -> memref<32xi32, #tpu.memory_space<hbm>>
    %dma_wait3A_125 = arith.constant 0 : i32
    %dma_wait3A_126 = tpu.memref_slice %arg3[%dma_wait3A_125] : memref<320000xi32, #tpu.memory_space<hbm>> -> memref<32xi32, #tpu.memory_space<hbm>>
    tpu.wait_dma2 semaphore(%arg15 : memref<!tpu.dma_semaphore, #tpu.memory_space<semaphore_mem>>) src(%dma_wait3A_126 : memref<32xi32, #tpu.memory_space<hbm>>) dst(%arg12 : memref<32xi32, #tpu.memory_space<vmem>>)
    %dma_start3A_127 = arith.constant 0 : i32
    %dma_start3A_128 = arith.constant 0 : i32
    %dma_start3A_129 = tpu.memref_slice %arg4[%dma_start3A_127, %dma_start3A_128] : memref<20000x128xf32, #tpu.memory_space<hbm>> -> memref<20000x128xf32, #tpu.memory_space<hbm>>
    tpu.enqueue_indirect_dma source(%dma_start3A_129 : memref<20000x128xf32, #tpu.memory_space<hbm>>) target(%arg13 : memref<32x128xf32, #tpu.memory_space<vmem>>) offsets(%arg11 : memref<32xi32, #tpu.memory_space<vmem>>) semaphore(%arg19 : memref<!tpu.dma_semaphore, #tpu.memory_space<semaphore_mem>>)
    %dma_wait3A_130 = arith.constant 0 : i32
    %dma_wait3A_131 = arith.constant 0 : i32
    %dma_wait3A_132 = tpu.memref_slice %arg4[%dma_wait3A_130, %dma_wait3A_131] : memref<20000x128xf32, #tpu.memory_space<hbm>> -> memref<20000x128xf32, #tpu.memory_space<hbm>>
    tpu.wait_indirect_dma semaphore(%arg19 : memref<!tpu.dma_semaphore, #tpu.memory_space<semaphore_mem>>) src(%dma_wait3A_132 : memref<20000x128xf32, #tpu.memory_space<hbm>>) dst(%arg13 : memref<32x128xf32, #tpu.memory_space<vmem>>)
    "tpu.region"() ({
      %run_scoped3A = tpu.sem_alloc : memref<!tpu.dma_semaphore, #tpu.memory_space<semaphore_mem>>
      %dma_start3A_141 = arith.constant 0 : i32
      %dma_start3A_142 = arith.constant 0 : i32
      %dma_start3A_143 = tpu.memref_slice %arg14[%dma_start3A_141, %dma_start3A_142] : memref<10240x128xf32, #tpu.memory_space<vmem_shared>> -> memref<10240x128xf32, #tpu.memory_space<vmem_shared>>
      tpu.enqueue_indirect_dma source(%arg13 : memref<32x128xf32, #tpu.memory_space<vmem>>) target(%dma_start3A_143 : memref<10240x128xf32, #tpu.memory_space<vmem_shared>>) offsets(%arg12 : memref<32xi32, #tpu.memory_space<vmem>>) semaphore(%run_scoped3A : memref<!tpu.dma_semaphore, #tpu.memory_space<semaphore_mem>>) {add = true}
      %dma_wait3A_144 = arith.constant 0 : i32
      %dma_wait3A_145 = arith.constant 0 : i32
      %dma_wait3A_146 = tpu.memref_slice %arg14[%dma_wait3A_144, %dma_wait3A_145] : memref<10240x128xf32, #tpu.memory_space<vmem_shared>> -> memref<10240x128xf32, #tpu.memory_space<vmem_shared>>
      tpu.wait_indirect_dma semaphore(%run_scoped3A : memref<!tpu.dma_semaphore, #tpu.memory_space<semaphore_mem>>) src(%arg13 : memref<32x128xf32, #tpu.memory_space<vmem>>) dst(%dma_wait3A_146 : memref<10240x128xf32, #tpu.memory_space<vmem_shared>>)
      tpu.yield
    }) : () -> ()
    %barrier3A_133 = arith.constant 0 : index
    tpu.barrier barrier_id(%barrier3A_133)
    %mul3A_134 = arith.constant 640 : i32
    %mul3A_135 = arith.muli %arg1, %mul3A_134 : i32
    %mul3A_136 = arith.constant 10240 : i32
    %mul3A_137 = arith.muli %arg0, %mul3A_136 : i32
    %mul3A_138 = arith.constant 640 : i32
    %mul3A_139 = arith.muli %arg1, %mul3A_138 : i32
    %add3A_140 = arith.addi %mul3A_137, %mul3A_139 : i32
    "tpu.region"() ({
      %run_scoped3A = tpu.sem_alloc : memref<!tpu.dma_semaphore, #tpu.memory_space<semaphore_mem>>
      %dma_start3A_141 = arith.constant 0 : i32
      %dma_start3A_142 = tpu.memref_slice %arg6[%add3A_140, %dma_start3A_141] : memref<20480x128xf32, #tpu.memory_space<hbm>> -> memref<640x128xf32, #tpu.memory_space<hbm>>
      %dma_start3A_143 = arith.constant 0 : i32
      %dma_start3A_144 = tpu.memref_slice %arg14[%mul3A_135, %dma_start3A_143] : memref<10240x128xf32, #tpu.memory_space<vmem_shared>> -> memref<640x128xf32, #tpu.memory_space<vmem_shared>>
      tpu.enqueue_dma source(%dma_start3A_144 : memref<640x128xf32, #tpu.memory_space<vmem_shared>>) target(%dma_start3A_142 : memref<640x128xf32, #tpu.memory_space<hbm>>) target_semaphore(%run_scoped3A : memref<!tpu.dma_semaphore, #tpu.memory_space<semaphore_mem>>)
      %dma_wait3A_145 = arith.constant 0 : i32
      %dma_wait3A_146 = tpu.memref_slice %arg6[%add3A_140, %dma_wait3A_145] : memref<20480x128xf32, #tpu.memory_space<hbm>> -> memref<640x128xf32, #tpu.memory_space<hbm>>
      %dma_wait3A_147 = arith.constant 0 : i32
      %dma_wait3A_148 = tpu.memref_slice %arg14[%mul3A_135, %dma_wait3A_147] : memref<10240x128xf32, #tpu.memory_space<vmem_shared>> -> memref<640x128xf32, #tpu.memory_space<vmem_shared>>
      tpu.wait_dma2 semaphore(%run_scoped3A : memref<!tpu.dma_semaphore, #tpu.memory_space<semaphore_mem>>) src(%dma_wait3A_148 : memref<640x128xf32, #tpu.memory_space<vmem_shared>>) dst(%dma_wait3A_146 : memref<640x128xf32, #tpu.memory_space<hbm>>)
      tpu.yield
    }) : () -> ()
    return
  }
}

module attributes {stable_mosaic.version = 14 : i64} {
  func.func @_tc_prep_body(%arg0: memref<20480x128xf32, #tpu.memory_space<vmem>>, %arg1: memref<10000x128xf32, #tpu.memory_space<vmem>>, %arg2: memref<10240x128xf32, #tpu.memory_space<vmem>>, %arg3: memref<20000x128xf32, #tpu.memory_space<vmem>>, %arg4: memref<10000x128xf32, #tpu.memory_space<vmem>>) attributes {dimension_semantics = [], scalar_prefetch = 0 : i64, scratch_operands = 0 : i64, tpu.core_type = #tpu.core_type<tc>} {
    %get3A = arith.constant 0 : index
    %get3A_0 = arith.constant 0 : index
    %get3A_1 = vector.load %arg0[%get3A, %get3A_0] : memref<20480x128xf32, #tpu.memory_space<vmem>>, vector<10000x128xf32>
    %get3A_2 = arith.constant 10240 : index
    %get3A_3 = arith.constant 0 : index
    %get3A_4 = vector.load %arg0[%get3A_2, %get3A_3] : memref<20480x128xf32, #tpu.memory_space<vmem>>, vector<10000x128xf32>
    %add3A = arith.addf %get3A_1, %get3A_4 : vector<10000x128xf32>
    %add3A_5 = arith.constant 1.000000e+00 : f32
    %add3A_6 = vector.broadcast %add3A_5 : f32 to vector<10000x128xf32>
    %add3A_7 = arith.addf %add3A, %add3A_6 : vector<10000x128xf32>
    %rsqrt3A = math.rsqrt %add3A_7 : vector<10000x128xf32>
    %swap3A = arith.constant 0 : index
    %swap3A_8 = arith.constant 0 : index
    %swap3A_9 = vector.load %arg4[%swap3A, %swap3A_8] : memref<10000x128xf32, #tpu.memory_space<vmem>>, vector<10000x128xf32>
    tpu.vector_store %arg4[%swap3A, %swap3A_8], %rsqrt3A {strides = array<i32>} : memref<10000x128xf32, #tpu.memory_space<vmem>>, vector<10000x128xf32>,
    %get3A_10 = arith.constant 0 : index
    %get3A_11 = arith.constant 0 : index
    %get3A_12 = vector.load %arg1[%get3A_10, %get3A_11] : memref<10000x128xf32, #tpu.memory_space<vmem>>, vector<10000x128xf32>
    %mul3A = arith.mulf %get3A_12, %rsqrt3A : vector<10000x128xf32>
    %swap3A_13 = arith.constant 0 : index
    %swap3A_14 = arith.constant 0 : index
    %swap3A_15 = vector.load %arg3[%swap3A_13, %swap3A_14] : memref<20000x128xf32, #tpu.memory_space<vmem>>, vector<10000x128xf32>
    tpu.vector_store %arg3[%swap3A_13, %swap3A_14], %mul3A {strides = array<i32>} : memref<20000x128xf32, #tpu.memory_space<vmem>>, vector<10000x128xf32>,
    %get3A_16 = arith.constant 0 : index
    %get3A_17 = arith.constant 0 : index
    %get3A_18 = vector.load %arg2[%get3A_16, %get3A_17] : memref<10240x128xf32, #tpu.memory_space<vmem>>, vector<10000x128xf32>
    %mul3A_19 = arith.mulf %get3A_18, %rsqrt3A : vector<10000x128xf32>
    %swap3A_20 = arith.constant 10000 : index
    %swap3A_21 = arith.constant 0 : index
    %swap3A_22 = vector.load %arg3[%swap3A_20, %swap3A_21] : memref<20000x128xf32, #tpu.memory_space<vmem>>, vector<10000x128xf32>
    tpu.vector_store %arg3[%swap3A_20, %swap3A_21], %mul3A_19 {strides = array<i32>} : memref<20000x128xf32, #tpu.memory_space<vmem>>, vector<10000x128xf32>,
    return
  }
}

module attributes {stable_mosaic.version = 14 : i64} {
  func.func @_tc_layer1_body(%arg0: memref<20480x128xf32, #tpu.memory_space<vmem>>, %arg1: memref<20000x128xf32, #tpu.memory_space<vmem>>, %arg2: memref<10000x128xf32, #tpu.memory_space<vmem>>, %arg3: memref<128x128xf32, #tpu.memory_space<vmem>>, %arg4: memref<1x128xf32, #tpu.memory_space<vmem>>, %arg5: memref<20000x128xf32, #tpu.memory_space<vmem>>) attributes {dimension_semantics = [], scalar_prefetch = 0 : i64, scratch_operands = 0 : i64, tpu.core_type = #tpu.core_type<tc>} {
    %get3A = arith.constant 0 : index
    %get3A_0 = arith.constant 0 : index
    %get3A_1 = vector.load %arg2[%get3A, %get3A_0] : memref<10000x128xf32, #tpu.memory_space<vmem>>, vector<10000x128xf32>
    %get3A_2 = arith.constant 0 : index
    %get3A_3 = arith.constant 0 : index
    %get3A_4 = vector.load %arg0[%get3A_2, %get3A_3] : memref<20480x128xf32, #tpu.memory_space<vmem>>, vector<10000x128xf32>
    %get3A_5 = arith.constant 0 : index
    %get3A_6 = arith.constant 0 : index
    %get3A_7 = vector.load %arg1[%get3A_5, %get3A_6] : memref<20000x128xf32, #tpu.memory_space<vmem>>, vector<10000x128xf32>
    %add3A = arith.addf %get3A_4, %get3A_7 : vector<10000x128xf32>
    %mul3A = arith.mulf %get3A_1, %add3A : vector<10000x128xf32>
    %get3A_8 = arith.constant 0 : index
    %get3A_9 = arith.constant 0 : index
    %get3A_10 = vector.load %arg3[%get3A_8, %get3A_9] : memref<128x128xf32, #tpu.memory_space<vmem>>, vector<128x128xf32>
    %dot_general3A = arith.constant dense<0.000000e+00> : vector<10000x128xf32>
    %dot_general3A_11 = tpu.matmul %mul3A, %get3A_10, %dot_general3A {dimension_numbers = #tpu.dot_dimension_numbers<[1], [0], [0], [1], [0, 0, 1, 1], [], []>, transpose_lhs_hint = false} : vector<10000x128xf32>, vector<128x128xf32>, vector<10000x128xf32> -> vector<10000x128xf32>
    %get3A_12 = arith.constant 0 : index
    %get3A_13 = arith.constant 0 : index
    %get3A_14 = vector.load %arg4[%get3A_12, %get3A_13] : memref<1x128xf32, #tpu.memory_space<vmem>>, vector<1x128xf32>
    %add3A_15 = vector.broadcast %get3A_14 : vector<1x128xf32> to vector<10000x128xf32>
    %add3A_16 = arith.addf %dot_general3A_11, %add3A_15 : vector<10000x128xf32>
    %max3A = arith.constant 0.000000e+00 : f32
    %max3A_17 = vector.broadcast %max3A : f32 to vector<10000x128xf32>
    %max3A_18 = arith.maximumf %add3A_16, %max3A_17 : vector<10000x128xf32>
    %mul3A_19 = arith.mulf %max3A_18, %get3A_1 : vector<10000x128xf32>
    %swap3A = arith.constant 0 : index
    %swap3A_20 = arith.constant 0 : index
    %swap3A_21 = vector.load %arg5[%swap3A, %swap3A_20] : memref<20000x128xf32, #tpu.memory_space<vmem>>, vector<10000x128xf32>
    tpu.vector_store %arg5[%swap3A, %swap3A_20], %mul3A_19 {strides = array<i32>} : memref<20000x128xf32, #tpu.memory_space<vmem>>, vector<10000x128xf32>,
    %get3A_22 = arith.constant 10240 : index
    %get3A_23 = arith.constant 0 : index
    %get3A_24 = vector.load %arg0[%get3A_22, %get3A_23] : memref<20480x128xf32, #tpu.memory_space<vmem>>, vector<10000x128xf32>
    %get3A_25 = arith.constant 10000 : index
    %get3A_26 = arith.constant 0 : index
    %get3A_27 = vector.load %arg1[%get3A_25, %get3A_26] : memref<20000x128xf32, #tpu.memory_space<vmem>>, vector<10000x128xf32>
    %add3A_28 = arith.addf %get3A_24, %get3A_27 : vector<10000x128xf32>
    %mul3A_29 = arith.mulf %get3A_1, %add3A_28 : vector<10000x128xf32>
    %get3A_30 = arith.constant 0 : index
    %get3A_31 = arith.constant 0 : index
    %get3A_32 = vector.load %arg3[%get3A_30, %get3A_31] : memref<128x128xf32, #tpu.memory_space<vmem>>, vector<128x128xf32>
    %dot_general3A_33 = arith.constant dense<0.000000e+00> : vector<10000x128xf32>
    %dot_general3A_34 = tpu.matmul %mul3A_29, %get3A_32, %dot_general3A_33 {dimension_numbers = #tpu.dot_dimension_numbers<[1], [0], [0], [1], [0, 0, 1, 1], [], []>, transpose_lhs_hint = false} : vector<10000x128xf32>, vector<128x128xf32>, vector<10000x128xf32> -> vector<10000x128xf32>
    %get3A_35 = arith.constant 0 : index
    %get3A_36 = arith.constant 0 : index
    %get3A_37 = vector.load %arg4[%get3A_35, %get3A_36] : memref<1x128xf32, #tpu.memory_space<vmem>>, vector<1x128xf32>
    %add3A_38 = vector.broadcast %get3A_37 : vector<1x128xf32> to vector<10000x128xf32>
    %add3A_39 = arith.addf %dot_general3A_34, %add3A_38 : vector<10000x128xf32>
    %max3A_40 = arith.constant 0.000000e+00 : f32
    %max3A_41 = vector.broadcast %max3A_40 : f32 to vector<10000x128xf32>
    %max3A_42 = arith.maximumf %add3A_39, %max3A_41 : vector<10000x128xf32>
    %mul3A_43 = arith.mulf %max3A_42, %get3A_1 : vector<10000x128xf32>
    %swap3A_44 = arith.constant 10000 : index
    %swap3A_45 = arith.constant 0 : index
    %swap3A_46 = vector.load %arg5[%swap3A_44, %swap3A_45] : memref<20000x128xf32, #tpu.memory_space<vmem>>, vector<10000x128xf32>
    tpu.vector_store %arg5[%swap3A_44, %swap3A_45], %mul3A_43 {strides = array<i32>} : memref<20000x128xf32, #tpu.memory_space<vmem>>, vector<10000x128xf32>,
    return
  }
}

module attributes {stable_mosaic.version = 14 : i64} {
  func.func @_tc_final_body(%arg0: memref<20480x128xf32, #tpu.memory_space<vmem>>, %arg1: memref<20000x128xf32, #tpu.memory_space<vmem>>, %arg2: memref<10000x128xf32, #tpu.memory_space<vmem>>, %arg3: memref<128x128xf32, #tpu.memory_space<vmem>>, %arg4: memref<1x128xf32, #tpu.memory_space<vmem>>, %arg5: memref<128x128xf32, #tpu.memory_space<vmem>>, %arg6: memref<1x1xf32, #tpu.memory_space<vmem>>) attributes {dimension_semantics = [], scalar_prefetch = 0 : i64, scratch_operands = 0 : i64, tpu.core_type = #tpu.core_type<tc>} {
    %get3A = arith.constant 0 : index
    %get3A_0 = arith.constant 0 : index
    %get3A_1 = vector.load %arg2[%get3A, %get3A_0] : memref<10000x128xf32, #tpu.memory_space<vmem>>, vector<10000x128xf32>
    %get3A_2 = arith.constant 0 : index
    %get3A_3 = arith.constant 0 : index
    %get3A_4 = vector.load %arg0[%get3A_2, %get3A_3] : memref<20480x128xf32, #tpu.memory_space<vmem>>, vector<10000x128xf32>
    %get3A_5 = arith.constant 0 : index
    %get3A_6 = arith.constant 0 : index
    %get3A_7 = vector.load %arg1[%get3A_5, %get3A_6] : memref<20000x128xf32, #tpu.memory_space<vmem>>, vector<10000x128xf32>
    %add3A = arith.addf %get3A_4, %get3A_7 : vector<10000x128xf32>
    %mul3A = arith.mulf %get3A_1, %add3A : vector<10000x128xf32>
    %get3A_8 = arith.constant 0 : index
    %get3A_9 = arith.constant 0 : index
    %get3A_10 = vector.load %arg3[%get3A_8, %get3A_9] : memref<128x128xf32, #tpu.memory_space<vmem>>, vector<128x128xf32>
    %dot_general3A = arith.constant dense<0.000000e+00> : vector<10000x128xf32>
    %dot_general3A_11 = tpu.matmul %mul3A, %get3A_10, %dot_general3A {dimension_numbers = #tpu.dot_dimension_numbers<[1], [0], [0], [1], [0, 0, 1, 1], [], []>, transpose_lhs_hint = false} : vector<10000x128xf32>, vector<128x128xf32>, vector<10000x128xf32> -> vector<10000x128xf32>
    %get3A_12 = arith.constant 0 : index
    %get3A_13 = arith.constant 0 : index
    %get3A_14 = vector.load %arg4[%get3A_12, %get3A_13] : memref<1x128xf32, #tpu.memory_space<vmem>>, vector<1x128xf32>
    %add3A_15 = vector.broadcast %get3A_14 : vector<1x128xf32> to vector<10000x128xf32>
    %add3A_16 = arith.addf %dot_general3A_11, %add3A_15 : vector<10000x128xf32>
    %get3A_17 = arith.constant 10240 : index
    %get3A_18 = arith.constant 0 : index
    %get3A_19 = vector.load %arg0[%get3A_17, %get3A_18] : memref<20480x128xf32, #tpu.memory_space<vmem>>, vector<10000x128xf32>
    %get3A_20 = arith.constant 10000 : index
    %get3A_21 = arith.constant 0 : index
    %get3A_22 = vector.load %arg1[%get3A_20, %get3A_21] : memref<20000x128xf32, #tpu.memory_space<vmem>>, vector<10000x128xf32>
    %add3A_23 = arith.addf %get3A_19, %get3A_22 : vector<10000x128xf32>
    %mul3A_24 = arith.mulf %get3A_1, %add3A_23 : vector<10000x128xf32>
    %get3A_25 = arith.constant 0 : index
    %get3A_26 = arith.constant 0 : index
    %get3A_27 = vector.load %arg3[%get3A_25, %get3A_26] : memref<128x128xf32, #tpu.memory_space<vmem>>, vector<128x128xf32>
    %dot_general3A_28 = arith.constant dense<0.000000e+00> : vector<10000x128xf32>
    %dot_general3A_29 = tpu.matmul %mul3A_24, %get3A_27, %dot_general3A_28 {dimension_numbers = #tpu.dot_dimension_numbers<[1], [0], [0], [1], [0, 0, 1, 1], [], []>, transpose_lhs_hint = false} : vector<10000x128xf32>, vector<128x128xf32>, vector<10000x128xf32> -> vector<10000x128xf32>
    %get3A_30 = arith.constant 0 : index
    %get3A_31 = arith.constant 0 : index
    %get3A_32 = vector.load %arg4[%get3A_30, %get3A_31] : memref<1x128xf32, #tpu.memory_space<vmem>>, vector<1x128xf32>
    %add3A_33 = vector.broadcast %get3A_32 : vector<1x128xf32> to vector<10000x128xf32>
    %add3A_34 = arith.addf %dot_general3A_29, %add3A_33 : vector<10000x128xf32>
    %reduce_sum3A = arith.constant dense<0.000000e+00> : vector<128xf32>
    %reduce_sum3A_35 = vector.multi_reduction <add>, %add3A_16, %reduce_sum3A [0] : vector<10000x128xf32> to vector<128xf32>
    %broadcast_in_dim3A = vector.shape_cast %reduce_sum3A_35 : vector<128xf32> to vector<1x128xf32>
    %div3A = arith.constant 1.000000e+04 : f32
    %div3A_36 = vector.broadcast %div3A : f32 to vector<1x128xf32>
    %div3A_37 = arith.divf %broadcast_in_dim3A, %div3A_36 : vector<1x128xf32>
    %logistic3A = arith.negf %div3A_37 : vector<1x128xf32>
    %logistic3A_38 = math.exp %logistic3A : vector<1x128xf32>
    %logistic3A_39 = arith.constant 1.000000e+00 : f32
    %logistic3A_40 = vector.broadcast %logistic3A_39 : f32 to vector<1x128xf32>
    %logistic3A_41 = arith.addf %logistic3A_40, %logistic3A_38 : vector<1x128xf32>
    %logistic3A_42 = arith.divf %logistic3A_40, %logistic3A_41 : vector<1x128xf32>
    %get3A_43 = arith.constant 0 : index
    %get3A_44 = arith.constant 0 : index
    %get3A_45 = vector.load %arg5[%get3A_43, %get3A_44] : memref<128x128xf32, #tpu.memory_space<vmem>>, vector<128x128xf32>
    %dot_general3A_46 = arith.constant dense<0.000000e+00> : vector<10000x128xf32>
    %dot_general3A_47 = tpu.matmul %add3A_16, %get3A_45, %dot_general3A_46 {dimension_numbers = #tpu.dot_dimension_numbers<[1], [0], [0], [1], [0, 0, 1, 1], [], []>, transpose_lhs_hint = false} : vector<10000x128xf32>, vector<128x128xf32>, vector<10000x128xf32> -> vector<10000x128xf32>
    %mul3A_48 = vector.broadcast %logistic3A_42 : vector<1x128xf32> to vector<10000x128xf32>
    %mul3A_49 = arith.mulf %dot_general3A_47, %mul3A_48 : vector<10000x128xf32>
    %reduce_sum3A_50 = arith.constant dense<0.000000e+00> : vector<10000xf32>
    %reduce_sum3A_51 = vector.multi_reduction <add>, %mul3A_49, %reduce_sum3A_50 [1] : vector<10000x128xf32> to vector<10000xf32>
    %broadcast_in_dim3A_52 = vector.shape_cast %reduce_sum3A_51 : vector<10000xf32> to vector<10000x1xf32>
    %get3A_53 = arith.constant 0 : index
    %get3A_54 = arith.constant 0 : index
    %get3A_55 = vector.load %arg5[%get3A_53, %get3A_54] : memref<128x128xf32, #tpu.memory_space<vmem>>, vector<128x128xf32>
    %dot_general3A_56 = arith.constant dense<0.000000e+00> : vector<10000x128xf32>
    %dot_general3A_57 = tpu.matmul %add3A_34, %get3A_55, %dot_general3A_56 {dimension_numbers = #tpu.dot_dimension_numbers<[1], [0], [0], [1], [0, 0, 1, 1], [], []>, transpose_lhs_hint = false} : vector<10000x128xf32>, vector<128x128xf32>, vector<10000x128xf32> -> vector<10000x128xf32>
    %mul3A_58 = vector.broadcast %logistic3A_42 : vector<1x128xf32> to vector<10000x128xf32>
    %mul3A_59 = arith.mulf %dot_general3A_57, %mul3A_58 : vector<10000x128xf32>
    %reduce_sum3A_60 = arith.constant dense<0.000000e+00> : vector<10000xf32>
    %reduce_sum3A_61 = vector.multi_reduction <add>, %mul3A_59, %reduce_sum3A_60 [1] : vector<10000x128xf32> to vector<10000xf32>
    %broadcast_in_dim3A_62 = vector.shape_cast %reduce_sum3A_61 : vector<10000xf32> to vector<10000x1xf32>
    %logistic3A_63 = arith.negf %broadcast_in_dim3A_52 : vector<10000x1xf32>
    %logistic3A_64 = math.exp %logistic3A_63 : vector<10000x1xf32>
    %logistic3A_65 = arith.constant 1.000000e+00 : f32
    %logistic3A_66 = vector.broadcast %logistic3A_65 : f32 to vector<10000x1xf32>
    %logistic3A_67 = arith.addf %logistic3A_66, %logistic3A_64 : vector<10000x1xf32>
    %logistic3A_68 = arith.divf %logistic3A_66, %logistic3A_67 : vector<10000x1xf32>
    %add3A_69 = arith.constant 1.000000e-15 : f32
    %add3A_70 = vector.broadcast %add3A_69 : f32 to vector<10000x1xf32>
    %add3A_71 = arith.addf %logistic3A_68, %add3A_70 : vector<10000x1xf32>
    %log3A = math.log %add3A_71 : vector<10000x1xf32>
    %reduce_sum3A_72 = vector.shape_cast %log3A : vector<10000x1xf32> to vector<1x10000x1xf32>
    %reduce_sum3A_73 = arith.constant dense<0.000000e+00> : vector<1xf32>
    %reduce_sum3A_74 = vector.multi_reduction <add>, %reduce_sum3A_72, %reduce_sum3A_73 [1, 2] : vector<1x10000x1xf32> to vector<1xf32>
    %reduce_sum3A_75 = vector.shape_cast %reduce_sum3A_74 : vector<1xf32> to vector<1x1x1xf32>
    %reduce_sum3A_76 = vector.extract %reduce_sum3A_75[0, 0, 0] : f32 from vector<1x1x1xf32>
    %div3A_77 = arith.constant 1.000000e+04 : f32
    %div3A_78 = arith.divf %reduce_sum3A_76, %div3A_77 : f32
    %neg3A = arith.constant 0.000000e+00 : f32
    %neg3A_79 = arith.subf %neg3A, %div3A_78 : f32
    %logistic3A_80 = arith.negf %broadcast_in_dim3A_62 : vector<10000x1xf32>
    %logistic3A_81 = math.exp %logistic3A_80 : vector<10000x1xf32>
    %logistic3A_82 = arith.constant 1.000000e+00 : f32
    %logistic3A_83 = vector.broadcast %logistic3A_82 : f32 to vector<10000x1xf32>
    %logistic3A_84 = arith.addf %logistic3A_83, %logistic3A_81 : vector<10000x1xf32>
    %logistic3A_85 = arith.divf %logistic3A_83, %logistic3A_84 : vector<10000x1xf32>
    %sub3A = arith.constant 1.000000e+00 : f32
    %sub3A_86 = vector.broadcast %sub3A : f32 to vector<10000x1xf32>
    %sub3A_87 = arith.subf %sub3A_86, %logistic3A_85 : vector<10000x1xf32>
    %add3A_88 = arith.constant 1.000000e-15 : f32
    %add3A_89 = vector.broadcast %add3A_88 : f32 to vector<10000x1xf32>
    %add3A_90 = arith.addf %sub3A_87, %add3A_89 : vector<10000x1xf32>
    %log3A_91 = math.log %add3A_90 : vector<10000x1xf32>
    %reduce_sum3A_92 = vector.shape_cast %log3A_91 : vector<10000x1xf32> to vector<1x10000x1xf32>
    %reduce_sum3A_93 = arith.constant dense<0.000000e+00> : vector<1xf32>
    %reduce_sum3A_94 = vector.multi_reduction <add>, %reduce_sum3A_92, %reduce_sum3A_93 [1, 2] : vector<1x10000x1xf32> to vector<1xf32>
    %reduce_sum3A_95 = vector.shape_cast %reduce_sum3A_94 : vector<1xf32> to vector<1x1x1xf32>
    %reduce_sum3A_96 = vector.extract %reduce_sum3A_95[0, 0, 0] : f32 from vector<1x1x1xf32>
    %div3A_97 = arith.constant 1.000000e+04 : f32
    %div3A_98 = arith.divf %reduce_sum3A_96, %div3A_97 : f32
    %neg3A_99 = arith.constant 0.000000e+00 : f32
    %neg3A_100 = arith.subf %neg3A_99, %div3A_98 : f32
    %add3A_101 = arith.addf %neg3A_79, %neg3A_100 : f32
    %broadcast_in_dim3A_102 = vector.broadcast %add3A_101 : f32 to vector<1x1xf32>
    %swap3A = arith.constant 0 : index
    %swap3A_103 = arith.constant 0 : index
    %swap3A_104 = vector.load %arg6[%swap3A, %swap3A_103] : memref<1x1xf32, #tpu.memory_space<vmem>>, vector<1x1xf32>
    tpu.vector_store %arg6[%swap3A, %swap3A_103], %broadcast_in_dim3A_102 {strides = array<i32>} : memref<1x1xf32, #tpu.memory_space<vmem>>, vector<1x1xf32>,
    return
  }
}

</mosaic_0001>

<sc_bundles>
// kernel: kernel.11.cloned.1.call-start
scs
__scs_entry_jumppad:
0x0: {  	(pc) =	sbr.rel $0x88, $3  }
0x1: {  	(tag) =	ssettag $0x0;
	lr =	simm.s32 $0x1  }
0x2: {  	[smem:$0x3F99] =	sst lr;
	_ =	strace $0xD0000000  }
0x3: {  	_ = 	snop  }
0x4: {  	_ = 	snop  }
0x5: {  	_ = 	snop  }
0x6: {  	_ = 	snop  }
0x7: {  	_ = 	snop  }
__scs_overlays_trampoline_lowered:
0x8: {  	[smem:$0x3FA8] =	sst s0  }
0x9: {  	[smem:$0x3FA9] =	sst s1  }
0xa: {  	[smem:$0x3FAA] =	sst s2  }
0xb: {  	[smem:$0x3FAB] =	sst s3  }
0xc: {  	[smem:$0x3FAC] =	sst s4  }
0xd: {  	[smem:$0x3FAD] =	sst s5  }
0xe: {  	[smem:$0x3FAE] =	sst s6  }
0xf: {  	[smem:$0x3FAF] =	sst s7  }
0x10: {  	[smem:$0x3FB0] =	sst s8  }
0x11: {  	[smem:$0x3FB1] =	sst s9;
	s0 =	simm.s32 @!p0 $0x0  }
0x12: {  	s1 =	sld [smem:$0x3F97];
	s0 =	simm.s32 @p0 $0x1  }
0x13: {  	[smem:$0x3FB2] =	sst s0;
	s0 =	simm.s32 @!p1 $0x0  }
0x14: {  	s2 =	sld [smem:$0x3F96];
	s0 =	simm.s32 @p1 $0x1  }
0x15: {  	[smem:$0x3FB3] =	sst s0;
	s0 =	simm.s32 @!p2 $0x0  }
0x16: {  	s3 =	sld [smem:$0x3FDB];
	s0 =	simm.s32 @p2 $0x1  }
0x17: {  	s4 =	simm.s32 $0x1BF5;
	[smem:$0x3FB5] =	sst s0  }
0x18: {  	s0 =	sld [smem:$0x3F98];
	_ =	swait.ge [sflag:s4], $0x0  }
0x19: {  	s7 =	sld [smem:$0x3F99]  }
0x1a: {  	s8 =	sadd.s32 $0xFFFFE003, lr  }
0x1b: {  	s9 =	sadd.s32 $0xFFFFFEF7, lr;
	s5 =	simm.s32 $0xFFFFFFFF;
	p2 =	slt.u32 s8, $0xFFFFF086  }
0x1c: {  	p1 =	slt.u32 s9, $0xF7A;
	s5 =	simm.s32 @!p2 $0x0  }
0x1d: {  	s5 =	simm.s32 @p1 $0x1;
	p0 =	seq.s32 s7, s2  }
0x1e: {  	s7 =	smul.u32 @!p0 $0xF7A, s2;
	p2 =	seq.s32 @!p0 s5, $0x0  }
0x1f: {  	s9 =	smul.u32 $0xF7A, s1;
	s8 =	simm.s32 @!p0 $0x1BF5;
	p2 =	por !p2, p0  }
0x20: {  	[sflag:s8] =	ssyncset.s32 @!p0 $0xFFFFF086;
	s6 =	sadd.s32 @!p0 s3, s7;
	s7 =	simm.s32 @!p0 $0x108  }
0x21: {  	s3 =	sadd.s32 s3, s9;
	s6 =	sadd.s32 @!p0 $0x88, s6;
	s7 =	simm.s32 @p2 $0x1082  }
0x22: {  	[simem:s7], [sflag:s8] =	dma.local @!p0 [hbm:s6], $0xF7A  }
0x23: {  	s9 =	sor.u32 $0xD0000000, s2;
	s6 =	simm.s32 $0x108;
	_ =	swait.ge @!p0 [sflag:s8], $0x0  }
0x24: {  	s3 =	sadd.s32 $0x88, s3;
	s6 =	simm.s32 @!p1 $0x1082;
	[sflag:s4] =	ssyncset.s32 $0xFFFFF086  }
0x25: {  	[simem:s6], [sflag:s4] =	dma.local [hbm:s3], $0xF7A  }
0x26: {  	[smem:$0x3F99] =	sst s1;
	(tag) =	ssettag s2;
	_ =	strace s9  }
0x27: {  	s1 =	sld [smem:$0x3FA9]  }
0x28: {  	s2 =	sld [smem:$0x3FAA]  }
0x29: {  	s4 =	sld [smem:$0x3FAC]  }
0x2a: {  	p0 =	seq.s32 s5, $0x0;
	s5 =	sld [smem:$0x3FAD]  }
0x2b: {  	s6 =	sld [smem:$0x3FAE]  }
0x2c: {  	s7 =	sld [smem:$0x3FAF]  }
0x2d: {  	s3 =	simm.s32 $0x108;
	s8 =	sld [smem:$0x3FB0]  }
0x2e: {  	s3 =	simm.s32 @!p0 $0x1082;
	s9 =	sld [smem:$0x3FB1]  }
0x2f: {  	lr =	sadd.s32 s0, s3;
	s0 =	sld [smem:$0x3FA8]  }
0x30: {  	s3 =	sld [smem:$0x3FAB]  }
0x31: {  	[smem:$0x3FB4] =	sst s10  }
0x32: {  	s10 =	sld [smem:$0x3FB2];
	_ =	sdelay $0x3  }
0x33: {  	p0 =	seq.s32 s10, $0x1;
	s10 =	sld [smem:$0x3FB4];
	_ =	sdelay $0x3  }
0x34: {  	[smem:$0x3FB4] =	sst s10  }
0x35: {  	s10 =	sld [smem:$0x3FB3];
	_ =	sdelay $0x3  }
0x36: {  	p1 =	seq.s32 s10, $0x1;
	s10 =	sld [smem:$0x3FB4];
	_ =	sdelay $0x3  }
0x37: {  	[smem:$0x3FB4] =	sst s10  }
0x38: {  	s10 =	sld [smem:$0x3FB5]  }
0x39: {  	_ = 	snop;
	(pc) =	sbr.ind lr, $3  }
0x3a: {  	_ = 	snop  }
0x3b: {  	_ = 	snop  }
0x3c: {  	p2 =	seq.s32 s10, $0x1;
	s10 =	sld [smem:$0x3FB4]  }
0x3d: {  	_ =	shalt  }
0x3e: {  	_ =	shalt  }
0x3f: {  	_ =	shalt  }
0x40: {  	_ =	shalt  }
0x41: {  	_ =	shalt  }
0x42: {  	_ =	shalt  }
0x43: {  	_ =	shalt  }
0x44: {  	_ =	shalt  }
0x45: {  	_ =	shalt  }
0x46: {  	_ =	shalt  }
0x47: {  	_ =	shalt  }
0x48: {  	_ =	shalt  }
0x49: {  	_ =	shalt  }
0x4a: {  	_ =	shalt  }
0x4b: {  	_ =	shalt  }
0x4c: {  	_ =	shalt  }
0x4d: {  	_ =	shalt  }
0x4e: {  	_ =	shalt  }
0x4f: {  	_ =	shalt  }
0x50: {  	_ =	shalt  }
0x51: {  	_ =	shalt  }
0x52: {  	_ =	shalt  }
0x53: {  	_ =	shalt  }
0x54: {  	_ =	shalt  }
0x55: {  	_ =	shalt  }
0x56: {  	_ =	shalt  }
0x57: {  	_ =	shalt  }
0x58: {  	_ =	shalt  }
0x59: {  	_ =	shalt  }
0x5a: {  	_ =	shalt  }
0x5b: {  	_ =	shalt  }
0x5c: {  	_ =	shalt  }
0x5d: {  	_ =	shalt  }
0x5e: {  	_ =	shalt  }
0x5f: {  	_ =	shalt  }
0x60: {  	_ =	shalt  }
0x61: {  	_ =	shalt  }
0x62: {  	_ =	shalt  }
0x63: {  	_ =	shalt  }
0x64: {  	_ =	shalt  }
0x65: {  	_ =	shalt  }
0x66: {  	_ =	shalt  }
0x67: {  	_ =	shalt  }
0x68: {  	_ =	shalt  }
0x69: {  	_ =	shalt  }
0x6a: {  	_ =	shalt  }
0x6b: {  	_ =	shalt  }
0x6c: {  	_ =	shalt  }
0x6d: {  	_ =	shalt  }
0x6e: {  	_ =	shalt  }
0x6f: {  	_ =	shalt  }
0x70: {  	_ =	shalt  }
0x71: {  	_ =	shalt  }
0x72: {  	_ =	shalt  }
0x73: {  	_ =	shalt  }
0x74: {  	_ =	shalt  }
0x75: {  	_ =	shalt  }
0x76: {  	_ =	shalt  }
0x77: {  	_ =	shalt  }
0x78: {  	_ =	shalt  }
0x79: {  	_ =	shalt  }
0x7a: {  	_ =	shalt  }
0x7b: {  	_ =	shalt  }
0x7c: {  	_ =	shalt  }
0x7d: {  	_ =	shalt  }
0x7e: {  	_ =	shalt  }
0x7f: {  	_ =	shalt  }
0x80: {  	_ =	shalt  }
0x81: {  	_ =	shalt  }
0x82: {  	_ =	shalt  }
0x83: {  	_ =	shalt  }
0x84: {  	_ =	shalt  }
0x85: {  	_ =	shalt  }
0x86: {  	_ =	shalt  }
0x87: {  	_ =	shalt  }
.Lfunc_end0:
.L_simem_size_0:
called_computation.1_lowered:
.L_overlay_start_0:
0x88: {  	s2 =	sld [smem:$0x3FD9]  }
0x89: {  	s3 =	sld [smem:$0x3FFE];
	_ =	sdelay $0x1  }
0x8a: {  	s1 =	srdreg.scid  }
0x8b: {  	s0 =	sand.u32 $0x1, s1  }
0x8c: {  	s16 =	sshll.u32 s0, $0xA;
	s2 =	sadd.s32 s3, s2  }
0x8d: {  	s2 =	sadd.s32 s2, s16  }
0x8e: {  	[smem:$0x3FC0] =	sst s2  }
0x8f: {  	_ = 	snop  }
0x90: {  	(tm) =	ssettm $0x1  }
0x91: {  	s17 =	sld [smem:$0x3FFB];
	_ =	sdelay $0x3  }
0x92: {  	_ =	strace s17  }
0x93: {  	s2 =	sld [smem:$0x3FFC];
	_ =	sdelay $0x3  }
0x94: {  	_ =	strace s2  }
0x95: {  	s2 =	sld [smem:$0x3FFD];
	_ =	sdelay $0x3  }
0x96: {  	_ =	strace s2  }
0x97: {  	_ =	strace $0x8FFFFFFF  }
0x98: {  	s18 =	sld [smem:$0x3FDB];
	_ =	sdelay $0x1  }
0x99: {  	s19 =	simm.s32 $_scs_section_size  }
0x9a: {  	s4 =	simm.s32 $_size__tile_overlayer_lowered;
	s5 =	simm.s32 $_tile_overlayer_lowered  }
0x9b: {  	s22 =	simm.s32 $0x1BFF;
	s21 =	sshll.u32 s5, $0x1;
	s2 =	sadd.s32 s19, s18  }
0x9c: {  	s6 =	simm.s32 $0x0;
	s20 =	sshll.u32 s4, $0x1;
	s4 =	sadd.s32 s21, s2  }
0x9d: {  	[timem:s6], [sflag:s22] =	dma.local [hbm:s4], s20  }
0x9e: {  	_ =	swait.ge [sflag:s22], s20  }
0x9f: {  	s3 =	ssub.s32 $0x0, s20;
	[sflag:s22] =	ssyncset.done $0x0  }
0xa0: {  	[sflag:s22] =	ssyncadd.s32 s3;
	_ =	sdelay $0x1  }
0xa1: {  	s23 =	simm.s32 $0x1B8B  }
0xa2: {  	_ =	swait.ge [sflag:s23], $0x1  }
0xa3: {  	[sflag:s23] =	ssyncset.done $0x0  }
0xa4: {  	s25 =	simm.s32 $0x1B8E;
	s24 =	sld [smem:$0x3FFE];
	[sflag:s23] =	ssyncadd.s32 $0xFFFFFFFF  }
0xa5: {  	s26 =	simm.s32 $execute0_lowered;
	[smem:$0x3FD2] =	sst s25  }
0xa6: {  	s4 =	sshll.u32 s26, $0x1;
	_ =	strace $0x80000049;
	[dreg:$0x1] =	wrdreg $0xFFFFFFFF  }
0xa7: {  	s28 =	simm.s32 $_size_execute0_lowered;
	s2 =	sadd.s32 s2, s4;
	[dreg:$0x0] =	wrdreg $0x0  }
0xa8: {  	s4 =	sshll.u32 s28, $0x1;
	[dreg:$0x2] =	wrdreg s2  }
0xa9: {  	[dreg:$0x3] =	wrdreg s4  }
0xaa: {  	[dreg:$0x4] =	wrdreg $0xC0  }
0xab: {  	_ =	task [dreg:s6], $0x5FFFF  }
0xac: {  	[dreg:$0x1] =	wrdreg $0xFFFFFFFF  }
0xad: {  	[dreg:$0x0] =	wrdreg $0x60  }
0xae: {  	[dreg:$0x2] =	wrdreg s24  }
0xaf: {  	[dreg:$0x3] =	wrdreg $0x95000  }
0xb0: {  	[dreg:$0x4] =	wrdreg $0x9  }
0xb1: {  	_ =	task.clear_ibuf [dreg:s6], $0x5FFFF;
	_ =	strace $0x90000049  }
0xb2: {  	s29 =	simm.s32 $0x9;
	_ =	strace $0x8000004B  }
0xb3: {  	_ =	swait.ge [sflag:s29], $0x1  }
0xb4: {  	[sflag:s29] =	ssyncadd.s32 $0xFFFFFFFF  }
0xb5: {  	_ =	strace $0x9000004B  }
0xb6: {  	_ =	sfence  }
0xb7: {  	s30 =	sld [smem:$0x0];
	_ =	sdelay $0x2  }
0xb8: {  	s31 =	sshll.u32 s1, $0xD;
	s1 =	sshrl.u32 s1, $0x2  }
0xb9: {  	s3 =	sand.u32 $0x4000, s31;
	s1 =	sadd.s32 s1, s30  }
0xba: {  	s0 =	sor.u32 s3, s0;
	s1 =	sshll.u32 s1, $0x11  }
0xbb: {  	s0 =	sor.u32 s1, s0  }
0xbc: {  	s0 =	sadd.s32 $0x8F2B, s0  }
0xbd: {  	[sflag:s0] =	ssyncadd.remote.s32 $0x1  }
0xbe: {  	_ =	sfence.sel $0xFFFF  }
0xbf: {  	[dreg:$0x0] =	wrdreg $0xFFFFFFFF;
	(pc) =	sbr.abs _section_cstart, $3  }
0xc0: {  	[dreg:$0x1] =	wrdreg $0xFFFFFFFF  }
0xc1: {  	_ =	task.clear_ibuf [dreg:s6], $0x2FFFF;
	_ =	strace $0x9FFFFFFF  }
0xc2: {  	(tm) =	ssettm $0x7FFFFFFF  }
0xc3: {  	_ =	shalt  }
tec
execute0_lowered:
.L_overlay_start_1:
0x0: {  	(tag) =	ssettag $0x1  }
0x1: {  	s0 =	rddreg [dreg:$0x0]  }
0x2: {  	s2 =	rddreg [dreg:$0x1]  }
0x3: {  	s1 =	srdreg.scid;
	s12 =	stileid.u32;
	s3 =	simm.s32 $0x0  }
0x4: {  	s28 =	simm.s32 $0x280;
	s29 =	simm.s32 $0x100;
	s30 =	simm.s32 $0x300  }
0x5: {  	s31 =	simm.s32 $0x1;
	s1 =	sand.u32 $0x1, s1;
	s6 =	smul.u32 $0x2800, s12  }
0x6: {  	[smem:$0x7FF] =	sst s3;
	s4 =	sadd.s32 $0x87800, s0;
	s8 =	smul.u32 $0x50000, s12  }
0x7: {  	s9 =	sadd.s32 $0x2400, s0;
	s5 =	sadd.s32 $0x9B200, s0;
	s10 =	smul.u32 $0x4E20, s12  }
0x8: {  	s11 =	sadd.s32 $0xD000, s0;
	s23 =	sshll.u32 s12, $0x6;
	s18 =	smul.u32 $0x9C4, s12  }
0x9: {  	s12 =	simm.s32 $0x380;
	s7 =	smul.u32 $0x28000, s1;
	_ =	strace $0x8000004A  }
0xa: {  	s20 =	ssub.s32 $0x2, s1;
	s1 =	smul.u32 $0x4E200, s1;
	[dreg:$0x3] =	wrdreg s11  }
0xb: {  	s17 =	sor.u32 $0x1C09, s23;
	s21 =	sshrl.u32 s20, $0x1;
	s22 =	sshrl.u32 s8, $0x2  }
0xc: {  	s25 =	sshrl.u32 s10, $0x3;
	s14 =	sadd.s32 $0x4E00, s10;
	[dreg:$0x5] =	wrdreg s17  }
0xd: {  	s6 =	sadd.s32 s6, s7;
	s8 =	sadd.s32 s10, s1;
	s7 =	sadd.s32 s22, s2  }
0xe: {  	s13 =	sadd.s32 s9, s25;
	s1 =	sadd.s32 s1, s14;
	s10 =	simm.s32 $0x9  }
0xf: {  	s0 =	sadd.s32 s6, s0;
	s6 =	ssub.s32 s20, s21;
	[dreg:$0x4] =	wrdreg s7  }
0x10: {  	s24 =	sshrl.u32 s8, $0x3;
	s15 =	sadd.s32 $0x10, s13;
	s1 =	sshrl.u32 s1, $0x3  }
0x11: {  	s7 =	sshrl.u32 s14, $0x3;
	[dreg:$0x7] =	wrdreg s13;
	s19 =	sadd.s32 $0x20, s13  }
0x12: {  	s22 =	sadd.s32 $0x200, s8;
	s23 =	sadd.s32 $0x280, s8;
	s25 =	sadd.s32 $0x300, s8  }
0x13: {  	s13 =	simm.s32 $0x6;
	s14 =	simm.s32 $0x7;
	[dreg:$0x9] =	wrdreg s15  }
0x14: {  	s11 =	sadd.s32 s4, s24;
	[dreg:$0xb] =	wrdreg s19;
	s1 =	sadd.s32 s4, s1  }
0x15: {  	s20 =	sadd.s32 s9, s7;
	s0 =	sadd.s32 $0xF800, s0;
	[dreg:$0x10] =	wrdreg s22  }
0x16: {  	s21 =	smax.u32 s6, $0x1;
	s19 =	sadd.s32 s18, s9;
	[dreg:$0x6] =	wrdreg s11  }
0x17: {  	s24 =	sadd.s32 $0x180, s8;
	s6 =	simm.s32 $0x2;
	[dreg:$0xc] =	wrdreg s1  }
0x18: {  	s7 =	simm.s32 $0x4400;
	s15 =	simm.s32 $0x3;
	[dreg:$0xd] =	wrdreg s20  }
0x19: {  	s9 =	simm.s32 $0x8;
	s18 =	simm.s32 $0x0;
	[dreg:$0xe] =	wrdreg s0  }
0x1a: {  	s26 =	sadd.s32 $0x10, s11;
	s16 =	sadd.s32 $0x20, s11;
	[dreg:$0xf] =	wrdreg s21  }
.Ltmp0:
0x1b: {  	s0 =	sshrl.u32 s23, $0x3;
	[dreg:$0x8] =	wrdreg s26;
	(pc) =	sbr.rel .LBB2_1-.Ltmp0, $4  }
0x1c: {  	s1 =	sshrl.u32 s24, $0x3;
	s11 =	simm.s32 $0x180;
	[dreg:$0xa] =	wrdreg s16  }
0x1d: {  	s21 =	sadd.s32 s0, s4;
	s22 =	sadd.s32 s1, s4;
	s26 =	sshrl.u32 s25, $0x3  }
0x1e: {  	s25 =	simm.s32 $0x200;
	s0 =	simm.s32 $0x400;
	s1 =	simm.s32 $0x5  }
0x1f: {  	s16 =	simm.s32 $0x4;
	s23 =	sadd.s32 s26, s4;
	s26 =	simm.s32 $0x80  }
.LBB2_4:
0x20: {  	_ =	swait.ge [sflag:s13], $0x4000  }
0x21: {  	[sflag:s13] =	ssyncset.done $0x0  }
0x22: {  	[sflag:s13] =	ssyncadd.s32 $0xFFFFC000  }
0x23: {  	[spmem:s2] =	stream.indirect.scatter.add.f32 [tilespmem:s7], [sflag:$0x8], $0x80, s12, s26, $0xb8;
	[tilespmem:$0x1D500] =	vst v63  }
0x24: {  	_ =	swait.ge [sflag:s14], $0x4000  }
0x25: {  	[sflag:s14] =	ssyncset.done $0x0  }
0x26: {  	[sflag:s14] =	ssyncadd.s32 $0xFFFFC000  }
0x27: {  	_ =	swait.ge [sflag:s9], $0x4000  }
0x28: {  	[sflag:s9] =	ssyncset.done $0x0  }
0x29: {  	s10 =	simm.s32 $0x8400;
	s8 =	rddreg [dreg:$0xc];
	[sflag:s9] =	ssyncadd.s32 $0xFFFFC000  }
0x2a: {  	[tilespmem:s10], [sflag:$0x1] =	stream.linear.gather [hbm4b:s8+s3], $0x20, $0x38;
	[tilespmem:$0x1D500] =	vst v63  }
0x2b: {  	s17 =	simm.s32 $0x8480;
	s20 =	rddreg [dreg:$0xd]  }
0x2c: {  	[tilespmem:s17], [sflag:$0x1] =	stream.linear.gather [hbm4b:s20+s3], $0x20, $0x38;
	[tilespmem:$0x1D500] =	vst v63  }
0x2d: {  	_ =	swait.ge [sflag:s31], $0x20  }
0x2e: {  	[sflag:s31] =	ssyncset.done $0x0  }
0x2f: {  	[sflag:s31] =	ssyncadd.s32 $0xFFFFFFE0  }
0x30: {  	_ =	swait.ge [sflag:s31], $0x20  }
0x31: {  	[sflag:s31] =	ssyncset.done $0x0  }
0x32: {  	s24 =	simm.s32 $0x20;
	s18 =	simm.s32 $0x8500;
	[sflag:s31] =	ssyncadd.s32 $0xFFFFFFE0  }
0x33: {  	[tilespmem:s18], [sflag:$0x5] =	stream.indirect.gather [hbm4b:s5+s24], $0x80, s10, s24, $0xb8;
	[tilespmem:$0x1D500] =	vst v63  }
0x34: {  	_ =	swait.ge [sflag:s1], $0x1000  }
0x35: {  	[sflag:s1] =	ssyncset.done $0x0  }
0x36: {  	s10 =	simm.s32 $0x9;
	[sflag:s1] =	ssyncadd.s32 $0xFFFFF000  }
0x37: {  	[spmem:s2] =	stream.indirect.scatter.add.f32 [tilespmem:s18], [sflag:$0x9], $0x80, s17, s24, $0xb8;
	[tilespmem:$0x1D500] =	vst v63  }
0x38: {  	_ =	swait.ge [sflag:s10], $0x1000  }
0x39: {  	[sflag:s10] =	ssyncset.done $0x0  }
0x3a: {  	[sflag:s10] =	ssyncadd.s32 $0xFFFFF000  }
0x3b: {  	[bflag:$0x0] =	sbarrier.arrive $0xFFFF  }
0x3c: {  	s17 =	rddreg [dreg:$0x5]  }
0x3d: {  	s20 =	rddreg [dreg:$0xe]  }
0x3e: {  	s24 =	rddreg [dreg:$0x12]  }
0x3f: {  	[hbm:s20], [sflag:s17] =	dma.local [spmem:s24], $0x2800  }
0x40: {  	_ =	swait.ge [sflag:s10], $0x2800  }
0x41: {  	s20 =	rddreg [dreg:$0x11]  }
0x42: {  	s24 =	rddreg [dreg:$0xf];
	s18 =	sadd.s32 $0x1, s20  }
0x43: {  	p0 =	sne.s32 s18, s24  }
.Ltmp1:
0x44: {  	_ = 	snop;
	(pc) =	sbr.rel @!p0 .LBB2_5-.Ltmp1, $3  }
0x45: {  	_ =	sdelay $0x1  }
0x46: {  	[sflag:s10] =	ssyncset.done $0x0  }
0x47: {  	[sflag:s10] =	ssyncadd.s32 $0xFFFFD800  }
.LBB2_1:
0x48: {  	[dreg:$0x11] =	wrdreg s18  }
0x49: {  	s8 =	rddreg [dreg:$0x4]  }
0x4a: {  	s20 =	rddreg [dreg:$0x3];
	s8 =	sshrl.u32 s8, $0x3  }
0x4b: {  	[dreg:$0x12] =	wrdreg s8  }
0x4c: {  	[spmem:s8], [sflag:s17] =	dma.local [hbm:s20], $0x2800  }
0x4d: {  	_ =	swait.ge [sflag:s10], $0x2800  }
0x4e: {  	[sflag:s10] =	ssyncset.done $0x0  }
0x4f: {  	[sflag:s10] =	ssyncadd.s32 $0xFFFFD800  }
0x50: {  	[bflag:$0x0] =	sbarrier.arrive $0xFFFF  }
0x51: {  	s24 =	rddreg [dreg:$0x6]  }
0x52: {  	[tilespmem:s3], [sflag:$0x1] =	stream.linear.gather [hbm4b:s24+s3], $0x80, $0x38;
	[tilespmem:$0x1D500] =	vst v63  }
0x53: {  	s10 =	rddreg [dreg:$0x7]  }
0x54: {  	[tilespmem:s25], [sflag:$0x1] =	stream.linear.gather [hbm4b:s10+s3], $0x80, $0x38;
	[tilespmem:$0x1D500] =	vst v63  }
0x55: {  	s17 =	rddreg [dreg:$0x8]  }
0x56: {  	[tilespmem:s26], [sflag:$0x2] =	stream.linear.gather [hbm4b:s17+s3], $0x80, $0x38;
	[tilespmem:$0x1D500] =	vst v63  }
0x57: {  	s18 =	rddreg [dreg:$0x9]  }
0x58: {  	[tilespmem:s28], [sflag:$0x2] =	stream.linear.gather [hbm4b:s18+s3], $0x80, $0x38;
	[tilespmem:$0x1D500] =	vst v63  }
0x59: {  	s20 =	rddreg [dreg:$0xa]  }
0x5a: {  	[tilespmem:s29], [sflag:$0x3] =	stream.linear.gather [hbm4b:s20+s3], $0x80, $0x38;
	[tilespmem:$0x1D500] =	vst v63  }
0x5b: {  	s24 =	rddreg [dreg:$0xb]  }
0x5c: {  	[tilespmem:s30], [sflag:$0x3] =	stream.linear.gather [hbm4b:s24+s3], $0x80, $0x38;
	[tilespmem:$0x1D500] =	vst v63  }
0x5d: {  	_ =	swait.ge [sflag:s31], $0x80  }
0x5e: {  	[sflag:s31] =	ssyncset.done $0x0  }
0x5f: {  	[sflag:s31] =	ssyncadd.s32 $0xFFFFFF80  }
0x60: {  	_ =	swait.ge [sflag:s31], $0x80  }
0x61: {  	[sflag:s31] =	ssyncset.done $0x0  }
0x62: {  	s20 =	simm.s32 $0x0;
	s18 =	rddreg [dreg:$0x10];
	[sflag:s31] =	ssyncadd.s32 $0xFFFFFF80  }
0x63: {  	[tilespmem:s0], [sflag:$0x5] =	stream.indirect.gather [hbm4b:s5+s26], $0x80, s3, s26, $0xb8;
	[tilespmem:$0x1D500] =	vst v63  }
.LBB2_2:
0x64: {  	_ =	swait.ge [sflag:s1], $0x4000  }
0x65: {  	p0 =	seq.s32 s20, $0x0;
	[sflag:s1] =	ssyncset.done $0x0  }
0x66: {  	s8 =	simm.s32 @!p0 $0x8;
	[sflag:s1] =	ssyncadd.s32 $0xFFFFC000  }
0x67: {  	[spmem:s2] =	stream.indirect.scatter.add.f32 [tilespmem:s0], [sflag:$0x7], $0x80, s25, s26, $0xb8;
	[tilespmem:$0x1D500] =	vst v63  }
0x68: {  	_ =	swait.ge @!p0 [sflag:s8], $0x4000  }
0x69: {  	[sflag:s8] =	ssyncset.done @!p0 $0x0  }
0x6a: {  	[sflag:s8] =	ssyncadd.s32 @!p0 $0xFFFFC000  }
0x6b: {  	_ =	swait.ge [sflag:s6], $0x80  }
0x6c: {  	[sflag:s6] =	ssyncset.done $0x0  }
0x6d: {  	[sflag:s6] =	ssyncadd.s32 $0xFFFFFF80  }
0x6e: {  	_ =	swait.ge [sflag:s6], $0x80  }
0x6f: {  	[sflag:s6] =	ssyncset.done $0x0  }
0x70: {  	[sflag:s6] =	ssyncadd.s32 $0xFFFFFF80  }
0x71: {  	[tilespmem:s7], [sflag:$0x6] =	stream.indirect.gather [hbm4b:s5+s26], $0x80, s26, s26, $0xb8;
	[tilespmem:$0x1D500] =	vst v63  }
0x72: {  	s24 =	sadd.s32 s20, s22;
	s8 =	sadd.s32 s20, s19  }
0x73: {  	[tilespmem:s11], [sflag:$0x4] =	stream.linear.gather [hbm4b:s24+s3], $0x80, $0x38;
	[tilespmem:$0x1D500] =	vst v63  }
0x74: {  	s10 =	sadd.s32 $0x30, s8  }
0x75: {  	[tilespmem:s12], [sflag:$0x4] =	stream.linear.gather [hbm4b:s10+s3], $0x80, $0x38;
	[tilespmem:$0x1D500] =	vst v63  }
0x76: {  	_ =	swait.ge [sflag:s13], $0x4000  }
0x77: {  	[sflag:s13] =	ssyncset.done $0x0  }
0x78: {  	[sflag:s13] =	ssyncadd.s32 $0xFFFFC000  }
0x79: {  	[spmem:s2] =	stream.indirect.scatter.add.f32 [tilespmem:s7], [sflag:$0x8], $0x80, s28, s26, $0xb8;
	[tilespmem:$0x1D500] =	vst v63  }
0x7a: {  	_ =	swait.ge [sflag:s14], $0x4000  }
0x7b: {  	[sflag:s14] =	ssyncset.done $0x0  }
0x7c: {  	[sflag:s14] =	ssyncadd.s32 $0xFFFFC000  }
0x7d: {  	_ =	swait.ge [sflag:s15], $0x80  }
0x7e: {  	[sflag:s15] =	ssyncset.done $0x0  }
0x7f: {  	[sflag:s15] =	ssyncadd.s32 $0xFFFFFF80  }
0x80: {  	_ =	swait.ge [sflag:s15], $0x80  }
0x81: {  	p0 =	seq.s32 s20, $0x980;
	[sflag:s15] =	ssyncset.done $0x0  }
0x82: {  	s10 =	sshrl.u32 @!p0 s18, $0x3;
	[sflag:s15] =	ssyncadd.s32 $0xFFFFFF80  }
0x83: {  	[tilespmem:s0], [sflag:$0x5] =	stream.indirect.gather [hbm4b:s5+s26], $0x80, s29, s26, $0xb8;
	[tilespmem:$0x1D500] =	vst v63  }
0x84: {  	s24 =	simm.s32 @!p0 $0x0;
	s10 =	sadd.s32 @!p0 s4, s10  }
0x85: {  	[tilespmem:s24], [sflag:$0x1] =	stream.linear.gather @!p0 [hbm4b:s10+s24], $0x80, $0x38;
	[tilespmem:$0x1D500] =	vst v63  }
0x86: {  	s10 =	sadd.s32 @!p0 s20, s19  }
0x87: {  	s17 =	simm.s32 @!p0 $0x200;
	s10 =	sadd.s32 @!p0 $0x40, s10  }
0x88: {  	[tilespmem:s17], [sflag:$0x1] =	stream.linear.gather @!p0 [hbm4b:s10+s24], $0x80, $0x38;
	[tilespmem:$0x1D500] =	vst v63  }
0x89: {  	_ =	swait.ge [sflag:s1], $0x4000  }
0x8a: {  	[sflag:s1] =	ssyncset.done $0x0  }
0x8b: {  	[sflag:s1] =	ssyncadd.s32 $0xFFFFC000  }
0x8c: {  	[spmem:s2] =	stream.indirect.scatter.add.f32 [tilespmem:s0], [sflag:$0x7], $0x80, s30, s26, $0xb8;
	[tilespmem:$0x1D500] =	vst v63  }
0x8d: {  	_ =	swait.ge [sflag:s9], $0x4000  }
0x8e: {  	[sflag:s9] =	ssyncset.done $0x0  }
0x8f: {  	[sflag:s9] =	ssyncadd.s32 $0xFFFFC000  }
0x90: {  	_ =	swait.ge [sflag:s16], $0x80  }
0x91: {  	[sflag:s16] =	ssyncset.done $0x0  }
.Ltmp2:
0x92: {  	[sflag:s16] =	ssyncadd.s32 $0xFFFFFF80;
	(pc) =	sbr.rel @p0 .LBB2_4-.Ltmp2, $4  }
0x93: {  	_ =	swait.ge [sflag:s16], $0x80  }
0x94: {  	[sflag:s16] =	ssyncset.done $0x0  }
0x95: {  	[sflag:s16] =	ssyncadd.s32 $0xFFFFFF80  }
0x96: {  	[tilespmem:s7], [sflag:$0x6] =	stream.indirect.gather [hbm4b:s5+s26], $0x80, s11, s26, $0xb8;
	[tilespmem:$0x1D500] =	vst v63  }
0x97: {  	s10 =	sadd.s32 s20, s21  }
0x98: {  	[tilespmem:s26], [sflag:$0x2] =	stream.linear.gather [hbm4b:s10+s3], $0x80, $0x38;
	[tilespmem:$0x1D500] =	vst v63  }
0x99: {  	s24 =	sadd.s32 $0x50, s8  }
0x9a: {  	[tilespmem:s28], [sflag:$0x2] =	stream.linear.gather [hbm4b:s24+s3], $0x80, $0x38;
	[tilespmem:$0x1D500] =	vst v63  }
0x9b: {  	_ =	swait.ge [sflag:s13], $0x4000  }
0x9c: {  	[sflag:s13] =	ssyncset.done $0x0  }
0x9d: {  	[sflag:s13] =	ssyncadd.s32 $0xFFFFC000  }
0x9e: {  	[spmem:s2] =	stream.indirect.scatter.add.f32 [tilespmem:s7], [sflag:$0x8], $0x80, s12, s26, $0xb8;
	[tilespmem:$0x1D500] =	vst v63  }
0x9f: {  	_ =	swait.ge [sflag:s14], $0x4000  }
0xa0: {  	[sflag:s14] =	ssyncset.done $0x0  }
0xa1: {  	[sflag:s14] =	ssyncadd.s32 $0xFFFFC000  }
0xa2: {  	_ =	swait.ge [sflag:s31], $0x80  }
0xa3: {  	[sflag:s31] =	ssyncset.done $0x0  }
0xa4: {  	[sflag:s31] =	ssyncadd.s32 $0xFFFFFF80  }
0xa5: {  	_ =	swait.ge [sflag:s31], $0x80  }
0xa6: {  	[sflag:s31] =	ssyncset.done $0x0  }
0xa7: {  	[sflag:s31] =	ssyncadd.s32 $0xFFFFFF80  }
0xa8: {  	[tilespmem:s0], [sflag:$0x5] =	stream.indirect.gather [hbm4b:s5+s26], $0x80, s3, s26, $0xb8;
	[tilespmem:$0x1D500] =	vst v63  }
.Ltmp3:
0xa9: {  	_ = 	snop;
	(pc) =	sbr.rel .LBB2_2-.Ltmp3, $4  }
0xaa: {  	s17 =	sadd.s32 s20, s23  }
0xab: {  	[tilespmem:s29], [sflag:$0x3] =	stream.linear.gather [hbm4b:s17+s3], $0x80, $0x38;
	[tilespmem:$0x1D500] =	vst v63  }
0xac: {  	s20 =	sadd.s32 $0x40, s20;
	s18 =	sadd.s32 $0x200, s18;
	s24 =	sadd.s32 $0x60, s8  }
0xad: {  	[tilespmem:s30], [sflag:$0x3] =	stream.linear.gather [hbm4b:s24+s3], $0x80, $0x38;
	[tilespmem:$0x1D500] =	vst v63  }
.LBB2_5:
0xae: {  	_ =	sfence.sel $0x180000  }
0xaf: {  	[bflag:$0x0] =	sbarrier.arrive $0xFFFF  }
0xb0: {  	_ =	strace $0x9000004A  }
0xb1: {  	s0 =	stileid.u32;
	[bflag:$0x2] =	sbarrier.arrive $0xFFFF  }
0xb2: {  	p0 =	sne.s32 s0, $0x0;
	s0 =	rddreg [dreg:$0x2]  }
0xb3: {  	s0 =	sadd.s32 @!p0 $0x100000, s0  }
0xb4: {  	[sflag:s0] =	ssyncadd.tile.s32 @!p0 $0x1;
	_ =	shalt  }
.Lfunc_end2:
_tile_overlayer_lowered:
.L_overlay_start_2:
0xb5: {  	(tag) =	ssettag $0x2  }
0xb6: {  	s0 =	rddreg [dreg:$0x0];
	s2 =	stileid.u32  }
0xb7: {  	s1 =	rddreg [dreg:$0x1];
	p0 =	sne.s32 s2, $0x0  }
0xb8: {  	s3 =	rddreg [dreg:$0x2];
	[bflag:$0x3] =	sbarrier.arrive $0xFFFF;
	s2 =	simm.s32 @!p0 $0x1C09  }
0xb9: {  	[timem:s3], [sflag:s2] =	dma.local @!p0 [hbm:s0], s1  }
0xba: {  	s0 =	simm.s32 @!p0 $0x9  }
0xbb: {  	_ =	swait.ge @!p0 [sflag:s0], s1  }
0xbc: {  	s1 =	ssub.s32 @!p0 $0x0, s1;
	[sflag:s0] =	ssyncset.done @!p0 $0x0  }
0xbd: {  	[sflag:s0] =	ssyncadd.s32 @!p0 s1  }
0xbe: {  	[bflag:$0x3] =	sbarrier.arrive $0xFFFF  }
0xbf: {  	_ =	shalt  }

// kernel: kernel.14.cloned.1.call-start
scs
__scs_entry_jumppad:
0x0: {  	(pc) =	sbr.rel $0x88, $3  }
0x1: {  	(tag) =	ssettag $0x0;
	lr =	simm.s32 $0x1  }
0x2: {  	[smem:$0x3F99] =	sst lr;
	_ =	strace $0xD0000000  }
0x3: {  	_ = 	snop  }
0x4: {  	_ = 	snop  }
0x5: {  	_ = 	snop  }
0x6: {  	_ = 	snop  }
0x7: {  	_ = 	snop  }
__scs_overlays_trampoline_lowered:
0x8: {  	[smem:$0x3FA8] =	sst s0  }
0x9: {  	[smem:$0x3FA9] =	sst s1  }
0xa: {  	[smem:$0x3FAA] =	sst s2  }
0xb: {  	[smem:$0x3FAB] =	sst s3  }
0xc: {  	[smem:$0x3FAC] =	sst s4  }
0xd: {  	[smem:$0x3FAD] =	sst s5  }
0xe: {  	[smem:$0x3FAE] =	sst s6  }
0xf: {  	[smem:$0x3FAF] =	sst s7  }
0x10: {  	[smem:$0x3FB0] =	sst s8  }
0x11: {  	[smem:$0x3FB1] =	sst s9;
	s0 =	simm.s32 @!p0 $0x0  }
0x12: {  	s1 =	sld [smem:$0x3F97];
	s0 =	simm.s32 @p0 $0x1  }
0x13: {  	[smem:$0x3FB2] =	sst s0;
	s0 =	simm.s32 @!p1 $0x0  }
0x14: {  	s2 =	sld [smem:$0x3F96];
	s0 =	simm.s32 @p1 $0x1  }
0x15: {  	[smem:$0x3FB3] =	sst s0;
	s0 =	simm.s32 @!p2 $0x0  }
0x16: {  	s3 =	sld [smem:$0x3FDB];
	s0 =	simm.s32 @p2 $0x1  }
0x17: {  	s4 =	simm.s32 $0x1BF5;
	[smem:$0x3FB5] =	sst s0  }
0x18: {  	s0 =	sld [smem:$0x3F98];
	_ =	swait.ge [sflag:s4], $0x0  }
0x19: {  	s7 =	sld [smem:$0x3F99]  }
0x1a: {  	s8 =	sadd.s32 $0xFFFFE003, lr  }
0x1b: {  	s9 =	sadd.s32 $0xFFFFFEF7, lr;
	s5 =	simm.s32 $0xFFFFFFFF;
	p2 =	slt.u32 s8, $0xFFFFF086  }
0x1c: {  	p1 =	slt.u32 s9, $0xF7A;
	s5 =	simm.s32 @!p2 $0x0  }
0x1d: {  	s5 =	simm.s32 @p1 $0x1;
	p0 =	seq.s32 s7, s2  }
0x1e: {  	s7 =	smul.u32 @!p0 $0xF7A, s2;
	p2 =	seq.s32 @!p0 s5, $0x0  }
0x1f: {  	s9 =	smul.u32 $0xF7A, s1;
	s8 =	simm.s32 @!p0 $0x1BF5;
	p2 =	por !p2, p0  }
0x20: {  	[sflag:s8] =	ssyncset.s32 @!p0 $0xFFFFF086;
	s6 =	sadd.s32 @!p0 s3, s7;
	s7 =	simm.s32 @!p0 $0x108  }
0x21: {  	s3 =	sadd.s32 s3, s9;
	s6 =	sadd.s32 @!p0 $0x88, s6;
	s7 =	simm.s32 @p2 $0x1082  }
0x22: {  	[simem:s7], [sflag:s8] =	dma.local @!p0 [hbm:s6], $0xF7A  }
0x23: {  	s9 =	sor.u32 $0xD0000000, s2;
	s6 =	simm.s32 $0x108;
	_ =	swait.ge @!p0 [sflag:s8], $0x0  }
0x24: {  	s3 =	sadd.s32 $0x88, s3;
	s6 =	simm.s32 @!p1 $0x1082;
	[sflag:s4] =	ssyncset.s32 $0xFFFFF086  }
0x25: {  	[simem:s6], [sflag:s4] =	dma.local [hbm:s3], $0xF7A  }
0x26: {  	[smem:$0x3F99] =	sst s1;
	(tag) =	ssettag s2;
	_ =	strace s9  }
0x27: {  	s1 =	sld [smem:$0x3FA9]  }
0x28: {  	s2 =	sld [smem:$0x3FAA]  }
0x29: {  	s4 =	sld [smem:$0x3FAC]  }
0x2a: {  	p0 =	seq.s32 s5, $0x0;
	s5 =	sld [smem:$0x3FAD]  }
0x2b: {  	s6 =	sld [smem:$0x3FAE]  }
0x2c: {  	s7 =	sld [smem:$0x3FAF]  }
0x2d: {  	s3 =	simm.s32 $0x108;
	s8 =	sld [smem:$0x3FB0]  }
0x2e: {  	s3 =	simm.s32 @!p0 $0x1082;
	s9 =	sld [smem:$0x3FB1]  }
0x2f: {  	lr =	sadd.s32 s0, s3;
	s0 =	sld [smem:$0x3FA8]  }
0x30: {  	s3 =	sld [smem:$0x3FAB]  }
0x31: {  	[smem:$0x3FB4] =	sst s10  }
0x32: {  	s10 =	sld [smem:$0x3FB2];
	_ =	sdelay $0x3  }
0x33: {  	p0 =	seq.s32 s10, $0x1;
	s10 =	sld [smem:$0x3FB4];
	_ =	sdelay $0x3  }
0x34: {  	[smem:$0x3FB4] =	sst s10  }
0x35: {  	s10 =	sld [smem:$0x3FB3];
	_ =	sdelay $0x3  }
0x36: {  	p1 =	seq.s32 s10, $0x1;
	s10 =	sld [smem:$0x3FB4];
	_ =	sdelay $0x3  }
0x37: {  	[smem:$0x3FB4] =	sst s10  }
0x38: {  	s10 =	sld [smem:$0x3FB5]  }
0x39: {  	_ = 	snop;
	(pc) =	sbr.ind lr, $3  }
0x3a: {  	_ = 	snop  }
0x3b: {  	_ = 	snop  }
0x3c: {  	p2 =	seq.s32 s10, $0x1;
	s10 =	sld [smem:$0x3FB4]  }
0x3d: {  	_ =	shalt  }
0x3e: {  	_ =	shalt  }
0x3f: {  	_ =	shalt  }
0x40: {  	_ =	shalt  }
0x41: {  	_ =	shalt  }
0x42: {  	_ =	shalt  }
0x43: {  	_ =	shalt  }
0x44: {  	_ =	shalt  }
0x45: {  	_ =	shalt  }
0x46: {  	_ =	shalt  }
0x47: {  	_ =	shalt  }
0x48: {  	_ =	shalt  }
0x49: {  	_ =	shalt  }
0x4a: {  	_ =	shalt  }
0x4b: {  	_ =	shalt  }
0x4c: {  	_ =	shalt  }
0x4d: {  	_ =	shalt  }
0x4e: {  	_ =	shalt  }
0x4f: {  	_ =	shalt  }
0x50: {  	_ =	shalt  }
0x51: {  	_ =	shalt  }
0x52: {  	_ =	shalt  }
0x53: {  	_ =	shalt  }
0x54: {  	_ =	shalt  }
0x55: {  	_ =	shalt  }
0x56: {  	_ =	shalt  }
0x57: {  	_ =	shalt  }
0x58: {  	_ =	shalt  }
0x59: {  	_ =	shalt  }
0x5a: {  	_ =	shalt  }
0x5b: {  	_ =	shalt  }
0x5c: {  	_ =	shalt  }
0x5d: {  	_ =	shalt  }
0x5e: {  	_ =	shalt  }
0x5f: {  	_ =	shalt  }
0x60: {  	_ =	shalt  }
0x61: {  	_ =	shalt  }
0x62: {  	_ =	shalt  }
0x63: {  	_ =	shalt  }
0x64: {  	_ =	shalt  }
0x65: {  	_ =	shalt  }
0x66: {  	_ =	shalt  }
0x67: {  	_ =	shalt  }
0x68: {  	_ =	shalt  }
0x69: {  	_ =	shalt  }
0x6a: {  	_ =	shalt  }
0x6b: {  	_ =	shalt  }
0x6c: {  	_ =	shalt  }
0x6d: {  	_ =	shalt  }
0x6e: {  	_ =	shalt  }
0x6f: {  	_ =	shalt  }
0x70: {  	_ =	shalt  }
0x71: {  	_ =	shalt  }
0x72: {  	_ =	shalt  }
0x73: {  	_ =	shalt  }
0x74: {  	_ =	shalt  }
0x75: {  	_ =	shalt  }
0x76: {  	_ =	shalt  }
0x77: {  	_ =	shalt  }
0x78: {  	_ =	shalt  }
0x79: {  	_ =	shalt  }
0x7a: {  	_ =	shalt  }
0x7b: {  	_ =	shalt  }
0x7c: {  	_ =	shalt  }
0x7d: {  	_ =	shalt  }
0x7e: {  	_ =	shalt  }
0x7f: {  	_ =	shalt  }
0x80: {  	_ =	shalt  }
0x81: {  	_ =	shalt  }
0x82: {  	_ =	shalt  }
0x83: {  	_ =	shalt  }
0x84: {  	_ =	shalt  }
0x85: {  	_ =	shalt  }
0x86: {  	_ =	shalt  }
0x87: {  	_ =	shalt  }
.Lfunc_end0:
.L_simem_size_0:
called_computation.2_lowered:
.L_overlay_start_0:
0x88: {  	s2 =	sld [smem:$0x3FD9]  }
0x89: {  	s3 =	sld [smem:$0x3FFE];
	_ =	sdelay $0x1  }
0x8a: {  	s1 =	srdreg.scid  }
0x8b: {  	s0 =	sand.u32 $0x1, s1  }
0x8c: {  	s16 =	sshll.u32 s0, $0xA;
	s2 =	sadd.s32 s3, s2  }
0x8d: {  	s2 =	sadd.s32 s2, s16  }
0x8e: {  	[smem:$0x3FC0] =	sst s2  }
0x8f: {  	_ = 	snop  }
0x90: {  	(tm) =	ssettm $0x1  }
0x91: {  	s17 =	sld [smem:$0x3FFB];
	_ =	sdelay $0x3  }
0x92: {  	_ =	strace s17  }
0x93: {  	s2 =	sld [smem:$0x3FFC];
	_ =	sdelay $0x3  }
0x94: {  	_ =	strace s2  }
0x95: {  	s2 =	sld [smem:$0x3FFD];
	_ =	sdelay $0x3  }
0x96: {  	_ =	strace s2  }
0x97: {  	_ =	strace $0x8FFFFFFF  }
0x98: {  	s18 =	sld [smem:$0x3FDB];
	_ =	sdelay $0x1  }
0x99: {  	s19 =	simm.s32 $_scs_section_size  }
0x9a: {  	s4 =	simm.s32 $_size__tile_overlayer_lowered;
	s5 =	simm.s32 $_tile_overlayer_lowered  }
0x9b: {  	s22 =	simm.s32 $0x1BFF;
	s21 =	sshll.u32 s5, $0x1;
	s2 =	sadd.s32 s19, s18  }
0x9c: {  	s6 =	simm.s32 $0x0;
	s20 =	sshll.u32 s4, $0x1;
	s4 =	sadd.s32 s21, s2  }
0x9d: {  	[timem:s6], [sflag:s22] =	dma.local [hbm:s4], s20  }
0x9e: {  	_ =	swait.ge [sflag:s22], s20  }
0x9f: {  	s3 =	ssub.s32 $0x0, s20;
	[sflag:s22] =	ssyncset.done $0x0  }
0xa0: {  	[sflag:s22] =	ssyncadd.s32 s3;
	_ =	sdelay $0x1  }
0xa1: {  	s23 =	simm.s32 $0x1B8B  }
0xa2: {  	_ =	swait.ge [sflag:s23], $0x1  }
0xa3: {  	[sflag:s23] =	ssyncset.done $0x0  }
0xa4: {  	s25 =	simm.s32 $0x1B8E;
	s24 =	sld [smem:$0x3FFE];
	[sflag:s23] =	ssyncadd.s32 $0xFFFFFFFF  }
0xa5: {  	s26 =	simm.s32 $execute0_lowered;
	[smem:$0x3FD2] =	sst s25  }
0xa6: {  	s4 =	sshll.u32 s26, $0x1;
	_ =	strace $0x8000004C;
	[dreg:$0x1] =	wrdreg $0xFFFFFFFF  }
0xa7: {  	s28 =	simm.s32 $_size_execute0_lowered;
	s2 =	sadd.s32 s2, s4;
	[dreg:$0x0] =	wrdreg $0x0  }
0xa8: {  	s4 =	sshll.u32 s28, $0x1;
	[dreg:$0x2] =	wrdreg s2  }
0xa9: {  	[dreg:$0x3] =	wrdreg s4  }
0xaa: {  	[dreg:$0x4] =	wrdreg $0xC0  }
0xab: {  	_ =	task [dreg:s6], $0x5FFFF  }
0xac: {  	[dreg:$0x1] =	wrdreg $0xFFFFFFFF  }
0xad: {  	[dreg:$0x0] =	wrdreg $0x60  }
0xae: {  	[dreg:$0x2] =	wrdreg s24  }
0xaf: {  	[dreg:$0x3] =	wrdreg $0x95000  }
0xb0: {  	[dreg:$0x4] =	wrdreg $0x9  }
0xb1: {  	_ =	task.clear_ibuf [dreg:s6], $0x5FFFF;
	_ =	strace $0x9000004C  }
0xb2: {  	s29 =	simm.s32 $0x9;
	_ =	strace $0x8000004E  }
0xb3: {  	_ =	swait.ge [sflag:s29], $0x1  }
0xb4: {  	[sflag:s29] =	ssyncadd.s32 $0xFFFFFFFF  }
0xb5: {  	_ =	strace $0x9000004E  }
0xb6: {  	_ =	sfence  }
0xb7: {  	s30 =	sld [smem:$0x0];
	_ =	sdelay $0x2  }
0xb8: {  	s31 =	sshll.u32 s1, $0xD;
	s1 =	sshrl.u32 s1, $0x2  }
0xb9: {  	s3 =	sand.u32 $0x4000, s31;
	s1 =	sadd.s32 s1, s30  }
0xba: {  	s0 =	sor.u32 s3, s0;
	s1 =	sshll.u32 s1, $0x11  }
0xbb: {  	s0 =	sor.u32 s1, s0  }
0xbc: {  	s0 =	sadd.s32 $0x8F2B, s0  }
0xbd: {  	[sflag:s0] =	ssyncadd.remote.s32 $0x1  }
0xbe: {  	_ =	sfence.sel $0xFFFF  }
0xbf: {  	[dreg:$0x0] =	wrdreg $0xFFFFFFFF;
	(pc) =	sbr.abs _section_cstart, $3  }
0xc0: {  	[dreg:$0x1] =	wrdreg $0xFFFFFFFF  }
0xc1: {  	_ =	task.clear_ibuf [dreg:s6], $0x2FFFF;
	_ =	strace $0x9FFFFFFF  }
0xc2: {  	(tm) =	ssettm $0x7FFFFFFF  }
0xc3: {  	_ =	shalt  }
tec
execute0_lowered:
.L_overlay_start_1:
0x0: {  	(tag) =	ssettag $0x1  }
0x1: {  	s0 =	rddreg [dreg:$0x0]  }
0x2: {  	s2 =	rddreg [dreg:$0x1]  }
0x3: {  	s1 =	srdreg.scid;
	s12 =	stileid.u32;
	s3 =	simm.s32 $0x0  }
0x4: {  	s28 =	simm.s32 $0x280;
	s29 =	simm.s32 $0x100;
	s30 =	simm.s32 $0x300  }
0x5: {  	s31 =	simm.s32 $0x1;
	s1 =	sand.u32 $0x1, s1;
	s6 =	smul.u32 $0x2800, s12  }
0x6: {  	[smem:$0x7FF] =	sst s3;
	s4 =	sadd.s32 $0x87800, s0;
	s8 =	smul.u32 $0x50000, s12  }
0x7: {  	s9 =	sadd.s32 $0x2400, s0;
	s5 =	sadd.s32 $0xF800, s0;
	s10 =	smul.u32 $0x4E20, s12  }
0x8: {  	s11 =	sadd.s32 $0xD000, s0;
	s23 =	sshll.u32 s12, $0x6;
	s18 =	smul.u32 $0x9C4, s12  }
0x9: {  	s12 =	simm.s32 $0x380;
	s7 =	smul.u32 $0x28000, s1;
	_ =	strace $0x8000004D  }
0xa: {  	s20 =	ssub.s32 $0x2, s1;
	s1 =	smul.u32 $0x4E200, s1;
	[dreg:$0x3] =	wrdreg s11  }
0xb: {  	s17 =	sor.u32 $0x1C09, s23;
	s21 =	sshrl.u32 s20, $0x1;
	s22 =	sshrl.u32 s8, $0x2  }
0xc: {  	s25 =	sshrl.u32 s10, $0x3;
	s14 =	sadd.s32 $0x4E00, s10;
	[dreg:$0x5] =	wrdreg s17  }
0xd: {  	s6 =	sadd.s32 s6, s7;
	s8 =	sadd.s32 s10, s1;
	s7 =	sadd.s32 s22, s2  }
0xe: {  	s13 =	sadd.s32 s9, s25;
	s1 =	sadd.s32 s1, s14;
	s10 =	simm.s32 $0x9  }
0xf: {  	s0 =	sadd.s32 s6, s0;
	s6 =	ssub.s32 s20, s21;
	[dreg:$0x4] =	wrdreg s7  }
0x10: {  	s24 =	sshrl.u32 s8, $0x3;
	s15 =	sadd.s32 $0x10, s13;
	s1 =	sshrl.u32 s1, $0x3  }
0x11: {  	s7 =	sshrl.u32 s14, $0x3;
	[dreg:$0x7] =	wrdreg s13;
	s19 =	sadd.s32 $0x20, s13  }
0x12: {  	s22 =	sadd.s32 $0x200, s8;
	s23 =	sadd.s32 $0x280, s8;
	s25 =	sadd.s32 $0x300, s8  }
0x13: {  	s13 =	simm.s32 $0x6;
	s14 =	simm.s32 $0x7;
	[dreg:$0x9] =	wrdreg s15  }
0x14: {  	s11 =	sadd.s32 s4, s24;
	[dreg:$0xb] =	wrdreg s19;
	s1 =	sadd.s32 s4, s1  }
0x15: {  	s20 =	sadd.s32 s9, s7;
	s0 =	sadd.s32 $0x9B200, s0;
	[dreg:$0x10] =	wrdreg s22  }
0x16: {  	s21 =	smax.u32 s6, $0x1;
	s19 =	sadd.s32 s18, s9;
	[dreg:$0x6] =	wrdreg s11  }
0x17: {  	s24 =	sadd.s32 $0x180, s8;
	s6 =	simm.s32 $0x2;
	[dreg:$0xc] =	wrdreg s1  }
0x18: {  	s7 =	simm.s32 $0x4400;
	s15 =	simm.s32 $0x3;
	[dreg:$0xd] =	wrdreg s20  }
0x19: {  	s9 =	simm.s32 $0x8;
	s18 =	simm.s32 $0x0;
	[dreg:$0xe] =	wrdreg s0  }
0x1a: {  	s26 =	sadd.s32 $0x10, s11;
	s16 =	sadd.s32 $0x20, s11;
	[dreg:$0xf] =	wrdreg s21  }
.Ltmp0:
0x1b: {  	s0 =	sshrl.u32 s23, $0x3;
	[dreg:$0x8] =	wrdreg s26;
	(pc) =	sbr.rel .LBB2_1-.Ltmp0, $4  }
0x1c: {  	s1 =	sshrl.u32 s24, $0x3;
	s11 =	simm.s32 $0x180;
	[dreg:$0xa] =	wrdreg s16  }
0x1d: {  	s21 =	sadd.s32 s0, s4;
	s22 =	sadd.s32 s1, s4;
	s26 =	sshrl.u32 s25, $0x3  }
0x1e: {  	s25 =	simm.s32 $0x200;
	s0 =	simm.s32 $0x400;
	s1 =	simm.s32 $0x5  }
0x1f: {  	s16 =	simm.s32 $0x4;
	s23 =	sadd.s32 s26, s4;
	s26 =	simm.s32 $0x80  }
.LBB2_4:
0x20: {  	_ =	swait.ge [sflag:s13], $0x4000  }
0x21: {  	[sflag:s13] =	ssyncset.done $0x0  }
0x22: {  	[sflag:s13] =	ssyncadd.s32 $0xFFFFC000  }
0x23: {  	[spmem:s2] =	stream.indirect.scatter.add.f32 [tilespmem:s7], [sflag:$0x8], $0x80, s12, s26, $0xb8;
	[tilespmem:$0x1D500] =	vst v63  }
0x24: {  	_ =	swait.ge [sflag:s14], $0x4000  }
0x25: {  	[sflag:s14] =	ssyncset.done $0x0  }
0x26: {  	[sflag:s14] =	ssyncadd.s32 $0xFFFFC000  }
0x27: {  	_ =	swait.ge [sflag:s9], $0x4000  }
0x28: {  	[sflag:s9] =	ssyncset.done $0x0  }
0x29: {  	s10 =	simm.s32 $0x8400;
	s8 =	rddreg [dreg:$0xc];
	[sflag:s9] =	ssyncadd.s32 $0xFFFFC000  }
0x2a: {  	[tilespmem:s10], [sflag:$0x1] =	stream.linear.gather [hbm4b:s8+s3], $0x20, $0x38;
	[tilespmem:$0x1D500] =	vst v63  }
0x2b: {  	s17 =	simm.s32 $0x8480;
	s20 =	rddreg [dreg:$0xd]  }
0x2c: {  	[tilespmem:s17], [sflag:$0x1] =	stream.linear.gather [hbm4b:s20+s3], $0x20, $0x38;
	[tilespmem:$0x1D500] =	vst v63  }
0x2d: {  	_ =	swait.ge [sflag:s31], $0x20  }
0x2e: {  	[sflag:s31] =	ssyncset.done $0x0  }
0x2f: {  	[sflag:s31] =	ssyncadd.s32 $0xFFFFFFE0  }
0x30: {  	_ =	swait.ge [sflag:s31], $0x20  }
0x31: {  	[sflag:s31] =	ssyncset.done $0x0  }
0x32: {  	s24 =	simm.s32 $0x20;
	s18 =	simm.s32 $0x8500;
	[sflag:s31] =	ssyncadd.s32 $0xFFFFFFE0  }
0x33: {  	[tilespmem:s18], [sflag:$0x5] =	stream.indirect.gather [hbm4b:s5+s24], $0x80, s10, s24, $0xb8;
	[tilespmem:$0x1D500] =	vst v63  }
0x34: {  	_ =	swait.ge [sflag:s1], $0x1000  }
0x35: {  	[sflag:s1] =	ssyncset.done $0x0  }
0x36: {  	s10 =	simm.s32 $0x9;
	[sflag:s1] =	ssyncadd.s32 $0xFFFFF000  }
0x37: {  	[spmem:s2] =	stream.indirect.scatter.add.f32 [tilespmem:s18], [sflag:$0x9], $0x80, s17, s24, $0xb8;
	[tilespmem:$0x1D500] =	vst v63  }
0x38: {  	_ =	swait.ge [sflag:s10], $0x1000  }
0x39: {  	[sflag:s10] =	ssyncset.done $0x0  }
0x3a: {  	[sflag:s10] =	ssyncadd.s32 $0xFFFFF000  }
0x3b: {  	[bflag:$0x0] =	sbarrier.arrive $0xFFFF  }
0x3c: {  	s17 =	rddreg [dreg:$0x5]  }
0x3d: {  	s20 =	rddreg [dreg:$0xe]  }
0x3e: {  	s24 =	rddreg [dreg:$0x12]  }
0x3f: {  	[hbm:s20], [sflag:s17] =	dma.local [spmem:s24], $0x2800  }
0x40: {  	_ =	swait.ge [sflag:s10], $0x2800  }
0x41: {  	s20 =	rddreg [dreg:$0x11]  }
0x42: {  	s24 =	rddreg [dreg:$0xf];
	s18 =	sadd.s32 $0x1, s20  }
0x43: {  	p0 =	sne.s32 s18, s24  }
.Ltmp1:
0x44: {  	_ = 	snop;
	(pc) =	sbr.rel @!p0 .LBB2_5-.Ltmp1, $3  }
0x45: {  	_ =	sdelay $0x1  }
0x46: {  	[sflag:s10] =	ssyncset.done $0x0  }
0x47: {  	[sflag:s10] =	ssyncadd.s32 $0xFFFFD800  }
.LBB2_1:
0x48: {  	[dreg:$0x11] =	wrdreg s18  }
0x49: {  	s8 =	rddreg [dreg:$0x4]  }
0x4a: {  	s20 =	rddreg [dreg:$0x3];
	s8 =	sshrl.u32 s8, $0x3  }
0x4b: {  	[dreg:$0x12] =	wrdreg s8  }
0x4c: {  	[spmem:s8], [sflag:s17] =	dma.local [hbm:s20], $0x2800  }
0x4d: {  	_ =	swait.ge [sflag:s10], $0x2800  }
0x4e: {  	[sflag:s10] =	ssyncset.done $0x0  }
0x4f: {  	[sflag:s10] =	ssyncadd.s32 $0xFFFFD800  }
0x50: {  	[bflag:$0x0] =	sbarrier.arrive $0xFFFF  }
0x51: {  	s24 =	rddreg [dreg:$0x6]  }
0x52: {  	[tilespmem:s3], [sflag:$0x1] =	stream.linear.gather [hbm4b:s24+s3], $0x80, $0x38;
	[tilespmem:$0x1D500] =	vst v63  }
0x53: {  	s10 =	rddreg [dreg:$0x7]  }
0x54: {  	[tilespmem:s25], [sflag:$0x1] =	stream.linear.gather [hbm4b:s10+s3], $0x80, $0x38;
	[tilespmem:$0x1D500] =	vst v63  }
0x55: {  	s17 =	rddreg [dreg:$0x8]  }
0x56: {  	[tilespmem:s26], [sflag:$0x2] =	stream.linear.gather [hbm4b:s17+s3], $0x80, $0x38;
	[tilespmem:$0x1D500] =	vst v63  }
0x57: {  	s18 =	rddreg [dreg:$0x9]  }
0x58: {  	[tilespmem:s28], [sflag:$0x2] =	stream.linear.gather [hbm4b:s18+s3], $0x80, $0x38;
	[tilespmem:$0x1D500] =	vst v63  }
0x59: {  	s20 =	rddreg [dreg:$0xa]  }
0x5a: {  	[tilespmem:s29], [sflag:$0x3] =	stream.linear.gather [hbm4b:s20+s3], $0x80, $0x38;
	[tilespmem:$0x1D500] =	vst v63  }
0x5b: {  	s24 =	rddreg [dreg:$0xb]  }
0x5c: {  	[tilespmem:s30], [sflag:$0x3] =	stream.linear.gather [hbm4b:s24+s3], $0x80, $0x38;
	[tilespmem:$0x1D500] =	vst v63  }
0x5d: {  	_ =	swait.ge [sflag:s31], $0x80  }
0x5e: {  	[sflag:s31] =	ssyncset.done $0x0  }
0x5f: {  	[sflag:s31] =	ssyncadd.s32 $0xFFFFFF80  }
0x60: {  	_ =	swait.ge [sflag:s31], $0x80  }
0x61: {  	[sflag:s31] =	ssyncset.done $0x0  }
0x62: {  	s20 =	simm.s32 $0x0;
	s18 =	rddreg [dreg:$0x10];
	[sflag:s31] =	ssyncadd.s32 $0xFFFFFF80  }
0x63: {  	[tilespmem:s0], [sflag:$0x5] =	stream.indirect.gather [hbm4b:s5+s26], $0x80, s3, s26, $0xb8;
	[tilespmem:$0x1D500] =	vst v63  }
.LBB2_2:
0x64: {  	_ =	swait.ge [sflag:s1], $0x4000  }
0x65: {  	p0 =	seq.s32 s20, $0x0;
	[sflag:s1] =	ssyncset.done $0x0  }
0x66: {  	s8 =	simm.s32 @!p0 $0x8;
	[sflag:s1] =	ssyncadd.s32 $0xFFFFC000  }
0x67: {  	[spmem:s2] =	stream.indirect.scatter.add.f32 [tilespmem:s0], [sflag:$0x7], $0x80, s25, s26, $0xb8;
	[tilespmem:$0x1D500] =	vst v63  }
0x68: {  	_ =	swait.ge @!p0 [sflag:s8], $0x4000  }
0x69: {  	[sflag:s8] =	ssyncset.done @!p0 $0x0  }
0x6a: {  	[sflag:s8] =	ssyncadd.s32 @!p0 $0xFFFFC000  }
0x6b: {  	_ =	swait.ge [sflag:s6], $0x80  }
0x6c: {  	[sflag:s6] =	ssyncset.done $0x0  }
0x6d: {  	[sflag:s6] =	ssyncadd.s32 $0xFFFFFF80  }
0x6e: {  	_ =	swait.ge [sflag:s6], $0x80  }
0x6f: {  	[sflag:s6] =	ssyncset.done $0x0  }
0x70: {  	[sflag:s6] =	ssyncadd.s32 $0xFFFFFF80  }
0x71: {  	[tilespmem:s7], [sflag:$0x6] =	stream.indirect.gather [hbm4b:s5+s26], $0x80, s26, s26, $0xb8;
	[tilespmem:$0x1D500] =	vst v63  }
0x72: {  	s24 =	sadd.s32 s20, s22;
	s8 =	sadd.s32 s20, s19  }
0x73: {  	[tilespmem:s11], [sflag:$0x4] =	stream.linear.gather [hbm4b:s24+s3], $0x80, $0x38;
	[tilespmem:$0x1D500] =	vst v63  }
0x74: {  	s10 =	sadd.s32 $0x30, s8  }
0x75: {  	[tilespmem:s12], [sflag:$0x4] =	stream.linear.gather [hbm4b:s10+s3], $0x80, $0x38;
	[tilespmem:$0x1D500] =	vst v63  }
0x76: {  	_ =	swait.ge [sflag:s13], $0x4000  }
0x77: {  	[sflag:s13] =	ssyncset.done $0x0  }
0x78: {  	[sflag:s13] =	ssyncadd.s32 $0xFFFFC000  }
0x79: {  	[spmem:s2] =	stream.indirect.scatter.add.f32 [tilespmem:s7], [sflag:$0x8], $0x80, s28, s26, $0xb8;
	[tilespmem:$0x1D500] =	vst v63  }
0x7a: {  	_ =	swait.ge [sflag:s14], $0x4000  }
0x7b: {  	[sflag:s14] =	ssyncset.done $0x0  }
0x7c: {  	[sflag:s14] =	ssyncadd.s32 $0xFFFFC000  }
0x7d: {  	_ =	swait.ge [sflag:s15], $0x80  }
0x7e: {  	[sflag:s15] =	ssyncset.done $0x0  }
0x7f: {  	[sflag:s15] =	ssyncadd.s32 $0xFFFFFF80  }
0x80: {  	_ =	swait.ge [sflag:s15], $0x80  }
0x81: {  	p0 =	seq.s32 s20, $0x980;
	[sflag:s15] =	ssyncset.done $0x0  }
0x82: {  	s10 =	sshrl.u32 @!p0 s18, $0x3;
	[sflag:s15] =	ssyncadd.s32 $0xFFFFFF80  }
0x83: {  	[tilespmem:s0], [sflag:$0x5] =	stream.indirect.gather [hbm4b:s5+s26], $0x80, s29, s26, $0xb8;
	[tilespmem:$0x1D500] =	vst v63  }
0x84: {  	s24 =	simm.s32 @!p0 $0x0;
	s10 =	sadd.s32 @!p0 s4, s10  }
0x85: {  	[tilespmem:s24], [sflag:$0x1] =	stream.linear.gather @!p0 [hbm4b:s10+s24], $0x80, $0x38;
	[tilespmem:$0x1D500] =	vst v63  }
0x86: {  	s10 =	sadd.s32 @!p0 s20, s19  }
0x87: {  	s17 =	simm.s32 @!p0 $0x200;
	s10 =	sadd.s32 @!p0 $0x40, s10  }
0x88: {  	[tilespmem:s17], [sflag:$0x1] =	stream.linear.gather @!p0 [hbm4b:s10+s24], $0x80, $0x38;
	[tilespmem:$0x1D500] =	vst v63  }
0x89: {  	_ =	swait.ge [sflag:s1], $0x4000  }
0x8a: {  	[sflag:s1] =	ssyncset.done $0x0  }
0x8b: {  	[sflag:s1] =	ssyncadd.s32 $0xFFFFC000  }
0x8c: {  	[spmem:s2] =	stream.indirect.scatter.add.f32 [tilespmem:s0], [sflag:$0x7], $0x80, s30, s26, $0xb8;
	[tilespmem:$0x1D500] =	vst v63  }
0x8d: {  	_ =	swait.ge [sflag:s9], $0x4000  }
0x8e: {  	[sflag:s9] =	ssyncset.done $0x0  }
0x8f: {  	[sflag:s9] =	ssyncadd.s32 $0xFFFFC000  }
0x90: {  	_ =	swait.ge [sflag:s16], $0x80  }
0x91: {  	[sflag:s16] =	ssyncset.done $0x0  }
.Ltmp2:
0x92: {  	[sflag:s16] =	ssyncadd.s32 $0xFFFFFF80;
	(pc) =	sbr.rel @p0 .LBB2_4-.Ltmp2, $4  }
0x93: {  	_ =	swait.ge [sflag:s16], $0x80  }
0x94: {  	[sflag:s16] =	ssyncset.done $0x0  }
0x95: {  	[sflag:s16] =	ssyncadd.s32 $0xFFFFFF80  }
0x96: {  	[tilespmem:s7], [sflag:$0x6] =	stream.indirect.gather [hbm4b:s5+s26], $0x80, s11, s26, $0xb8;
	[tilespmem:$0x1D500] =	vst v63  }
0x97: {  	s10 =	sadd.s32 s20, s21  }
0x98: {  	[tilespmem:s26], [sflag:$0x2] =	stream.linear.gather [hbm4b:s10+s3], $0x80, $0x38;
	[tilespmem:$0x1D500] =	vst v63  }
0x99: {  	s24 =	sadd.s32 $0x50, s8  }
0x9a: {  	[tilespmem:s28], [sflag:$0x2] =	stream.linear.gather [hbm4b:s24+s3], $0x80, $0x38;
	[tilespmem:$0x1D500] =	vst v63  }
0x9b: {  	_ =	swait.ge [sflag:s13], $0x4000  }
0x9c: {  	[sflag:s13] =	ssyncset.done $0x0  }
0x9d: {  	[sflag:s13] =	ssyncadd.s32 $0xFFFFC000  }
0x9e: {  	[spmem:s2] =	stream.indirect.scatter.add.f32 [tilespmem:s7], [sflag:$0x8], $0x80, s12, s26, $0xb8;
	[tilespmem:$0x1D500] =	vst v63  }
0x9f: {  	_ =	swait.ge [sflag:s14], $0x4000  }
0xa0: {  	[sflag:s14] =	ssyncset.done $0x0  }
0xa1: {  	[sflag:s14] =	ssyncadd.s32 $0xFFFFC000  }
0xa2: {  	_ =	swait.ge [sflag:s31], $0x80  }
0xa3: {  	[sflag:s31] =	ssyncset.done $0x0  }
0xa4: {  	[sflag:s31] =	ssyncadd.s32 $0xFFFFFF80  }
0xa5: {  	_ =	swait.ge [sflag:s31], $0x80  }
0xa6: {  	[sflag:s31] =	ssyncset.done $0x0  }
0xa7: {  	[sflag:s31] =	ssyncadd.s32 $0xFFFFFF80  }
0xa8: {  	[tilespmem:s0], [sflag:$0x5] =	stream.indirect.gather [hbm4b:s5+s26], $0x80, s3, s26, $0xb8;
	[tilespmem:$0x1D500] =	vst v63  }
.Ltmp3:
0xa9: {  	_ = 	snop;
	(pc) =	sbr.rel .LBB2_2-.Ltmp3, $4  }
0xaa: {  	s17 =	sadd.s32 s20, s23  }
0xab: {  	[tilespmem:s29], [sflag:$0x3] =	stream.linear.gather [hbm4b:s17+s3], $0x80, $0x38;
	[tilespmem:$0x1D500] =	vst v63  }
0xac: {  	s20 =	sadd.s32 $0x40, s20;
	s18 =	sadd.s32 $0x200, s18;
	s24 =	sadd.s32 $0x60, s8  }
0xad: {  	[tilespmem:s30], [sflag:$0x3] =	stream.linear.gather [hbm4b:s24+s3], $0x80, $0x38;
	[tilespmem:$0x1D500] =	vst v63  }
.LBB2_5:
0xae: {  	_ =	sfence.sel $0x180000  }
0xaf: {  	[bflag:$0x0] =	sbarrier.arrive $0xFFFF  }
0xb0: {  	_ =	strace $0x9000004D  }
0xb1: {  	s0 =	stileid.u32;
	[bflag:$0x2] =	sbarrier.arrive $0xFFFF  }
0xb2: {  	p0 =	sne.s32 s0, $0x0;
	s0 =	rddreg [dreg:$0x2]  }
0xb3: {  	s0 =	sadd.s32 @!p0 $0x100000, s0  }
0xb4: {  	[sflag:s0] =	ssyncadd.tile.s32 @!p0 $0x1;
	_ =	shalt  }
.Lfunc_end2:
_tile_overlayer_lowered:
.L_overlay_start_2:
0xb5: {  	(tag) =	ssettag $0x2  }
0xb6: {  	s0 =	rddreg [dreg:$0x0];
	s2 =	stileid.u32  }
0xb7: {  	s1 =	rddreg [dreg:$0x1];
	p0 =	sne.s32 s2, $0x0  }
0xb8: {  	s3 =	rddreg [dreg:$0x2];
	[bflag:$0x3] =	sbarrier.arrive $0xFFFF;
	s2 =	simm.s32 @!p0 $0x1C09  }
0xb9: {  	[timem:s3], [sflag:s2] =	dma.local @!p0 [hbm:s0], s1  }
0xba: {  	s0 =	simm.s32 @!p0 $0x9  }
0xbb: {  	_ =	swait.ge @!p0 [sflag:s0], s1  }
0xbc: {  	s1 =	ssub.s32 @!p0 $0x0, s1;
	[sflag:s0] =	ssyncset.done @!p0 $0x0  }
0xbd: {  	[sflag:s0] =	ssyncadd.s32 @!p0 s1  }
0xbe: {  	[bflag:$0x3] =	sbarrier.arrive $0xFFFF  }
0xbf: {  	_ =	shalt  }

// kernel: kernel.8.cloned.1.call-start
scs
__scs_entry_jumppad:
0x0: {  	(pc) =	sbr.rel $0x88, $3  }
0x1: {  	(tag) =	ssettag $0x0;
	lr =	simm.s32 $0x1  }
0x2: {  	[smem:$0x3F99] =	sst lr;
	_ =	strace $0xD0000000  }
0x3: {  	_ = 	snop  }
0x4: {  	_ = 	snop  }
0x5: {  	_ = 	snop  }
0x6: {  	_ = 	snop  }
0x7: {  	_ = 	snop  }
__scs_overlays_trampoline_lowered:
0x8: {  	[smem:$0x3FA8] =	sst s0  }
0x9: {  	[smem:$0x3FA9] =	sst s1  }
0xa: {  	[smem:$0x3FAA] =	sst s2  }
0xb: {  	[smem:$0x3FAB] =	sst s3  }
0xc: {  	[smem:$0x3FAC] =	sst s4  }
0xd: {  	[smem:$0x3FAD] =	sst s5  }
0xe: {  	[smem:$0x3FAE] =	sst s6  }
0xf: {  	[smem:$0x3FAF] =	sst s7  }
0x10: {  	[smem:$0x3FB0] =	sst s8  }
0x11: {  	[smem:$0x3FB1] =	sst s9;
	s0 =	simm.s32 @!p0 $0x0  }
0x12: {  	s1 =	sld [smem:$0x3F97];
	s0 =	simm.s32 @p0 $0x1  }
0x13: {  	[smem:$0x3FB2] =	sst s0;
	s0 =	simm.s32 @!p1 $0x0  }
0x14: {  	s2 =	sld [smem:$0x3F96];
	s0 =	simm.s32 @p1 $0x1  }
0x15: {  	[smem:$0x3FB3] =	sst s0;
	s0 =	simm.s32 @!p2 $0x0  }
0x16: {  	s3 =	sld [smem:$0x3FDB];
	s0 =	simm.s32 @p2 $0x1  }
0x17: {  	s4 =	simm.s32 $0x1BF5;
	[smem:$0x3FB5] =	sst s0  }
0x18: {  	s0 =	sld [smem:$0x3F98];
	_ =	swait.ge [sflag:s4], $0x0  }
0x19: {  	s7 =	sld [smem:$0x3F99]  }
0x1a: {  	s8 =	sadd.s32 $0xFFFFE003, lr  }
0x1b: {  	s9 =	sadd.s32 $0xFFFFFEF7, lr;
	s5 =	simm.s32 $0xFFFFFFFF;
	p2 =	slt.u32 s8, $0xFFFFF086  }
0x1c: {  	p1 =	slt.u32 s9, $0xF7A;
	s5 =	simm.s32 @!p2 $0x0  }
0x1d: {  	s5 =	simm.s32 @p1 $0x1;
	p0 =	seq.s32 s7, s2  }
0x1e: {  	s7 =	smul.u32 @!p0 $0xF7A, s2;
	p2 =	seq.s32 @!p0 s5, $0x0  }
0x1f: {  	s9 =	smul.u32 $0xF7A, s1;
	s8 =	simm.s32 @!p0 $0x1BF5;
	p2 =	por !p2, p0  }
0x20: {  	[sflag:s8] =	ssyncset.s32 @!p0 $0xFFFFF086;
	s6 =	sadd.s32 @!p0 s3, s7;
	s7 =	simm.s32 @!p0 $0x108  }
0x21: {  	s3 =	sadd.s32 s3, s9;
	s6 =	sadd.s32 @!p0 $0x88, s6;
	s7 =	simm.s32 @p2 $0x1082  }
0x22: {  	[simem:s7], [sflag:s8] =	dma.local @!p0 [hbm:s6], $0xF7A  }
0x23: {  	s9 =	sor.u32 $0xD0000000, s2;
	s6 =	simm.s32 $0x108;
	_ =	swait.ge @!p0 [sflag:s8], $0x0  }
0x24: {  	s3 =	sadd.s32 $0x88, s3;
	s6 =	simm.s32 @!p1 $0x1082;
	[sflag:s4] =	ssyncset.s32 $0xFFFFF086  }
0x25: {  	[simem:s6], [sflag:s4] =	dma.local [hbm:s3], $0xF7A  }
0x26: {  	[smem:$0x3F99] =	sst s1;
	(tag) =	ssettag s2;
	_ =	strace s9  }
0x27: {  	s1 =	sld [smem:$0x3FA9]  }
0x28: {  	s2 =	sld [smem:$0x3FAA]  }
0x29: {  	s4 =	sld [smem:$0x3FAC]  }
0x2a: {  	p0 =	seq.s32 s5, $0x0;
	s5 =	sld [smem:$0x3FAD]  }
0x2b: {  	s6 =	sld [smem:$0x3FAE]  }
0x2c: {  	s7 =	sld [smem:$0x3FAF]  }
0x2d: {  	s3 =	simm.s32 $0x108;
	s8 =	sld [smem:$0x3FB0]  }
0x2e: {  	s3 =	simm.s32 @!p0 $0x1082;
	s9 =	sld [smem:$0x3FB1]  }
0x2f: {  	lr =	sadd.s32 s0, s3;
	s0 =	sld [smem:$0x3FA8]  }
0x30: {  	s3 =	sld [smem:$0x3FAB]  }
0x31: {  	[smem:$0x3FB4] =	sst s10  }
0x32: {  	s10 =	sld [smem:$0x3FB2];
	_ =	sdelay $0x3  }
0x33: {  	p0 =	seq.s32 s10, $0x1;
	s10 =	sld [smem:$0x3FB4];
	_ =	sdelay $0x3  }
0x34: {  	[smem:$0x3FB4] =	sst s10  }
0x35: {  	s10 =	sld [smem:$0x3FB3];
	_ =	sdelay $0x3  }
0x36: {  	p1 =	seq.s32 s10, $0x1;
	s10 =	sld [smem:$0x3FB4];
	_ =	sdelay $0x3  }
0x37: {  	[smem:$0x3FB4] =	sst s10  }
0x38: {  	s10 =	sld [smem:$0x3FB5]  }
0x39: {  	_ = 	snop;
	(pc) =	sbr.ind lr, $3  }
0x3a: {  	_ = 	snop  }
0x3b: {  	_ = 	snop  }
0x3c: {  	p2 =	seq.s32 s10, $0x1;
	s10 =	sld [smem:$0x3FB4]  }
0x3d: {  	_ =	shalt  }
0x3e: {  	_ =	shalt  }
0x3f: {  	_ =	shalt  }
0x40: {  	_ =	shalt  }
0x41: {  	_ =	shalt  }
0x42: {  	_ =	shalt  }
0x43: {  	_ =	shalt  }
0x44: {  	_ =	shalt  }
0x45: {  	_ =	shalt  }
0x46: {  	_ =	shalt  }
0x47: {  	_ =	shalt  }
0x48: {  	_ =	shalt  }
0x49: {  	_ =	shalt  }
0x4a: {  	_ =	shalt  }
0x4b: {  	_ =	shalt  }
0x4c: {  	_ =	shalt  }
0x4d: {  	_ =	shalt  }
0x4e: {  	_ =	shalt  }
0x4f: {  	_ =	shalt  }
0x50: {  	_ =	shalt  }
0x51: {  	_ =	shalt  }
0x52: {  	_ =	shalt  }
0x53: {  	_ =	shalt  }
0x54: {  	_ =	shalt  }
0x55: {  	_ =	shalt  }
0x56: {  	_ =	shalt  }
0x57: {  	_ =	shalt  }
0x58: {  	_ =	shalt  }
0x59: {  	_ =	shalt  }
0x5a: {  	_ =	shalt  }
0x5b: {  	_ =	shalt  }
0x5c: {  	_ =	shalt  }
0x5d: {  	_ =	shalt  }
0x5e: {  	_ =	shalt  }
0x5f: {  	_ =	shalt  }
0x60: {  	_ =	shalt  }
0x61: {  	_ =	shalt  }
0x62: {  	_ =	shalt  }
0x63: {  	_ =	shalt  }
0x64: {  	_ =	shalt  }
0x65: {  	_ =	shalt  }
0x66: {  	_ =	shalt  }
0x67: {  	_ =	shalt  }
0x68: {  	_ =	shalt  }
0x69: {  	_ =	shalt  }
0x6a: {  	_ =	shalt  }
0x6b: {  	_ =	shalt  }
0x6c: {  	_ =	shalt  }
0x6d: {  	_ =	shalt  }
0x6e: {  	_ =	shalt  }
0x6f: {  	_ =	shalt  }
0x70: {  	_ =	shalt  }
0x71: {  	_ =	shalt  }
0x72: {  	_ =	shalt  }
0x73: {  	_ =	shalt  }
0x74: {  	_ =	shalt  }
0x75: {  	_ =	shalt  }
0x76: {  	_ =	shalt  }
0x77: {  	_ =	shalt  }
0x78: {  	_ =	shalt  }
0x79: {  	_ =	shalt  }
0x7a: {  	_ =	shalt  }
0x7b: {  	_ =	shalt  }
0x7c: {  	_ =	shalt  }
0x7d: {  	_ =	shalt  }
0x7e: {  	_ =	shalt  }
0x7f: {  	_ =	shalt  }
0x80: {  	_ =	shalt  }
0x81: {  	_ =	shalt  }
0x82: {  	_ =	shalt  }
0x83: {  	_ =	shalt  }
0x84: {  	_ =	shalt  }
0x85: {  	_ =	shalt  }
0x86: {  	_ =	shalt  }
0x87: {  	_ =	shalt  }
.Lfunc_end0:
.L_simem_size_0:
called_computation_lowered:
.L_overlay_start_0:
0x88: {  	s2 =	sld [smem:$0x3FD9]  }
0x89: {  	s3 =	sld [smem:$0x3FFE];
	_ =	sdelay $0x1  }
0x8a: {  	s1 =	srdreg.scid  }
0x8b: {  	s0 =	sand.u32 $0x1, s1  }
0x8c: {  	s17 =	sshll.u32 s0, $0xA;
	s2 =	sadd.s32 s3, s2  }
0x8d: {  	s2 =	sadd.s32 s2, s17  }
0x8e: {  	[smem:$0x3FC0] =	sst s2  }
0x8f: {  	_ = 	snop  }
0x90: {  	s2 =	sld [smem:$0x3FC9];
	(tm) =	ssettm $0x1  }
0x91: {  	s18 =	sld [smem:$0x3FFB];
	_ =	sdelay $0x3  }
0x92: {  	_ =	strace s18  }
0x93: {  	s3 =	sld [smem:$0x3FFC];
	_ =	sdelay $0x3  }
0x94: {  	_ =	strace s3  }
0x95: {  	s3 =	sld [smem:$0x3FFD];
	_ =	sdelay $0x3  }
0x96: {  	_ =	strace s3  }
0x97: {  	_ =	strace $0x8FFFFFFF  }
0x98: {  	s19 =	sld [smem:$0x3FDB];
	_ =	sdelay $0x1  }
0x99: {  	s4 =	simm.s32 $_scs_section_size  }
0x9a: {  	s5 =	simm.s32 $_size__tile_overlayer_lowered;
	s6 =	simm.s32 $_tile_overlayer_lowered  }
0x9b: {  	s22 =	simm.s32 $0x1BFF;
	s21 =	sshll.u32 s6, $0x1;
	s3 =	sadd.s32 s4, s19  }
0x9c: {  	s7 =	simm.s32 $0x0;
	s20 =	sshll.u32 s5, $0x1;
	s5 =	sadd.s32 s21, s3  }
0x9d: {  	[timem:s7], [sflag:s22] =	dma.local [hbm:s5], s20  }
0x9e: {  	_ =	swait.ge [sflag:s22], s20  }
0x9f: {  	s4 =	ssub.s32 $0x0, s20;
	[sflag:s22] =	ssyncset.done $0x0  }
0xa0: {  	[sflag:s22] =	ssyncadd.s32 s4;
	_ =	sdelay $0x1  }
0xa1: {  	s23 =	simm.s32 $0x1B8B  }
0xa2: {  	_ =	swait.ge [sflag:s23], $0x1  }
0xa3: {  	[sflag:s23] =	ssyncset.done $0x0  }
0xa4: {  	s25 =	simm.s32 $0x1B8E;
	s24 =	sld [smem:$0x3FFE];
	[sflag:s23] =	ssyncadd.s32 $0xFFFFFFFF  }
0xa5: {  	s26 =	simm.s32 $execute0_lowered;
	[smem:$0x3FD2] =	sst s25  }
0xa6: {  	s5 =	sshll.u32 s26, $0x1;
	_ =	strace $0x80000046;
	[dreg:$0x1] =	wrdreg $0xFFFFFFFF  }
0xa7: {  	s28 =	simm.s32 $_size_execute0_lowered;
	s3 =	sadd.s32 s3, s5;
	[dreg:$0x0] =	wrdreg $0x0  }
0xa8: {  	s5 =	sshll.u32 s28, $0x1;
	[dreg:$0x2] =	wrdreg s3  }
0xa9: {  	[dreg:$0x3] =	wrdreg s5  }
0xaa: {  	[dreg:$0x4] =	wrdreg $0xC0  }
0xab: {  	_ =	task [dreg:s7], $0x5FFFF  }
0xac: {  	[dreg:$0x1] =	wrdreg $0xFFFFFFFF  }
0xad: {  	[dreg:$0x0] =	wrdreg $0x60  }
0xae: {  	[dreg:$0x2] =	wrdreg s24  }
0xaf: {  	[dreg:$0x3] =	wrdreg s2  }
0xb0: {  	[dreg:$0x4] =	wrdreg $0x6A000  }
0xb1: {  	[dreg:$0x5] =	wrdreg $0x9  }
0xb2: {  	_ =	task.clear_ibuf [dreg:s7], $0x6FFFF;
	_ =	strace $0x90000046  }
0xb3: {  	s29 =	simm.s32 $0x9;
	_ =	strace $0x80000048  }
0xb4: {  	_ =	swait.ge [sflag:s29], $0x1  }
0xb5: {  	[sflag:s29] =	ssyncadd.s32 $0xFFFFFFFF  }
0xb6: {  	_ =	strace $0x90000048  }
0xb7: {  	_ =	sfence  }
0xb8: {  	s30 =	sld [smem:$0x0];
	_ =	sdelay $0x2  }
0xb9: {  	s31 =	sshll.u32 s1, $0xD;
	s1 =	sshrl.u32 s1, $0x2  }
0xba: {  	s3 =	sand.u32 $0x4000, s31;
	s1 =	sadd.s32 s1, s30  }
0xbb: {  	s0 =	sor.u32 s3, s0;
	s1 =	sshll.u32 s1, $0x11  }
0xbc: {  	s0 =	sor.u32 s1, s0  }
0xbd: {  	s0 =	sadd.s32 $0x8F2B, s0  }
0xbe: {  	[sflag:s0] =	ssyncadd.remote.s32 $0x1  }
0xbf: {  	_ =	sfence.sel $0xFFFF  }
0xc0: {  	[dreg:$0x0] =	wrdreg $0xFFFFFFFF;
	(pc) =	sbr.abs _section_cstart, $3  }
0xc1: {  	[dreg:$0x1] =	wrdreg $0xFFFFFFFF  }
0xc2: {  	_ =	task.clear_ibuf [dreg:s7], $0x2FFFF;
	_ =	strace $0x9FFFFFFF  }
0xc3: {  	(tm) =	ssettm $0x7FFFFFFF  }
tec
execute0_lowered:
.L_overlay_start_1:
0x0: {  	(tag) =	ssettag $0x1  }
0x1: {  	s0 =	rddreg [dreg:$0x0]  }
0x2: {  	s1 =	rddreg [dreg:$0x1]  }
0x3: {  	s2 =	rddreg [dreg:$0x2];
	s3 =	simm.s32 $0x0;
	s4 =	srdreg.scid  }
0x4: {  	s14 =	stileid.u32;
	s28 =	simm.s32 $0x80;
	s29 =	simm.s32 $0x1  }
0x5: {  	s30 =	simm.s32 $0x2;
	s31 =	simm.s32 $0x4100;
	[smem:$0x7FF] =	sst s3  }
0x6: {  	s5 =	sadd.s32 $0x2400, s0;
	s6 =	sadd.s32 $0xC200, s0;
	s4 =	sand.u32 $0x1, s4  }
0x7: {  	s7 =	smul.u32 $0x2800, s14;
	s8 =	sadd.s32 $0xC800, s0;
	s10 =	sadd.s32 $0xD000, s0  }
0x8: {  	s18 =	smul.u32 $0x50000, s14;
	s21 =	sshll.u32 s14, $0x6;
	_ =	strace $0x80000047  }
0x9: {  	[dreg:$0x4] =	wrdreg s8;
	s17 =	smul.u32 $0x28000, s4;
	s9 =	sshll.u32 s4, $0x4  }
0xa: {  	s19 =	ssub.s32 $0x2, s4;
	s4 =	smul.u32 $0x27100, s4;
	s9 =	sor.u32 s14, s9  }
0xb: {  	[dreg:$0x5] =	wrdreg s10;
	s12 =	sshrl.u32 s19, $0x1;
	s11 =	smul.u32 $0x2710, s9  }
0xc: {  	s10 =	sshrl.u32 s18, $0x2;
	s7 =	sadd.s32 s7, s17;
	s13 =	smul.u32 $0x140, s9  }
0xd: {  	s12 =	ssub.s32 s19, s12;
	s10 =	sadd.s32 s10, s2;
	s9 =	smul.u32 $0x1400, s9  }
0xe: {  	s7 =	sadd.s32 s7, s0;
	s0 =	sadd.s32 $0xF800, s0;
	[dreg:$0x6] =	wrdreg s10  }
0xf: {  	s10 =	sor.u32 $0x1C05, s21;
	s12 =	smax.u32 s12, $0x1;
	s21 =	smul.u32 $0x2710, s14  }
0x10: {  	s20 =	sshrl.u32 s11, $0x3;
	s24 =	sshrl.u32 s13, $0x3;
	s7 =	sadd.s32 $0x37800, s7  }
0x11: {  	s26 =	sadd.s32 $0x50, s13;
	[dreg:$0xb] =	wrdreg s12;
	s9 =	sadd.s32 s0, s9  }
0x12: {  	s16 =	sadd.s32 $0xA0, s13;
	s11 =	simm.s32 $0x0;
	[dreg:$0x9] =	wrdreg s7  }
0x13: {  	s8 =	sadd.s32 s5, s20;
	s25 =	sadd.s32 s6, s24;
	[dreg:$0xc] =	wrdreg s9  }
0x14: {  	s15 =	sshrl.u32 s26, $0x3;
	s7 =	sshll.u32 s26, $0x4;
	s20 =	sshrl.u32 s16, $0x3  }
0x15: {  	s9 =	sshll.u32 s16, $0x4;
	s4 =	sadd.s32 s21, s4;
	s22 =	sadd.s32 $0x10, s8  }
0x16: {  	s23 =	sadd.s32 $0x4E0, s8;
	[dreg:$0xa] =	wrdreg s25;
	s17 =	sadd.s32 s6, s15  }
0x17: {  	s18 =	sadd.s32 s0, s7;
	s19 =	sadd.s32 s6, s20;
	s25 =	sadd.s32 $0x180, s4  }
0x18: {  	s21 =	sadd.s32 s0, s9;
	s7 =	simm.s32 $0x4200;
	[dreg:$0x7] =	wrdreg s22  }
0x19: {  	s9 =	simm.s32 $0x4;
	[dreg:$0x8] =	wrdreg s23;
	s22 =	sadd.s32 $0xF0, s13  }
0x1a: {  	s26 =	sshrl.u32 s25, $0x3;
	s23 =	sshrl.u32 s22, $0x3;
	s24 =	sshll.u32 s22, $0x4  }
0x1b: {  	s25 =	simm.s32 $0x5;
	s20 =	sadd.s32 s6, s23;
	s22 =	sadd.s32 s0, s24  }
0x1c: {  	s23 =	sadd.s32 s26, s5;
	s24 =	sadd.s32 $0x100, s4;
	s26 =	simm.s32 $0x100  }
0x1d: {  	s4 =	simm.s32 $0x4180;
	s0 =	simm.s32 $0x3;
	s6 =	simm.s32 $0x50  }
.LBB2_1:
0x1e: {  	s12 =	rddreg [dreg:$0x6]  }
0x1f: {  	s13 =	rddreg [dreg:$0x5];
	s12 =	sshrl.u32 s12, $0x3  }
0x20: {  	[spmem:s12], [sflag:s10] =	dma.local [hbm:s13], $0x2800  }
0x21: {  	_ =	swait.ge [sflag:s25], $0x2800  }
0x22: {  	[sflag:s25] =	ssyncset.done $0x0  }
0x23: {  	s14 =	rddreg [dreg:$0x4];
	[sflag:s25] =	ssyncadd.s32 $0xFFFFD800  }
0x24: {  	[tilespmem:s26], [sflag:$0x5] =	stream.linear.gather [hbm4b:s14+s3], $0x4000, $0x38;
	[tilespmem:$0x1AA00] =	vst v63  }
0x25: {  	_ =	swait.ge [sflag:s25], $0x4000  }
0x26: {  	[sflag:s25] =	ssyncset.done $0x0  }
0x27: {  	[sflag:s25] =	ssyncadd.s32 $0xFFFFC000  }
0x28: {  	[bflag:$0x0] =	sbarrier.arrive $0xFFFF  }
0x29: {  	[tilespmem:s3], [sflag:$0x1] =	stream.linear.gather [hbm4b:s8+s3], $0x80, $0x38;
	[tilespmem:$0x1AA00] =	vst v63  }
0x2a: {  	s15 =	rddreg [dreg:$0x7]  }
0x2b: {  	[tilespmem:s28], [sflag:$0x2] =	stream.linear.gather [hbm4b:s15+s3], $0x80, $0x38;
	[tilespmem:$0x1AA00] =	vst v63  }
0x2c: {  	_ =	swait.ge [sflag:s29], $0x80  }
0x2d: {  	[sflag:s29] =	ssyncset.done $0x0  }
0x2e: {  	[sflag:s29] =	ssyncadd.s32 $0xFFFFFF80  }
0x2f: {  	[spmem:s2] =	stream.indirect.scatter.add.f32 [tilespmem:s26], [sflag:$0x5], $0x80, s3, s28, $0xb8;
	[tilespmem:$0x1AA00] =	vst v63  }
0x30: {  	_ =	swait.ge [sflag:s25], $0x4000  }
0x31: {  	s16 =	sshrl.u32 s24, $0x3;
	[sflag:s25] =	ssyncset.done $0x0  }
0x32: {  	s13 =	sadd.s32 s5, s16;
	[sflag:s25] =	ssyncadd.s32 $0xFFFFC000  }
0x33: {  	[tilespmem:s3], [sflag:$0x1] =	stream.linear.gather [hbm4b:s13+s3], $0x80, $0x38;
	[tilespmem:$0x1AA00] =	vst v63  }
0x34: {  	_ =	swait.ge [sflag:s30], $0x80  }
0x35: {  	[sflag:s30] =	ssyncset.done $0x0  }
0x36: {  	[sflag:s30] =	ssyncadd.s32 $0xFFFFFF80  }
0x37: {  	[spmem:s2] =	stream.indirect.scatter.add.f32 [tilespmem:s26], [sflag:$0x5], $0x80, s28, s28, $0xb8;
	[tilespmem:$0x1AA00] =	vst v63  }
0x38: {  	_ =	swait.ge [sflag:s25], $0x4000  }
0x39: {  	s14 =	sadd.s32 $0x100, s24;
	[sflag:s25] =	ssyncset.done $0x0  }
0x3a: {  	s15 =	sadd.s32 $0x0, s23;
	s13 =	simm.s32 $0x20;
	[sflag:s25] =	ssyncadd.s32 $0xFFFFC000  }
.LBB2_2:
0x3b: {  	[tilespmem:s28], [sflag:$0x2] =	stream.linear.gather [hbm4b:s15+s3], $0x80, $0x38;
	[tilespmem:$0x1AA00] =	vst v63  }
0x3c: {  	s15 =	smov.u32 s13  }
0x3d: {  	p0 =	sne.s32 s13, $0x4A0;
	s13 =	sadd.s32 $0x20, s13;
	_ =	swait.ge [sflag:s29], $0x80  }
0x3e: {  	[sflag:s29] =	ssyncset.done $0x0  }
0x3f: {  	[sflag:s29] =	ssyncadd.s32 $0xFFFFFF80  }
0x40: {  	[spmem:s2] =	stream.indirect.scatter.add.f32 [tilespmem:s26], [sflag:$0x5], $0x80, s3, s28, $0xb8;
	[tilespmem:$0x1AA00] =	vst v63  }
0x41: {  	_ =	swait.ge [sflag:s25], $0x4000  }
0x42: {  	s16 =	sshrl.u32 s14, $0x3;
	[sflag:s25] =	ssyncset.done $0x0  }
0x43: {  	s16 =	sadd.s32 s5, s16;
	[sflag:s25] =	ssyncadd.s32 $0xFFFFC000  }
0x44: {  	[tilespmem:s3], [sflag:$0x1] =	stream.linear.gather [hbm4b:s16+s3], $0x80, $0x38;
	[tilespmem:$0x1AA00] =	vst v63  }
0x45: {  	_ =	swait.ge [sflag:s30], $0x80  }
0x46: {  	[sflag:s30] =	ssyncset.done $0x0  }
.Ltmp0:
0x47: {  	[sflag:s30] =	ssyncadd.s32 $0xFFFFFF80;
	(pc) =	sbr.rel @p0 .LBB2_2-.Ltmp0, $4  }
0x48: {  	[spmem:s2] =	stream.indirect.scatter.add.f32 [tilespmem:s26], [sflag:$0x5], $0x80, s28, s28, $0xb8;
	[tilespmem:$0x1AA00] =	vst v63  }
0x49: {  	_ =	swait.ge [sflag:s25], $0x4000  }
0x4a: {  	[sflag:s25] =	ssyncset.done $0x0  }
0x4b: {  	s14 =	sadd.s32 $0x100, s14;
	s15 =	sadd.s32 s15, s23;
	[sflag:s25] =	ssyncadd.s32 $0xFFFFC000  }
0x4c: {  	[tilespmem:s28], [sflag:$0x2] =	stream.linear.gather [hbm4b:s15+s3], $0x80, $0x38;
	[tilespmem:$0x1AA00] =	vst v63  }
0x4d: {  	_ =	swait.ge [sflag:s29], $0x80  }
0x4e: {  	[sflag:s29] =	ssyncset.done $0x0  }
0x4f: {  	[sflag:s29] =	ssyncadd.s32 $0xFFFFFF80  }
0x50: {  	[spmem:s2] =	stream.indirect.scatter.add.f32 [tilespmem:s26], [sflag:$0x5], $0x80, s3, s28, $0xb8;
	[tilespmem:$0x1AA00] =	vst v63  }
0x51: {  	_ =	swait.ge [sflag:s25], $0x4000  }
0x52: {  	[sflag:s25] =	ssyncset.done $0x0  }
0x53: {  	[sflag:s25] =	ssyncadd.s32 $0xFFFFC000  }
0x54: {  	_ =	swait.ge [sflag:s30], $0x80  }
0x55: {  	[sflag:s30] =	ssyncset.done $0x0  }
0x56: {  	[sflag:s30] =	ssyncadd.s32 $0xFFFFFF80  }
0x57: {  	[spmem:s2] =	stream.indirect.scatter.add.f32 [tilespmem:s26], [sflag:$0x5], $0x80, s28, s28, $0xb8;
	[tilespmem:$0x1AA00] =	vst v63  }
0x58: {  	_ =	swait.ge [sflag:s25], $0x4000  }
0x59: {  	[sflag:s25] =	ssyncset.done $0x0  }
0x5a: {  	s13 =	rddreg [dreg:$0x8];
	[sflag:s25] =	ssyncadd.s32 $0xFFFFC000  }
0x5b: {  	[tilespmem:s31], [sflag:$0x1] =	stream.linear.gather [hbm4b:s13+s3], $0x10, $0x38;
	[tilespmem:$0x1AA00] =	vst v63  }
0x5c: {  	_ =	swait.ge [sflag:s29], $0x10  }
0x5d: {  	[sflag:s29] =	ssyncset.done $0x0  }
0x5e: {  	s15 =	simm.s32 $0x10;
	[sflag:s29] =	ssyncadd.s32 $0xFFFFFFF0  }
0x5f: {  	[spmem:s2] =	stream.indirect.scatter.add.f32 [tilespmem:s26], [sflag:$0x5], $0x80, s31, s15, $0xb8;
	[tilespmem:$0x1AA00] =	vst v63  }
0x60: {  	_ =	swait.ge [sflag:s25], $0x800  }
0x61: {  	[sflag:s25] =	ssyncset.done $0x0  }
0x62: {  	s16 =	rddreg [dreg:$0xa];
	[sflag:s25] =	ssyncadd.s32 $0xFFFFF800  }
0x63: {  	[tilespmem:s4], [sflag:$0x3] =	stream.linear.gather [hbm4b:s16+s3], $0x50, $0x38;
	[tilespmem:$0x1AA00] =	vst v63  }
0x64: {  	_ =	swait.ge [sflag:s0], $0x50  }
0x65: {  	[sflag:s0] =	ssyncset.done $0x0  }
0x66: {  	[sflag:s0] =	ssyncadd.s32 $0xFFFFFFB0  }
0x67: {  	[tilespmem:s7], [sflag:$0x4] =	stream.indirect.gather [hbm4b:s1+s6], $0x80, s4, s6, $0xb8;
	[tilespmem:$0x1AA00] =	vst v63  }
0x68: {  	_ =	swait.ge [sflag:s9], $0x2800  }
0x69: {  	[sflag:s9] =	ssyncset.done $0x0  }
0x6a: {  	s14 =	rddreg [dreg:$0xc];
	[sflag:s9] =	ssyncadd.s32 $0xFFFFD800  }
0x6b: {  	[hbm4b:s14+s3] =	stream.linear.scatter [tilespmem:s7], [sflag:$0x5], $0x2800, $0x38;
	[tilespmem:$0x1AA00] =	vst v63  }
0x6c: {  	_ =	swait.ge [sflag:s25], $0x2800  }
0x6d: {  	[sflag:s25] =	ssyncset.done $0x0  }
0x6e: {  	[sflag:s25] =	ssyncadd.s32 $0xFFFFD800  }
0x6f: {  	[tilespmem:s4], [sflag:$0x3] =	stream.linear.gather [hbm4b:s17+s3], $0x50, $0x38;
	[tilespmem:$0x1AA00] =	vst v63  }
0x70: {  	_ =	swait.ge [sflag:s0], $0x50  }
0x71: {  	[sflag:s0] =	ssyncset.done $0x0  }
0x72: {  	[sflag:s0] =	ssyncadd.s32 $0xFFFFFFB0  }
0x73: {  	[tilespmem:s7], [sflag:$0x4] =	stream.indirect.gather [hbm4b:s1+s6], $0x80, s4, s6, $0xb8;
	[tilespmem:$0x1AA00] =	vst v63  }
0x74: {  	_ =	swait.ge [sflag:s9], $0x2800  }
0x75: {  	[sflag:s9] =	ssyncset.done $0x0  }
0x76: {  	[sflag:s9] =	ssyncadd.s32 $0xFFFFD800  }
0x77: {  	[hbm4b:s18+s3] =	stream.linear.scatter [tilespmem:s7], [sflag:$0x5], $0x2800, $0x38;
	[tilespmem:$0x1AA00] =	vst v63  }
0x78: {  	_ =	swait.ge [sflag:s25], $0x2800  }
0x79: {  	[sflag:s25] =	ssyncset.done $0x0  }
0x7a: {  	[sflag:s25] =	ssyncadd.s32 $0xFFFFD800  }
0x7b: {  	[tilespmem:s4], [sflag:$0x3] =	stream.linear.gather [hbm4b:s19+s3], $0x50, $0x38;
	[tilespmem:$0x1AA00] =	vst v63  }
0x7c: {  	_ =	swait.ge [sflag:s0], $0x50  }
0x7d: {  	[sflag:s0] =	ssyncset.done $0x0  }
0x7e: {  	[sflag:s0] =	ssyncadd.s32 $0xFFFFFFB0  }
0x7f: {  	[tilespmem:s7], [sflag:$0x4] =	stream.indirect.gather [hbm4b:s1+s6], $0x80, s4, s6, $0xb8;
	[tilespmem:$0x1AA00] =	vst v63  }
0x80: {  	_ =	swait.ge [sflag:s9], $0x2800  }
0x81: {  	[sflag:s9] =	ssyncset.done $0x0  }
0x82: {  	[sflag:s9] =	ssyncadd.s32 $0xFFFFD800  }
0x83: {  	[hbm4b:s21+s3] =	stream.linear.scatter [tilespmem:s7], [sflag:$0x5], $0x2800, $0x38;
	[tilespmem:$0x1AA00] =	vst v63  }
0x84: {  	_ =	swait.ge [sflag:s25], $0x2800  }
0x85: {  	[sflag:s25] =	ssyncset.done $0x0  }
0x86: {  	[sflag:s25] =	ssyncadd.s32 $0xFFFFD800  }
0x87: {  	[tilespmem:s4], [sflag:$0x3] =	stream.linear.gather [hbm4b:s20+s3], $0x50, $0x38;
	[tilespmem:$0x1AA00] =	vst v63  }
0x88: {  	_ =	swait.ge [sflag:s0], $0x50  }
0x89: {  	[sflag:s0] =	ssyncset.done $0x0  }
0x8a: {  	[sflag:s0] =	ssyncadd.s32 $0xFFFFFFB0  }
0x8b: {  	[tilespmem:s7], [sflag:$0x4] =	stream.indirect.gather [hbm4b:s1+s6], $0x80, s4, s6, $0xb8;
	[tilespmem:$0x1AA00] =	vst v63  }
0x8c: {  	_ =	swait.ge [sflag:s9], $0x2800  }
0x8d: {  	[sflag:s9] =	ssyncset.done $0x0  }
0x8e: {  	[sflag:s9] =	ssyncadd.s32 $0xFFFFD800  }
0x8f: {  	[hbm4b:s22+s3] =	stream.linear.scatter [tilespmem:s7], [sflag:$0x5], $0x2800, $0x38;
	[tilespmem:$0x1AA00] =	vst v63  }
0x90: {  	_ =	swait.ge [sflag:s25], $0x2800  }
0x91: {  	[sflag:s25] =	ssyncset.done $0x0  }
0x92: {  	[sflag:s25] =	ssyncadd.s32 $0xFFFFD800  }
0x93: {  	[bflag:$0x0] =	sbarrier.arrive $0xFFFF  }
0x94: {  	s15 =	rddreg [dreg:$0x9]  }
0x95: {  	[hbm:s15], [sflag:s10] =	dma.local [spmem:s12], $0x2800  }
0x96: {  	_ =	swait.ge [sflag:s25], $0x2800  }
0x97: {  	s11 =	sadd.s32 $0x1, s11;
	s16 =	rddreg [dreg:$0xb]  }
0x98: {  	p0 =	sne.s32 s11, s16  }
.Ltmp1:
0x99: {  	_ = 	snop;
	(pc) =	sbr.rel @p0 .LBB2_1-.Ltmp1, $3  }
0x9a: {  	_ =	sdelay $0x1  }
0x9b: {  	[sflag:s25] =	ssyncset.done $0x0  }
0x9c: {  	[sflag:s25] =	ssyncadd.s32 $0xFFFFD800  }
0x9d: {  	_ =	sfence.sel $0x180000  }
0x9e: {  	[bflag:$0x0] =	sbarrier.arrive $0xFFFF  }
0x9f: {  	_ =	strace $0x90000047  }
0xa0: {  	s0 =	stileid.u32;
	[bflag:$0x2] =	sbarrier.arrive $0xFFFF  }
0xa1: {  	p0 =	sne.s32 s0, $0x0;
	s0 =	rddreg [dreg:$0x3]  }
0xa2: {  	s0 =	sadd.s32 @!p0 $0x100000, s0  }
0xa3: {  	[sflag:s0] =	ssyncadd.tile.s32 @!p0 $0x1;
	_ =	shalt  }
.Lfunc_end2:
_tile_overlayer_lowered:
.L_overlay_start_2:
0xa4: {  	(tag) =	ssettag $0x2  }
0xa5: {  	s0 =	rddreg [dreg:$0x0];
	s2 =	stileid.u32  }
0xa6: {  	s1 =	rddreg [dreg:$0x1];
	p0 =	sne.s32 s2, $0x0  }
0xa7: {  	s3 =	rddreg [dreg:$0x2];
	[bflag:$0x3] =	sbarrier.arrive $0xFFFF;
	s2 =	simm.s32 @!p0 $0x1C05  }
0xa8: {  	[timem:s3], [sflag:s2] =	dma.local @!p0 [hbm:s0], s1  }
0xa9: {  	s0 =	simm.s32 @!p0 $0x5  }
0xaa: {  	_ =	swait.ge @!p0 [sflag:s0], s1  }
0xab: {  	s1 =	ssub.s32 @!p0 $0x0, s1;
	[sflag:s0] =	ssyncset.done @!p0 $0x0  }
0xac: {  	[sflag:s0] =	ssyncadd.s32 @!p0 s1  }
0xad: {  	[bflag:$0x3] =	sbarrier.arrive $0xFFFF  }
0xae: {  	_ =	shalt  }

</sc_bundles>
